<compile_context>
chip_gen: v7x
topology: tpu7x:2x2x1
jax: 0.10.2.dev20260603
libtpu: 0.0.44.dev20260713+nightly
codegen_flags: <defaults>
</compile_context>

<pallas_src>
import functools

import jax
import jax.numpy as jnp
from jax import lax
from jax.experimental import pallas as pl
from jax.experimental.pallas import tpu as pltpu
from jax.experimental.pallas import tpu_sc as plsc

H = 8
D = 16
HD = H * D
CLAMP = 5.0

NC = 2
NS = 16
NW = NC * NS



def _tc1_body(x_ref, wqt, wkt, wvt, bq, bk, bv, m, awm128, kf_o, qf_o, vpk_o,
              qv2_o, tka_o, tqa_o):
    xb = x_ref[...]
    kf = jnp.dot(xb, wkt[...], preferred_element_type=jnp.float32) + bk[...]
    qf = jnp.dot(xb, wqt[...], preferred_element_type=jnp.float32) + bq[...]
    vf = jnp.dot(xb, wvt[...], preferred_element_type=jnp.float32) + bv[...]
    kf_o[...] = kf
    qf_o[...] = qf
    vpk_o[...] = vf + jnp.dot(kf, m[...], preferred_element_type=jnp.float32)
    qv2_o[...] = jnp.dot(qf, m[...], preferred_element_type=jnp.float32)
    tka_o[...] = jnp.dot(kf, awm128[...], preferred_element_type=jnp.float32)
    tqa_o[...] = jnp.dot(qf, awm128[...], preferred_element_type=jnp.float32)


def _tc1(x, wqt, wkt, wvt, bq, bk, bv, m, awm128, nb):
    n = x.shape[0]
    blk = n // nb
    full = lambda s: pl.BlockSpec(s, lambda i: (0,) * len(s))
    row = pl.BlockSpec((blk, HD), lambda i: (i, 0))
    f = jnp.float32
    return pl.pallas_call(
        _tc1_body,
        grid=(nb,),
        in_specs=[row, full((HD, HD)), full((HD, HD)), full((HD, HD)),
                  full((1, HD)), full((1, HD)), full((1, HD)),
                  full((HD, HD)), full((HD, HD))],
        out_specs=[row, row, row, row, row, row],
        out_shape=[jax.ShapeDtypeStruct((n, HD), f)] * 6,
    )(x, wqt, wkt, wvt, bq, bk, bv, m, awm128)



def _tc2_body(ea_ref, we1t, we2t, be1, be2, m, awm, s2_o, s2v_o, eaa_o):
    eb = ea_ref[...]
    ex1 = jnp.dot(eb, we1t[...], preferred_element_type=jnp.float32) + be1[...]
    ex2 = jnp.dot(eb, we2t[...], preferred_element_type=jnp.float32) + be2[...]
    p2 = ex1 * ex2
    s2 = jnp.sign(p2) * jnp.sqrt(jnp.abs(p2))
    s2_o[...] = s2
    s2v_o[...] = jnp.dot(s2, m[...], preferred_element_type=jnp.float32)
    eaa_o[...] = jnp.dot(s2, awm[...], preferred_element_type=jnp.float32)


def _tc2(eattr, we1t, we2t, be1, be2, m, awm, nb):
    e = eattr.shape[0]
    blk = e // nb
    full = lambda s: pl.BlockSpec(s, lambda i: (0,) * len(s))
    row = pl.BlockSpec((blk, HD), lambda i: (i, 0))
    row16 = pl.BlockSpec((blk, 16), lambda i: (i, 0))
    f = jnp.float32
    return pl.pallas_call(
        _tc2_body,
        grid=(nb,),
        in_specs=[row, full((HD, HD)), full((HD, HD)), full((1, HD)),
                  full((1, HD)), full((HD, HD)), full((HD, 16))],
        out_specs=[row, row, row16],
        out_shape=[jax.ShapeDtypeStruct((e, HD), f),
                   jax.ShapeDtypeStruct((e, HD), f),
                   jax.ShapeDtypeStruct((e, 16), f)],
    )(eattr, we1t, we2t, be1, be2, m, awm)



def _sca(src_i, dst_i, tka, tqa, ea16):
    e = src_i.shape[0]
    n = tka.shape[0]
    ew = e // NW
    ca = 40
    nchunks = ew // ca
    ncopy = 10
    rows_per_sub = n // ncopy
    f = jnp.float32
    mesh = plsc.VectorSubcoreMesh(core_axis_name="c", subcore_axis_name="s")

    @functools.partial(
        pl.kernel, mesh=mesh,
        out_type=[jax.ShapeDtypeStruct((e, 16), f),
                  jax.ShapeDtypeStruct((NC, n, HD), f)],
        scratch_types=[
            pltpu.VMEM((ca,), jnp.int32),
            pltpu.VMEM((ca,), jnp.int32),
            pltpu.VMEM((ca, HD), f),
            pltpu.VMEM((ca, HD), f),
            pltpu.VMEM((ca, 16), f),
            pltpu.VMEM((ca,), jnp.int32),
            pltpu.VMEM((ca,), jnp.int32),
            pltpu.VMEM((ca, HD), f),
            pltpu.VMEM((ca, HD), f),
            pltpu.VMEM((ca, 16), f),
            pltpu.VMEM((ca, HD), f),
            pltpu.VMEM((ca, 16), f),
            pltpu.VMEM_SHARED((n, HD), f),
            pltpu.SemaphoreType.DMA,
            pltpu.SemaphoreType.DMA,
        ],
    )
    def k(src_h, dst_h, tka_h, tqa_h, ea_h, p_o, den_o,
          idx_s0, idx_d0, tka_b0, tqa_b0, ea_b0,
          idx_s1, idx_d1, tka_b1, tqa_b1, ea_b1,
          p_b, p16_b, den_acc, semA, semB):
        c = lax.axis_index("c")
        s = lax.axis_index("s")
        wid = s * NC + c
        mask = jnp.where(lax.iota(jnp.int32, 16) < 8, 1.0, 0.0).astype(f)
        sets = ((idx_s0, idx_d0, tka_b0, tqa_b0, ea_b0, semA),
                (idx_s1, idx_d1, tka_b1, tqa_b1, ea_b1, semB))

        def zrow(j, carry):
            for t in range(H):
                p_b[j, pl.ds(t * 16, 16)] = jnp.zeros((16,), f)
            return carry
        lax.fori_loop(0, ca, zrow, 0)

        @pl.when(s < ncopy)
        def _init():
            for t in range(rows_per_sub // ca):
                pltpu.sync_copy(
                    p_b, den_acc.at[pl.ds(pl.multiple_of(s * rows_per_sub + t * ca, 8), ca)])
        plsc.subcore_barrier()

        def fire(kk, st):
            idx_s, idx_d, tka_b, tqa_b, ea_b, sem = sets[st]
            base = pl.multiple_of(wid * ew + kk * ca, 8)
            pltpu.sync_copy(src_h.at[pl.ds(base, ca)], idx_s)
            pltpu.sync_copy(dst_h.at[pl.ds(base, ca)], idx_d)
            pltpu.async_copy(tka_h.at[idx_s], tka_b, sem)
            pltpu.async_copy(tqa_h.at[idx_d], tqa_b, sem)
            pltpu.async_copy(ea_h.at[pl.ds(base, ca)], ea_b, sem)

        def consume(kk, st):
            idx_s, idx_d, tka_b, tqa_b, ea_b, sem = sets[st]
            base = pl.multiple_of(wid * ew + kk * ca, 8)
            pltpu.make_async_copy(tka_h.at[idx_s], tka_b, sem).wait()
            pltpu.make_async_copy(tqa_h.at[idx_d], tqa_b, sem).wait()
            pltpu.make_async_copy(ea_h.at[pl.ds(base, ca)], ea_b, sem).wait()

            def body(j, cc):
                v = (tka_b[j, pl.ds(0, 16)] + tqa_b[j, pl.ds(0, 16)]
                     + ea_b[j])
                v = jnp.minimum(jnp.maximum(v, -CLAMP), CLAMP)
                pv = jnp.exp(v - CLAMP) * mask
                p_b[j, pl.ds(0, 16)] = pv
                p16_b[j] = pv
                return cc
            lax.fori_loop(0, ca, body, 0)
            pltpu.sync_copy(p16_b, p_o.at[pl.ds(base, ca)])
            pltpu.sync_copy(p_b, den_acc.at[idx_d], add=True)

        fire(0, 0)

        def pair(g, carry):
            k0 = 2 * g
            fire(k0 + 1, 1)
            consume(k0, 0)

            @pl.when(k0 + 2 < nchunks)
            def _pf():
                fire(k0 + 2, 0)
            consume(k0 + 1, 1)
            return carry
        lax.fori_loop(0, nchunks // 2, pair, 0)
        plsc.subcore_barrier()

        @pl.when(s < ncopy)
        def _out():
            pltpu.sync_copy(
                den_acc.at[pl.ds(pl.multiple_of(s * rows_per_sub, 8), rows_per_sub)],
                den_o.at[c, pl.ds(pl.multiple_of(s * rows_per_sub, 8), rows_per_sub)])

    return k(src_i, dst_i, tka, tqa, ea16)



def _scb(src_i, dst_i, kf, qf, vpk, s2, s2v, p):
    e = src_i.shape[0]
    n = kf.shape[0]
    ew = e // NW
    cb = 40
    nchunks = ew // cb
    ncopy = 10
    rows_per_sub = n // ncopy
    f = jnp.float32
    mesh = plsc.VectorSubcoreMesh(core_axis_name="c", subcore_axis_name="s")

    @functools.partial(
        pl.kernel, mesh=mesh,
        out_type=[jax.ShapeDtypeStruct((e, HD), f),
                  jax.ShapeDtypeStruct((NC, n, HD), f)],
        scratch_types=[
            pltpu.VMEM((cb,), jnp.int32),
            pltpu.VMEM((cb,), jnp.int32),
            pltpu.VMEM((cb, HD), f),
            pltpu.VMEM((cb, HD), f),
            pltpu.VMEM((cb, HD), f),
            pltpu.VMEM((cb, HD), f),
            pltpu.VMEM((cb, HD), f),
            pltpu.VMEM((cb, 16), f),
            pltpu.VMEM_SHARED((n, HD), f),
            pltpu.SemaphoreType.DMA,
        ],
    )
    def k(src_h, dst_h, kf_h, qf_h, vpk_h, s2_h, s2v_h, p_h,
          oe_o, acc_o,
          idx_s, idx_d, kf_b, qf_b, vpk_b, s2_b, s2v_b, p_b,
          acc, sem):
        c = lax.axis_index("c")
        s = lax.axis_index("s")
        wid = s * NC + c

        @pl.when(s < ncopy)
        def _init():
            def zrow(j, carry):
                for t in range(H):
                    vpk_b[j, pl.ds(t * 16, 16)] = jnp.zeros((16,), f)
                return carry
            lax.fori_loop(0, cb, zrow, 0)
            for t in range(rows_per_sub // cb):
                pltpu.sync_copy(
                    vpk_b, acc.at[pl.ds(pl.multiple_of(s * rows_per_sub + t * cb, 8), cb)])
        plsc.subcore_barrier()

        def chunk(kk, carry):
            base = pl.multiple_of(wid * ew + kk * cb, 8)
            pltpu.sync_copy(src_h.at[pl.ds(base, cb)], idx_s)
            pltpu.sync_copy(dst_h.at[pl.ds(base, cb)], idx_d)
            d1 = pltpu.async_copy(kf_h.at[idx_s], kf_b, sem)
            d2 = pltpu.async_copy(qf_h.at[idx_d], qf_b, sem)
            d3 = pltpu.async_copy(vpk_h.at[idx_s], vpk_b, sem)
            d4 = pltpu.async_copy(s2_h.at[pl.ds(base, cb)], s2_b, sem)
            d5 = pltpu.async_copy(s2v_h.at[pl.ds(base, cb)], s2v_b, sem)
            d6 = pltpu.async_copy(p_h.at[pl.ds(base, cb)], p_b, sem)
            d1.wait()
            d2.wait()
            d3.wait()
            d4.wait()
            d5.wait()
            d6.wait()

            def ebody(j, cc):
                pv = p_b[j]
                for h in range(H):
                    sl = pl.ds(h * D, 16)
                    kf_b[j, sl] = kf_b[j, sl] + qf_b[j, sl] + s2_b[j, sl]
                    w = jnp.full((16,), pv[h], f)
                    vpk_b[j, sl] = w * (vpk_b[j, sl] + s2v_b[j, sl])
                return cc
            lax.fori_loop(0, cb, ebody, 0)

            pltpu.sync_copy(kf_b, oe_o.at[pl.ds(base, cb)])
            pltpu.sync_copy(vpk_b, acc.at[idx_d], add=True)
            return carry
        lax.fori_loop(0, nchunks, chunk, 0)
        plsc.subcore_barrier()

        @pl.when(s < ncopy)
        def _out():
            pltpu.sync_copy(
                acc.at[pl.ds(pl.multiple_of(s * rows_per_sub, 8), rows_per_sub)],
                acc_o.at[c, pl.ds(pl.multiple_of(s * rows_per_sub, 8), rows_per_sub)])

    return k(src_i, dst_i, kf, qf, vpk, s2, s2v, p)



def _tc3_body(a0, a1, d0, d1, qv2, r, out):
    den16 = d0[:, :16] + d1[:, :16]
    d128 = jnp.dot(den16, r[...], preferred_element_type=jnp.float32)
    inv = 1.0 / (d128 + 1e-16)
    out[...] = (a0[...] + a1[...]) * inv + (d128 * inv) * qv2[...]


def _tc3(acc0, acc1, den0, den1, qv2, r, nb):
    n = acc0.shape[0]
    blk = n // nb
    full = lambda s: pl.BlockSpec(s, lambda i: (0,) * len(s))
    row = pl.BlockSpec((blk, HD), lambda i: (i, 0))
    return pl.pallas_call(
        _tc3_body,
        grid=(nb,),
        in_specs=[row, row, row, row, row, full((16, HD))],
        out_specs=row,
        out_shape=jax.ShapeDtypeStruct((n, HD), jnp.float32),
    )(acc0, acc1, den0, den1, qv2, r)



def kernel(x, edge_attr, WQ, bQ, WK, bK, WE, bE, WV, bV, Aw, VeRow, edge_index):
    n = x.shape[0]
    e = edge_attr.shape[0]
    f = jnp.float32

    wqt, wkt, wvt = WQ.T, WK.T, WV.T
    we_r = WE.reshape(H, 2, D, HD)
    we1t = we_r[:, 0].reshape(HD, HD).T
    we2t = we_r[:, 1].reshape(HD, HD).T
    be_r = bE.reshape(H, 2, D)
    be1 = be_r[:, 0].reshape(1, HD)
    be2 = be_r[:, 1].reshape(1, HD)
    eye8 = jnp.eye(H, dtype=f)
    m = jnp.einsum('dhc,hg->hdgc', VeRow, eye8).reshape(HD, HD)
    awm = jnp.einsum('dh,hg->hdg', Aw[:, :, 0], eye8).reshape(HD, H)
    awm = jnp.concatenate([awm, jnp.zeros((HD, H), f)], axis=1)
    awm128 = jnp.concatenate([awm, jnp.zeros((HD, HD - 16), f)], axis=1)
    r = jnp.concatenate(
        [jnp.kron(eye8, jnp.ones((1, D), f)), jnp.zeros((H, HD), f)], axis=0)
    bq = bQ.reshape(1, HD)
    bk = bK.reshape(1, HD)
    bv = bV.reshape(1, HD)
    src_i = edge_index[0]
    dst_i = edge_index[1]

    kf, qf, vpk, qv2, tka, tqa = _tc1(x, wqt, wkt, wvt, bq, bk, bv, m,
                                      awm128, 5)
    s2, s2v, ea16 = _tc2(edge_attr, we1t, we2t, be1, be2, m, awm, 160)
    p, denp = _sca(src_i, dst_i, tka, tqa, ea16)
    oe, accp = _scb(src_i, dst_i, kf, qf, vpk, s2, s2v, p)
    ov = _tc3(accp[0], accp[1], denp[0], denp[1], qv2, r, 5)
    return (ov, oe)

# --- scband reference (transcript-rebuilt; emitter-appended) ---
"""Pipeline reference for scband-additive-attn-4947802325395 (READ-ONLY COPY).

The authoritative reference and input builder live on the scoring server;
editing this copy changes nothing except your own understanding.
"""

import jax, jax.numpy as jnp
import numpy as np

N = 10000
E_EDGES = 320000
IN_DIM = 128
H = 8
D = 16
CLAMP = 5.0


def _xavier(key, shape, fan_in, fan_out):
    std = (2.0 / (fan_in + fan_out)) ** 0.5
    return jax.random.normal(key, shape, dtype=jnp.float32) * std


def setup_inputs(seed: int = 0) -> dict:
    key = jax.random.key(seed)
    ks = jax.random.split(key, 16)
    x = jax.random.normal(ks[0], (N, IN_DIM), dtype=jnp.float32)
    edge_index = jax.random.randint(ks[1], (2, E_EDGES), 0, N, dtype=jnp.int32)
    edge_attr = jax.random.normal(ks[2], (E_EDGES, IN_DIM), dtype=jnp.float32)
    WQ = _xavier(ks[3], (H * D, IN_DIM), IN_DIM, H * D)
    bQ = jnp.zeros((H * D,), dtype=jnp.float32)
    WK = _xavier(ks[4], (H * D, IN_DIM), IN_DIM, H * D)
    bK = jnp.zeros((H * D,), dtype=jnp.float32)
    WE = _xavier(ks[5], (H * D * 2, IN_DIM), IN_DIM, H * D * 2)
    bE = jnp.zeros((H * D * 2,), dtype=jnp.float32)
    WV = _xavier(ks[6], (H * D, IN_DIM), IN_DIM, H * D)
    bV = jnp.zeros((H * D,), dtype=jnp.float32)
    Aw = _xavier(ks[7], (D, H, 1), D * H, 1)
    VeRow = _xavier(ks[8], (D, H, D), D * H, D)
    return {"x": x, "edge_attr": edge_attr, "WQ": WQ, "bQ": bQ, "WK": WK, "bK": bK, "WE": WE, "bE": bE, "WV": WV, "bV": bV, "Aw": Aw, "VeRow": VeRow, "edge_index": edge_index}


def _sqrt_relu(v):
    safe = jnp.where(v > 0, v, 1.0)
    return jnp.where(v > 0, jnp.sqrt(safe), 0.0)


def reference(x, edge_attr, WQ, bQ, WK, bK, WE, bE, WV, bV, Aw, VeRow, edge_index):
    Q_h = (x @ WQ.T + bQ).reshape(-1, H, D)
    K_h = (x @ WK.T + bK).reshape(-1, H, D)
    V_h = (x @ WV.T + bV).reshape(-1, H, D)
    Eproj = edge_attr @ WE.T + bE
    src_i = edge_index[0]
    dst_i = edge_index[1]
    src = jnp.take(K_h, src_i, axis=0)
    dest = jnp.take(Q_h, dst_i, axis=0)
    score1 = src + dest
    Ex = Eproj.reshape(-1, H, 2 * D)
    Ex1 = Ex[:, :, :D]
    Ex2 = Ex[:, :, D:]
    score2 = Ex1 * Ex2
    score = score1 + _sqrt_relu(score2) - _sqrt_relu(-score2)
    e_t = score
    oE = score.reshape(score.shape[0], -1)
    s = jnp.einsum('ehd,dhc->ehc', score, Aw)
    s = jnp.clip(s, -CLAMP, CLAMP)
    smax = jax.ops.segment_max(s, dst_i, num_segments=N)
    out = jnp.exp(s - jnp.take(smax, dst_i, axis=0))
    denom = jax.ops.segment_sum(out, dst_i, num_segments=N)
    attn = out / (jnp.take(denom, dst_i, axis=0) + 1e-16)
    msg = jnp.take(V_h, src_i, axis=0) * attn
    oV = jax.ops.segment_sum(msg, dst_i, num_segments=N)
    rowV = jax.ops.segment_sum(e_t * attn, dst_i, num_segments=N)
    rowV = jnp.einsum('nhd,dhc->nhc', rowV, VeRow)
    oV = (oV + rowV).reshape(N, -1)
    return (oV, oE)

if __name__ == "__main__":
    import jax
    _d = setup_inputs()
    print(jax.jit(kernel)(*tuple(_d.values())))

</pallas_src>

<mosaic_0001>
#map = affine_map<(d0, d1) -> (0)>
#map1 = affine_map<(d0, d1) -> (0, 0)>
#map2 = affine_map<(d0, d1) -> (0, 0, 0)>
module attributes {stable_mosaic.version = 14 : i64} {
  func.func @k(%arg0: i32, %arg1: i32, %arg2: memref<320000xi32, #tpu.memory_space<hbm>>, %arg3: memref<320000xi32, #tpu.memory_space<hbm>>, %arg4: memref<10000x128xf32, #tpu.memory_space<hbm>>, %arg5: memref<10000x128xf32, #tpu.memory_space<hbm>>, %arg6: memref<10000x128xf32, #tpu.memory_space<hbm>>, %arg7: memref<320000x128xf32, #tpu.memory_space<hbm>>, %arg8: memref<320000x128xf32, #tpu.memory_space<hbm>>, %arg9: memref<320000x16xf32, #tpu.memory_space<hbm>>, %arg10: memref<320000x128xf32, #tpu.memory_space<hbm>>, %arg11: memref<2x10000x128xf32, #tpu.memory_space<hbm>>, %arg12: memref<40xi32, #tpu.memory_space<vmem>>, %arg13: memref<40xi32, #tpu.memory_space<vmem>>, %arg14: memref<40x128xf32, #tpu.memory_space<vmem>>, %arg15: memref<40x128xf32, #tpu.memory_space<vmem>>, %arg16: memref<40x128xf32, #tpu.memory_space<vmem>>, %arg17: memref<40x128xf32, #tpu.memory_space<vmem>>, %arg18: memref<40x128xf32, #tpu.memory_space<vmem>>, %arg19: memref<40x16xf32, #tpu.memory_space<vmem>>, %arg20: memref<10000x128xf32, #tpu.memory_space<vmem_shared>>, %arg21: memref<!tpu.dma_semaphore, #tpu.memory_space<semaphore_mem>>) attributes {dimension_semantics = [#tpu.dimension_semantics<core_parallel>, #tpu.dimension_semantics<subcore_parallel>], iteration_bounds = array<i64: 2, 16>, scalar_prefetch = 0 : i64, scratch_operands = 10 : i64, tpu.core_type = #tpu.core_type<sc_vector_subcore>, window_params = [{transform_indices = #map}, {transform_indices = #map}, {transform_indices = #map1}, {transform_indices = #map1}, {transform_indices = #map1}, {transform_indices = #map1}, {transform_indices = #map1}, {transform_indices = #map1}, {transform_indices = #map1}, {transform_indices = #map2}]} {
    %mul3A = arith.constant 2 : i32
    %mul3A_0 = arith.muli %arg1, %mul3A : i32
    %add3A = arith.addi %mul3A_0, %arg0 : i32
    %lt3A = arith.constant 10 : i32
    %lt3A_1 = arith.cmpi slt, %arg1, %lt3A : i32
    %convert_element_type3A = arith.extui %lt3A_1 : i1 to i32
    %cond3A = arith.constant 0 : i32
    %cond3A_2 = arith.cmpi ne, %convert_element_type3A, %cond3A : i32
    scf.if %cond3A_2 {
      %scan3A_14 = arith.constant 0 : i32
      %scan3A_15 = arith.constant 0 : i32
      %scan3A_16 = arith.constant 40 : i32
      %scan3A_17 = arith.addi %scan3A_15, %scan3A_16 : i32
      %scan3A_18 = arith.constant 1 : i32
      scf.for %scan3A_144 = %scan3A_15 to %scan3A_17 step %scan3A_18  : i32 {
        %broadcast_in_dim3A = arith.constant 0.000000e+00 : f32
        %broadcast_in_dim3A_145 = vector.broadcast %broadcast_in_dim3A : f32 to vector<16xf32>
        %swap3A = arith.index_cast %scan3A_144 : i32 to index
        %swap3A_146 = arith.constant 0 : index
        %swap3A_147 = tpu.vector_load %arg16[%swap3A, %swap3A_146] {strides = array<i32>} : memref<40x128xf32, #tpu.memory_space<vmem>>, vector<1x16xf32>,
        %swap3A_148 = vector.shape_cast %swap3A_147 : vector<1x16xf32> to vector<16xf32>
        %swap3A_149 = vector.shape_cast %broadcast_in_dim3A_145 : vector<16xf32> to vector<1x16xf32>
        tpu.vector_store %arg16[%swap3A, %swap3A_146], %swap3A_149 {strides = array<i32>} : memref<40x128xf32, #tpu.memory_space<vmem>>, vector<1x16xf32>,
        %broadcast_in_dim3A_150 = arith.constant 0.000000e+00 : f32
        %broadcast_in_dim3A_151 = vector.broadcast %broadcast_in_dim3A_150 : f32 to vector<16xf32>
        %swap3A_152 = arith.index_cast %scan3A_144 : i32 to index
        %swap3A_153 = arith.constant 16 : index
        %swap3A_154 = tpu.vector_load %arg16[%swap3A_152, %swap3A_153] {strides = array<i32>} : memref<40x128xf32, #tpu.memory_space<vmem>>, vector<1x16xf32>,
        %swap3A_155 = vector.shape_cast %swap3A_154 : vector<1x16xf32> to vector<16xf32>
        %swap3A_156 = vector.shape_cast %broadcast_in_dim3A_151 : vector<16xf32> to vector<1x16xf32>
        tpu.vector_store %arg16[%swap3A_152, %swap3A_153], %swap3A_156 {strides = array<i32>} : memref<40x128xf32, #tpu.memory_space<vmem>>, vector<1x16xf32>,
        %broadcast_in_dim3A_157 = arith.constant 0.000000e+00 : f32
        %broadcast_in_dim3A_158 = vector.broadcast %broadcast_in_dim3A_157 : f32 to vector<16xf32>
        %swap3A_159 = arith.index_cast %scan3A_144 : i32 to index
        %swap3A_160 = arith.constant 32 : index
        %swap3A_161 = tpu.vector_load %arg16[%swap3A_159, %swap3A_160] {strides = array<i32>} : memref<40x128xf32, #tpu.memory_space<vmem>>, vector<1x16xf32>,
        %swap3A_162 = vector.shape_cast %swap3A_161 : vector<1x16xf32> to vector<16xf32>
        %swap3A_163 = vector.shape_cast %broadcast_in_dim3A_158 : vector<16xf32> to vector<1x16xf32>
        tpu.vector_store %arg16[%swap3A_159, %swap3A_160], %swap3A_163 {strides = array<i32>} : memref<40x128xf32, #tpu.memory_space<vmem>>, vector<1x16xf32>,
        %broadcast_in_dim3A_164 = arith.constant 0.000000e+00 : f32
        %broadcast_in_dim3A_165 = vector.broadcast %broadcast_in_dim3A_164 : f32 to vector<16xf32>
        %swap3A_166 = arith.index_cast %scan3A_144 : i32 to index
        %swap3A_167 = arith.constant 48 : index
        %swap3A_168 = tpu.vector_load %arg16[%swap3A_166, %swap3A_167] {strides = array<i32>} : memref<40x128xf32, #tpu.memory_space<vmem>>, vector<1x16xf32>,
        %swap3A_169 = vector.shape_cast %swap3A_168 : vector<1x16xf32> to vector<16xf32>
        %swap3A_170 = vector.shape_cast %broadcast_in_dim3A_165 : vector<16xf32> to vector<1x16xf32>
        tpu.vector_store %arg16[%swap3A_166, %swap3A_167], %swap3A_170 {strides = array<i32>} : memref<40x128xf32, #tpu.memory_space<vmem>>, vector<1x16xf32>,
        %broadcast_in_dim3A_171 = arith.constant 0.000000e+00 : f32
        %broadcast_in_dim3A_172 = vector.broadcast %broadcast_in_dim3A_171 : f32 to vector<16xf32>
        %swap3A_173 = arith.index_cast %scan3A_144 : i32 to index
        %swap3A_174 = arith.constant 64 : index
        %swap3A_175 = tpu.vector_load %arg16[%swap3A_173, %swap3A_174] {strides = array<i32>} : memref<40x128xf32, #tpu.memory_space<vmem>>, vector<1x16xf32>,
        %swap3A_176 = vector.shape_cast %swap3A_175 : vector<1x16xf32> to vector<16xf32>
        %swap3A_177 = vector.shape_cast %broadcast_in_dim3A_172 : vector<16xf32> to vector<1x16xf32>
        tpu.vector_store %arg16[%swap3A_173, %swap3A_174], %swap3A_177 {strides = array<i32>} : memref<40x128xf32, #tpu.memory_space<vmem>>, vector<1x16xf32>,
        %broadcast_in_dim3A_178 = arith.constant 0.000000e+00 : f32
        %broadcast_in_dim3A_179 = vector.broadcast %broadcast_in_dim3A_178 : f32 to vector<16xf32>
        %swap3A_180 = arith.index_cast %scan3A_144 : i32 to index
        %swap3A_181 = arith.constant 80 : index
        %swap3A_182 = tpu.vector_load %arg16[%swap3A_180, %swap3A_181] {strides = array<i32>} : memref<40x128xf32, #tpu.memory_space<vmem>>, vector<1x16xf32>,
        %swap3A_183 = vector.shape_cast %swap3A_182 : vector<1x16xf32> to vector<16xf32>
        %swap3A_184 = vector.shape_cast %broadcast_in_dim3A_179 : vector<16xf32> to vector<1x16xf32>
        tpu.vector_store %arg16[%swap3A_180, %swap3A_181], %swap3A_184 {strides = array<i32>} : memref<40x128xf32, #tpu.memory_space<vmem>>, vector<1x16xf32>,
        %broadcast_in_dim3A_185 = arith.constant 0.000000e+00 : f32
        %broadcast_in_dim3A_186 = vector.broadcast %broadcast_in_dim3A_185 : f32 to vector<16xf32>
        %swap3A_187 = arith.index_cast %scan3A_144 : i32 to index
        %swap3A_188 = arith.constant 96 : index
        %swap3A_189 = tpu.vector_load %arg16[%swap3A_187, %swap3A_188] {strides = array<i32>} : memref<40x128xf32, #tpu.memory_space<vmem>>, vector<1x16xf32>,
        %swap3A_190 = vector.shape_cast %swap3A_189 : vector<1x16xf32> to vector<16xf32>
        %swap3A_191 = vector.shape_cast %broadcast_in_dim3A_186 : vector<16xf32> to vector<1x16xf32>
        tpu.vector_store %arg16[%swap3A_187, %swap3A_188], %swap3A_191 {strides = array<i32>} : memref<40x128xf32, #tpu.memory_space<vmem>>, vector<1x16xf32>,
        %broadcast_in_dim3A_192 = arith.constant 0.000000e+00 : f32
        %broadcast_in_dim3A_193 = vector.broadcast %broadcast_in_dim3A_192 : f32 to vector<16xf32>
        %swap3A_194 = arith.index_cast %scan3A_144 : i32 to index
        %swap3A_195 = arith.constant 112 : index
        %swap3A_196 = tpu.vector_load %arg16[%swap3A_194, %swap3A_195] {strides = array<i32>} : memref<40x128xf32, #tpu.memory_space<vmem>>, vector<1x16xf32>,
        %swap3A_197 = vector.shape_cast %swap3A_196 : vector<1x16xf32> to vector<16xf32>
        %swap3A_198 = vector.shape_cast %broadcast_in_dim3A_193 : vector<16xf32> to vector<1x16xf32>
        tpu.vector_store %arg16[%swap3A_194, %swap3A_195], %swap3A_198 {strides = array<i32>} : memref<40x128xf32, #tpu.memory_space<vmem>>, vector<1x16xf32>,
      }
      %scan3A_19 = arith.constant 40 : i32
      %mul3A_20 = arith.constant 1000 : i32
      %mul3A_21 = arith.muli %arg1, %mul3A_20 : i32
      %add3A_22 = arith.constant 0 : i32
      %add3A_23 = arith.addi %mul3A_21, %add3A_22 : i32
      %multiple_of3A = tpu.assume_multiple %add3A_23, 8 : i32
      "tpu.region"() ({
        %run_scoped3A = tpu.sem_alloc : memref<!tpu.dma_semaphore, #tpu.memory_space<semaphore_mem>>
        %dma_start3A = arith.constant 0 : i32
        %dma_start3A_144 = tpu.memref_slice %arg20[%multiple_of3A, %dma_start3A] : memref<10000x128xf32, #tpu.memory_space<vmem_shared>> -> memref<40x128xf32, #tpu.memory_space<vmem_shared>>
        %dma_start3A_145 = arith.constant 0 : i32
        %dma_start3A_146 = tpu.memref_slice %arg20[%multiple_of3A, %dma_start3A_145] : memref<10000x128xf32, #tpu.memory_space<vmem_shared>> -> memref<40x128xf32, #tpu.memory_space<vmem_shared>>
        tpu.enqueue_dma source(%arg16 : memref<40x128xf32, #tpu.memory_space<vmem>>) target(%dma_start3A_146 : memref<40x128xf32, #tpu.memory_space<vmem_shared>>) target_semaphore(%run_scoped3A : memref<!tpu.dma_semaphore, #tpu.memory_space<semaphore_mem>>)
        %dma_wait3A = arith.constant 0 : i32
        %dma_wait3A_147 = tpu.memref_slice %arg20[%multiple_of3A, %dma_wait3A] : memref<10000x128xf32, #tpu.memory_space<vmem_shared>> -> memref<40x128xf32, #tpu.memory_space<vmem_shared>>
        %dma_wait3A_148 = arith.constant 0 : i32
        %dma_wait3A_149 = tpu.memref_slice %arg20[%multiple_of3A, %dma_wait3A_148] : memref<10000x128xf32, #tpu.memory_space<vmem_shared>> -> memref<40x128xf32, #tpu.memory_space<vmem_shared>>
        tpu.wait_dma2 semaphore(%run_scoped3A : memref<!tpu.dma_semaphore, #tpu.memory_space<semaphore_mem>>) src(%arg16 : memref<40x128xf32, #tpu.memory_space<vmem>>) dst(%dma_wait3A_149 : memref<40x128xf32, #tpu.memory_space<vmem_shared>>)
        tpu.yield
      }) : () -> ()
      %mul3A_24 = arith.constant 1000 : i32
      %mul3A_25 = arith.muli %arg1, %mul3A_24 : i32
      %add3A_26 = arith.constant 40 : i32
      %add3A_27 = arith.addi %mul3A_25, %add3A_26 : i32
      %multiple_of3A_28 = tpu.assume_multiple %add3A_27, 8 : i32
      "tpu.region"() ({
        %run_scoped3A = tpu.sem_alloc : memref<!tpu.dma_semaphore, #tpu.memory_space<semaphore_mem>>
        %dma_start3A = arith.constant 0 : i32
        %dma_start3A_144 = tpu.memref_slice %arg20[%multiple_of3A_28, %dma_start3A] : memref<10000x128xf32, #tpu.memory_space<vmem_shared>> -> memref<40x128xf32, #tpu.memory_space<vmem_shared>>
        %dma_start3A_145 = arith.constant 0 : i32
        %dma_start3A_146 = tpu.memref_slice %arg20[%multiple_of3A_28, %dma_start3A_145] : memref<10000x128xf32, #tpu.memory_space<vmem_shared>> -> memref<40x128xf32, #tpu.memory_space<vmem_shared>>
        tpu.enqueue_dma source(%arg16 : memref<40x128xf32, #tpu.memory_space<vmem>>) target(%dma_start3A_146 : memref<40x128xf32, #tpu.memory_space<vmem_shared>>) target_semaphore(%run_scoped3A : memref<!tpu.dma_semaphore, #tpu.memory_space<semaphore_mem>>)
        %dma_wait3A = arith.constant 0 : i32
        %dma_wait3A_147 = tpu.memref_slice %arg20[%multiple_of3A_28, %dma_wait3A] : memref<10000x128xf32, #tpu.memory_space<vmem_shared>> -> memref<40x128xf32, #tpu.memory_space<vmem_shared>>
        %dma_wait3A_148 = arith.constant 0 : i32
        %dma_wait3A_149 = tpu.memref_slice %arg20[%multiple_of3A_28, %dma_wait3A_148] : memref<10000x128xf32, #tpu.memory_space<vmem_shared>> -> memref<40x128xf32, #tpu.memory_space<vmem_shared>>
        tpu.wait_dma2 semaphore(%run_scoped3A : memref<!tpu.dma_semaphore, #tpu.memory_space<semaphore_mem>>) src(%arg16 : memref<40x128xf32, #tpu.memory_space<vmem>>) dst(%dma_wait3A_149 : memref<40x128xf32, #tpu.memory_space<vmem_shared>>)
        tpu.yield
      }) : () -> ()
      %mul3A_29 = arith.constant 1000 : i32
      %mul3A_30 = arith.muli %arg1, %mul3A_29 : i32
      %add3A_31 = arith.constant 80 : i32
      %add3A_32 = arith.addi %mul3A_30, %add3A_31 : i32
      %multiple_of3A_33 = tpu.assume_multiple %add3A_32, 8 : i32
      "tpu.region"() ({
        %run_scoped3A = tpu.sem_alloc : memref<!tpu.dma_semaphore, #tpu.memory_space<semaphore_mem>>
        %dma_start3A = arith.constant 0 : i32
        %dma_start3A_144 = tpu.memref_slice %arg20[%multiple_of3A_33, %dma_start3A] : memref<10000x128xf32, #tpu.memory_space<vmem_shared>> -> memref<40x128xf32, #tpu.memory_space<vmem_shared>>
        %dma_start3A_145 = arith.constant 0 : i32
        %dma_start3A_146 = tpu.memref_slice %arg20[%multiple_of3A_33, %dma_start3A_145] : memref<10000x128xf32, #tpu.memory_space<vmem_shared>> -> memref<40x128xf32, #tpu.memory_space<vmem_shared>>
        tpu.enqueue_dma source(%arg16 : memref<40x128xf32, #tpu.memory_space<vmem>>) target(%dma_start3A_146 : memref<40x128xf32, #tpu.memory_space<vmem_shared>>) target_semaphore(%run_scoped3A : memref<!tpu.dma_semaphore, #tpu.memory_space<semaphore_mem>>)
        %dma_wait3A = arith.constant 0 : i32
        %dma_wait3A_147 = tpu.memref_slice %arg20[%multiple_of3A_33, %dma_wait3A] : memref<10000x128xf32, #tpu.memory_space<vmem_shared>> -> memref<40x128xf32, #tpu.memory_space<vmem_shared>>
        %dma_wait3A_148 = arith.constant 0 : i32
        %dma_wait3A_149 = tpu.memref_slice %arg20[%multiple_of3A_33, %dma_wait3A_148] : memref<10000x128xf32, #tpu.memory_space<vmem_shared>> -> memref<40x128xf32, #tpu.memory_space<vmem_shared>>
        tpu.wait_dma2 semaphore(%run_scoped3A : memref<!tpu.dma_semaphore, #tpu.memory_space<semaphore_mem>>) src(%arg16 : memref<40x128xf32, #tpu.memory_space<vmem>>) dst(%dma_wait3A_149 : memref<40x128xf32, #tpu.memory_space<vmem_shared>>)
        tpu.yield
      }) : () -> ()
      %mul3A_34 = arith.constant 1000 : i32
      %mul3A_35 = arith.muli %arg1, %mul3A_34 : i32
      %add3A_36 = arith.constant 120 : i32
      %add3A_37 = arith.addi %mul3A_35, %add3A_36 : i32
      %multiple_of3A_38 = tpu.assume_multiple %add3A_37, 8 : i32
      "tpu.region"() ({
        %run_scoped3A = tpu.sem_alloc : memref<!tpu.dma_semaphore, #tpu.memory_space<semaphore_mem>>
        %dma_start3A = arith.constant 0 : i32
        %dma_start3A_144 = tpu.memref_slice %arg20[%multiple_of3A_38, %dma_start3A] : memref<10000x128xf32, #tpu.memory_space<vmem_shared>> -> memref<40x128xf32, #tpu.memory_space<vmem_shared>>
        %dma_start3A_145 = arith.constant 0 : i32
        %dma_start3A_146 = tpu.memref_slice %arg20[%multiple_of3A_38, %dma_start3A_145] : memref<10000x128xf32, #tpu.memory_space<vmem_shared>> -> memref<40x128xf32, #tpu.memory_space<vmem_shared>>
        tpu.enqueue_dma source(%arg16 : memref<40x128xf32, #tpu.memory_space<vmem>>) target(%dma_start3A_146 : memref<40x128xf32, #tpu.memory_space<vmem_shared>>) target_semaphore(%run_scoped3A : memref<!tpu.dma_semaphore, #tpu.memory_space<semaphore_mem>>)
        %dma_wait3A = arith.constant 0 : i32
        %dma_wait3A_147 = tpu.memref_slice %arg20[%multiple_of3A_38, %dma_wait3A] : memref<10000x128xf32, #tpu.memory_space<vmem_shared>> -> memref<40x128xf32, #tpu.memory_space<vmem_shared>>
        %dma_wait3A_148 = arith.constant 0 : i32
        %dma_wait3A_149 = tpu.memref_slice %arg20[%multiple_of3A_38, %dma_wait3A_148] : memref<10000x128xf32, #tpu.memory_space<vmem_shared>> -> memref<40x128xf32, #tpu.memory_space<vmem_shared>>
        tpu.wait_dma2 semaphore(%run_scoped3A : memref<!tpu.dma_semaphore, #tpu.memory_space<semaphore_mem>>) src(%arg16 : memref<40x128xf32, #tpu.memory_space<vmem>>) dst(%dma_wait3A_149 : memref<40x128xf32, #tpu.memory_space<vmem_shared>>)
        tpu.yield
      }) : () -> ()
      %mul3A_39 = arith.constant 1000 : i32
      %mul3A_40 = arith.muli %arg1, %mul3A_39 : i32
      %add3A_41 = arith.constant 160 : i32
      %add3A_42 = arith.addi %mul3A_40, %add3A_41 : i32
      %multiple_of3A_43 = tpu.assume_multiple %add3A_42, 8 : i32
      "tpu.region"() ({
        %run_scoped3A = tpu.sem_alloc : memref<!tpu.dma_semaphore, #tpu.memory_space<semaphore_mem>>
        %dma_start3A = arith.constant 0 : i32
        %dma_start3A_144 = tpu.memref_slice %arg20[%multiple_of3A_43, %dma_start3A] : memref<10000x128xf32, #tpu.memory_space<vmem_shared>> -> memref<40x128xf32, #tpu.memory_space<vmem_shared>>
        %dma_start3A_145 = arith.constant 0 : i32
        %dma_start3A_146 = tpu.memref_slice %arg20[%multiple_of3A_43, %dma_start3A_145] : memref<10000x128xf32, #tpu.memory_space<vmem_shared>> -> memref<40x128xf32, #tpu.memory_space<vmem_shared>>
        tpu.enqueue_dma source(%arg16 : memref<40x128xf32, #tpu.memory_space<vmem>>) target(%dma_start3A_146 : memref<40x128xf32, #tpu.memory_space<vmem_shared>>) target_semaphore(%run_scoped3A : memref<!tpu.dma_semaphore, #tpu.memory_space<semaphore_mem>>)
        %dma_wait3A = arith.constant 0 : i32
        %dma_wait3A_147 = tpu.memref_slice %arg20[%multiple_of3A_43, %dma_wait3A] : memref<10000x128xf32, #tpu.memory_space<vmem_shared>> -> memref<40x128xf32, #tpu.memory_space<vmem_shared>>
        %dma_wait3A_148 = arith.constant 0 : i32
        %dma_wait3A_149 = tpu.memref_slice %arg20[%multiple_of3A_43, %dma_wait3A_148] : memref<10000x128xf32, #tpu.memory_space<vmem_shared>> -> memref<40x128xf32, #tpu.memory_space<vmem_shared>>
        tpu.wait_dma2 semaphore(%run_scoped3A : memref<!tpu.dma_semaphore, #tpu.memory_space<semaphore_mem>>) src(%arg16 : memref<40x128xf32, #tpu.memory_space<vmem>>) dst(%dma_wait3A_149 : memref<40x128xf32, #tpu.memory_space<vmem_shared>>)
        tpu.yield
      }) : () -> ()
      %mul3A_44 = arith.constant 1000 : i32
      %mul3A_45 = arith.muli %arg1, %mul3A_44 : i32
      %add3A_46 = arith.constant 200 : i32
      %add3A_47 = arith.addi %mul3A_45, %add3A_46 : i32
      %multiple_of3A_48 = tpu.assume_multiple %add3A_47, 8 : i32
      "tpu.region"() ({
        %run_scoped3A = tpu.sem_alloc : memref<!tpu.dma_semaphore, #tpu.memory_space<semaphore_mem>>
        %dma_start3A = arith.constant 0 : i32
        %dma_start3A_144 = tpu.memref_slice %arg20[%multiple_of3A_48, %dma_start3A] : memref<10000x128xf32, #tpu.memory_space<vmem_shared>> -> memref<40x128xf32, #tpu.memory_space<vmem_shared>>
        %dma_start3A_145 = arith.constant 0 : i32
        %dma_start3A_146 = tpu.memref_slice %arg20[%multiple_of3A_48, %dma_start3A_145] : memref<10000x128xf32, #tpu.memory_space<vmem_shared>> -> memref<40x128xf32, #tpu.memory_space<vmem_shared>>
        tpu.enqueue_dma source(%arg16 : memref<40x128xf32, #tpu.memory_space<vmem>>) target(%dma_start3A_146 : memref<40x128xf32, #tpu.memory_space<vmem_shared>>) target_semaphore(%run_scoped3A : memref<!tpu.dma_semaphore, #tpu.memory_space<semaphore_mem>>)
        %dma_wait3A = arith.constant 0 : i32
        %dma_wait3A_147 = tpu.memref_slice %arg20[%multiple_of3A_48, %dma_wait3A] : memref<10000x128xf32, #tpu.memory_space<vmem_shared>> -> memref<40x128xf32, #tpu.memory_space<vmem_shared>>
        %dma_wait3A_148 = arith.constant 0 : i32
        %dma_wait3A_149 = tpu.memref_slice %arg20[%multiple_of3A_48, %dma_wait3A_148] : memref<10000x128xf32, #tpu.memory_space<vmem_shared>> -> memref<40x128xf32, #tpu.memory_space<vmem_shared>>
        tpu.wait_dma2 semaphore(%run_scoped3A : memref<!tpu.dma_semaphore, #tpu.memory_space<semaphore_mem>>) src(%arg16 : memref<40x128xf32, #tpu.memory_space<vmem>>) dst(%dma_wait3A_149 : memref<40x128xf32, #tpu.memory_space<vmem_shared>>)
        tpu.yield
      }) : () -> ()
      %mul3A_49 = arith.constant 1000 : i32
      %mul3A_50 = arith.muli %arg1, %mul3A_49 : i32
      %add3A_51 = arith.constant 240 : i32
      %add3A_52 = arith.addi %mul3A_50, %add3A_51 : i32
      %multiple_of3A_53 = tpu.assume_multiple %add3A_52, 8 : i32
      "tpu.region"() ({
        %run_scoped3A = tpu.sem_alloc : memref<!tpu.dma_semaphore, #tpu.memory_space<semaphore_mem>>
        %dma_start3A = arith.constant 0 : i32
        %dma_start3A_144 = tpu.memref_slice %arg20[%multiple_of3A_53, %dma_start3A] : memref<10000x128xf32, #tpu.memory_space<vmem_shared>> -> memref<40x128xf32, #tpu.memory_space<vmem_shared>>
        %dma_start3A_145 = arith.constant 0 : i32
        %dma_start3A_146 = tpu.memref_slice %arg20[%multiple_of3A_53, %dma_start3A_145] : memref<10000x128xf32, #tpu.memory_space<vmem_shared>> -> memref<40x128xf32, #tpu.memory_space<vmem_shared>>
        tpu.enqueue_dma source(%arg16 : memref<40x128xf32, #tpu.memory_space<vmem>>) target(%dma_start3A_146 : memref<40x128xf32, #tpu.memory_space<vmem_shared>>) target_semaphore(%run_scoped3A : memref<!tpu.dma_semaphore, #tpu.memory_space<semaphore_mem>>)
        %dma_wait3A = arith.constant 0 : i32
        %dma_wait3A_147 = tpu.memref_slice %arg20[%multiple_of3A_53, %dma_wait3A] : memref<10000x128xf32, #tpu.memory_space<vmem_shared>> -> memref<40x128xf32, #tpu.memory_space<vmem_shared>>
        %dma_wait3A_148 = arith.constant 0 : i32
        %dma_wait3A_149 = tpu.memref_slice %arg20[%multiple_of3A_53, %dma_wait3A_148] : memref<10000x128xf32, #tpu.memory_space<vmem_shared>> -> memref<40x128xf32, #tpu.memory_space<vmem_shared>>
        tpu.wait_dma2 semaphore(%run_scoped3A : memref<!tpu.dma_semaphore, #tpu.memory_space<semaphore_mem>>) src(%arg16 : memref<40x128xf32, #tpu.memory_space<vmem>>) dst(%dma_wait3A_149 : memref<40x128xf32, #tpu.memory_space<vmem_shared>>)
        tpu.yield
      }) : () -> ()
      %mul3A_54 = arith.constant 1000 : i32
      %mul3A_55 = arith.muli %arg1, %mul3A_54 : i32
      %add3A_56 = arith.constant 280 : i32
      %add3A_57 = arith.addi %mul3A_55, %add3A_56 : i32
      %multiple_of3A_58 = tpu.assume_multiple %add3A_57, 8 : i32
      "tpu.region"() ({
        %run_scoped3A = tpu.sem_alloc : memref<!tpu.dma_semaphore, #tpu.memory_space<semaphore_mem>>
        %dma_start3A = arith.constant 0 : i32
        %dma_start3A_144 = tpu.memref_slice %arg20[%multiple_of3A_58, %dma_start3A] : memref<10000x128xf32, #tpu.memory_space<vmem_shared>> -> memref<40x128xf32, #tpu.memory_space<vmem_shared>>
        %dma_start3A_145 = arith.constant 0 : i32
        %dma_start3A_146 = tpu.memref_slice %arg20[%multiple_of3A_58, %dma_start3A_145] : memref<10000x128xf32, #tpu.memory_space<vmem_shared>> -> memref<40x128xf32, #tpu.memory_space<vmem_shared>>
        tpu.enqueue_dma source(%arg16 : memref<40x128xf32, #tpu.memory_space<vmem>>) target(%dma_start3A_146 : memref<40x128xf32, #tpu.memory_space<vmem_shared>>) target_semaphore(%run_scoped3A : memref<!tpu.dma_semaphore, #tpu.memory_space<semaphore_mem>>)
        %dma_wait3A = arith.constant 0 : i32
        %dma_wait3A_147 = tpu.memref_slice %arg20[%multiple_of3A_58, %dma_wait3A] : memref<10000x128xf32, #tpu.memory_space<vmem_shared>> -> memref<40x128xf32, #tpu.memory_space<vmem_shared>>
        %dma_wait3A_148 = arith.constant 0 : i32
        %dma_wait3A_149 = tpu.memref_slice %arg20[%multiple_of3A_58, %dma_wait3A_148] : memref<10000x128xf32, #tpu.memory_space<vmem_shared>> -> memref<40x128xf32, #tpu.memory_space<vmem_shared>>
        tpu.wait_dma2 semaphore(%run_scoped3A : memref<!tpu.dma_semaphore, #tpu.memory_space<semaphore_mem>>) src(%arg16 : memref<40x128xf32, #tpu.memory_space<vmem>>) dst(%dma_wait3A_149 : memref<40x128xf32, #tpu.memory_space<vmem_shared>>)
        tpu.yield
      }) : () -> ()
      %mul3A_59 = arith.constant 1000 : i32
      %mul3A_60 = arith.muli %arg1, %mul3A_59 : i32
      %add3A_61 = arith.constant 320 : i32
      %add3A_62 = arith.addi %mul3A_60, %add3A_61 : i32
      %multiple_of3A_63 = tpu.assume_multiple %add3A_62, 8 : i32
      "tpu.region"() ({
        %run_scoped3A = tpu.sem_alloc : memref<!tpu.dma_semaphore, #tpu.memory_space<semaphore_mem>>
        %dma_start3A = arith.constant 0 : i32
        %dma_start3A_144 = tpu.memref_slice %arg20[%multiple_of3A_63, %dma_start3A] : memref<10000x128xf32, #tpu.memory_space<vmem_shared>> -> memref<40x128xf32, #tpu.memory_space<vmem_shared>>
        %dma_start3A_145 = arith.constant 0 : i32
        %dma_start3A_146 = tpu.memref_slice %arg20[%multiple_of3A_63, %dma_start3A_145] : memref<10000x128xf32, #tpu.memory_space<vmem_shared>> -> memref<40x128xf32, #tpu.memory_space<vmem_shared>>
        tpu.enqueue_dma source(%arg16 : memref<40x128xf32, #tpu.memory_space<vmem>>) target(%dma_start3A_146 : memref<40x128xf32, #tpu.memory_space<vmem_shared>>) target_semaphore(%run_scoped3A : memref<!tpu.dma_semaphore, #tpu.memory_space<semaphore_mem>>)
        %dma_wait3A = arith.constant 0 : i32
        %dma_wait3A_147 = tpu.memref_slice %arg20[%multiple_of3A_63, %dma_wait3A] : memref<10000x128xf32, #tpu.memory_space<vmem_shared>> -> memref<40x128xf32, #tpu.memory_space<vmem_shared>>
        %dma_wait3A_148 = arith.constant 0 : i32
        %dma_wait3A_149 = tpu.memref_slice %arg20[%multiple_of3A_63, %dma_wait3A_148] : memref<10000x128xf32, #tpu.memory_space<vmem_shared>> -> memref<40x128xf32, #tpu.memory_space<vmem_shared>>
        tpu.wait_dma2 semaphore(%run_scoped3A : memref<!tpu.dma_semaphore, #tpu.memory_space<semaphore_mem>>) src(%arg16 : memref<40x128xf32, #tpu.memory_space<vmem>>) dst(%dma_wait3A_149 : memref<40x128xf32, #tpu.memory_space<vmem_shared>>)
        tpu.yield
      }) : () -> ()
      %mul3A_64 = arith.constant 1000 : i32
      %mul3A_65 = arith.muli %arg1, %mul3A_64 : i32
      %add3A_66 = arith.constant 360 : i32
      %add3A_67 = arith.addi %mul3A_65, %add3A_66 : i32
      %multiple_of3A_68 = tpu.assume_multiple %add3A_67, 8 : i32
      "tpu.region"() ({
        %run_scoped3A = tpu.sem_alloc : memref<!tpu.dma_semaphore, #tpu.memory_space<semaphore_mem>>
        %dma_start3A = arith.constant 0 : i32
        %dma_start3A_144 = tpu.memref_slice %arg20[%multiple_of3A_68, %dma_start3A] : memref<10000x128xf32, #tpu.memory_space<vmem_shared>> -> memref<40x128xf32, #tpu.memory_space<vmem_shared>>
        %dma_start3A_145 = arith.constant 0 : i32
        %dma_start3A_146 = tpu.memref_slice %arg20[%multiple_of3A_68, %dma_start3A_145] : memref<10000x128xf32, #tpu.memory_space<vmem_shared>> -> memref<40x128xf32, #tpu.memory_space<vmem_shared>>
        tpu.enqueue_dma source(%arg16 : memref<40x128xf32, #tpu.memory_space<vmem>>) target(%dma_start3A_146 : memref<40x128xf32, #tpu.memory_space<vmem_shared>>) target_semaphore(%run_scoped3A : memref<!tpu.dma_semaphore, #tpu.memory_space<semaphore_mem>>)
        %dma_wait3A = arith.constant 0 : i32
        %dma_wait3A_147 = tpu.memref_slice %arg20[%multiple_of3A_68, %dma_wait3A] : memref<10000x128xf32, #tpu.memory_space<vmem_shared>> -> memref<40x128xf32, #tpu.memory_space<vmem_shared>>
        %dma_wait3A_148 = arith.constant 0 : i32
        %dma_wait3A_149 = tpu.memref_slice %arg20[%multiple_of3A_68, %dma_wait3A_148] : memref<10000x128xf32, #tpu.memory_space<vmem_shared>> -> memref<40x128xf32, #tpu.memory_space<vmem_shared>>
        tpu.wait_dma2 semaphore(%run_scoped3A : memref<!tpu.dma_semaphore, #tpu.memory_space<semaphore_mem>>) src(%arg16 : memref<40x128xf32, #tpu.memory_space<vmem>>) dst(%dma_wait3A_149 : memref<40x128xf32, #tpu.memory_space<vmem_shared>>)
        tpu.yield
      }) : () -> ()
      %mul3A_69 = arith.constant 1000 : i32
      %mul3A_70 = arith.muli %arg1, %mul3A_69 : i32
      %add3A_71 = arith.constant 400 : i32
      %add3A_72 = arith.addi %mul3A_70, %add3A_71 : i32
      %multiple_of3A_73 = tpu.assume_multiple %add3A_72, 8 : i32
      "tpu.region"() ({
        %run_scoped3A = tpu.sem_alloc : memref<!tpu.dma_semaphore, #tpu.memory_space<semaphore_mem>>
        %dma_start3A = arith.constant 0 : i32
        %dma_start3A_144 = tpu.memref_slice %arg20[%multiple_of3A_73, %dma_start3A] : memref<10000x128xf32, #tpu.memory_space<vmem_shared>> -> memref<40x128xf32, #tpu.memory_space<vmem_shared>>
        %dma_start3A_145 = arith.constant 0 : i32
        %dma_start3A_146 = tpu.memref_slice %arg20[%multiple_of3A_73, %dma_start3A_145] : memref<10000x128xf32, #tpu.memory_space<vmem_shared>> -> memref<40x128xf32, #tpu.memory_space<vmem_shared>>
        tpu.enqueue_dma source(%arg16 : memref<40x128xf32, #tpu.memory_space<vmem>>) target(%dma_start3A_146 : memref<40x128xf32, #tpu.memory_space<vmem_shared>>) target_semaphore(%run_scoped3A : memref<!tpu.dma_semaphore, #tpu.memory_space<semaphore_mem>>)
        %dma_wait3A = arith.constant 0 : i32
        %dma_wait3A_147 = tpu.memref_slice %arg20[%multiple_of3A_73, %dma_wait3A] : memref<10000x128xf32, #tpu.memory_space<vmem_shared>> -> memref<40x128xf32, #tpu.memory_space<vmem_shared>>
        %dma_wait3A_148 = arith.constant 0 : i32
        %dma_wait3A_149 = tpu.memref_slice %arg20[%multiple_of3A_73, %dma_wait3A_148] : memref<10000x128xf32, #tpu.memory_space<vmem_shared>> -> memref<40x128xf32, #tpu.memory_space<vmem_shared>>
        tpu.wait_dma2 semaphore(%run_scoped3A : memref<!tpu.dma_semaphore, #tpu.memory_space<semaphore_mem>>) src(%arg16 : memref<40x128xf32, #tpu.memory_space<vmem>>) dst(%dma_wait3A_149 : memref<40x128xf32, #tpu.memory_space<vmem_shared>>)
        tpu.yield
      }) : () -> ()
      %mul3A_74 = arith.constant 1000 : i32
      %mul3A_75 = arith.muli %arg1, %mul3A_74 : i32
      %add3A_76 = arith.constant 440 : i32
      %add3A_77 = arith.addi %mul3A_75, %add3A_76 : i32
      %multiple_of3A_78 = tpu.assume_multiple %add3A_77, 8 : i32
      "tpu.region"() ({
        %run_scoped3A = tpu.sem_alloc : memref<!tpu.dma_semaphore, #tpu.memory_space<semaphore_mem>>
        %dma_start3A = arith.constant 0 : i32
        %dma_start3A_144 = tpu.memref_slice %arg20[%multiple_of3A_78, %dma_start3A] : memref<10000x128xf32, #tpu.memory_space<vmem_shared>> -> memref<40x128xf32, #tpu.memory_space<vmem_shared>>
        %dma_start3A_145 = arith.constant 0 : i32
        %dma_start3A_146 = tpu.memref_slice %arg20[%multiple_of3A_78, %dma_start3A_145] : memref<10000x128xf32, #tpu.memory_space<vmem_shared>> -> memref<40x128xf32, #tpu.memory_space<vmem_shared>>
        tpu.enqueue_dma source(%arg16 : memref<40x128xf32, #tpu.memory_space<vmem>>) target(%dma_start3A_146 : memref<40x128xf32, #tpu.memory_space<vmem_shared>>) target_semaphore(%run_scoped3A : memref<!tpu.dma_semaphore, #tpu.memory_space<semaphore_mem>>)
        %dma_wait3A = arith.constant 0 : i32
        %dma_wait3A_147 = tpu.memref_slice %arg20[%multiple_of3A_78, %dma_wait3A] : memref<10000x128xf32, #tpu.memory_space<vmem_shared>> -> memref<40x128xf32, #tpu.memory_space<vmem_shared>>
        %dma_wait3A_148 = arith.constant 0 : i32
        %dma_wait3A_149 = tpu.memref_slice %arg20[%multiple_of3A_78, %dma_wait3A_148] : memref<10000x128xf32, #tpu.memory_space<vmem_shared>> -> memref<40x128xf32, #tpu.memory_space<vmem_shared>>
        tpu.wait_dma2 semaphore(%run_scoped3A : memref<!tpu.dma_semaphore, #tpu.memory_space<semaphore_mem>>) src(%arg16 : memref<40x128xf32, #tpu.memory_space<vmem>>) dst(%dma_wait3A_149 : memref<40x128xf32, #tpu.memory_space<vmem_shared>>)
        tpu.yield
      }) : () -> ()
      %mul3A_79 = arith.constant 1000 : i32
      %mul3A_80 = arith.muli %arg1, %mul3A_79 : i32
      %add3A_81 = arith.constant 480 : i32
      %add3A_82 = arith.addi %mul3A_80, %add3A_81 : i32
      %multiple_of3A_83 = tpu.assume_multiple %add3A_82, 8 : i32
      "tpu.region"() ({
        %run_scoped3A = tpu.sem_alloc : memref<!tpu.dma_semaphore, #tpu.memory_space<semaphore_mem>>
        %dma_start3A = arith.constant 0 : i32
        %dma_start3A_144 = tpu.memref_slice %arg20[%multiple_of3A_83, %dma_start3A] : memref<10000x128xf32, #tpu.memory_space<vmem_shared>> -> memref<40x128xf32, #tpu.memory_space<vmem_shared>>
        %dma_start3A_145 = arith.constant 0 : i32
        %dma_start3A_146 = tpu.memref_slice %arg20[%multiple_of3A_83, %dma_start3A_145] : memref<10000x128xf32, #tpu.memory_space<vmem_shared>> -> memref<40x128xf32, #tpu.memory_space<vmem_shared>>
        tpu.enqueue_dma source(%arg16 : memref<40x128xf32, #tpu.memory_space<vmem>>) target(%dma_start3A_146 : memref<40x128xf32, #tpu.memory_space<vmem_shared>>) target_semaphore(%run_scoped3A : memref<!tpu.dma_semaphore, #tpu.memory_space<semaphore_mem>>)
        %dma_wait3A = arith.constant 0 : i32
        %dma_wait3A_147 = tpu.memref_slice %arg20[%multiple_of3A_83, %dma_wait3A] : memref<10000x128xf32, #tpu.memory_space<vmem_shared>> -> memref<40x128xf32, #tpu.memory_space<vmem_shared>>
        %dma_wait3A_148 = arith.constant 0 : i32
        %dma_wait3A_149 = tpu.memref_slice %arg20[%multiple_of3A_83, %dma_wait3A_148] : memref<10000x128xf32, #tpu.memory_space<vmem_shared>> -> memref<40x128xf32, #tpu.memory_space<vmem_shared>>
        tpu.wait_dma2 semaphore(%run_scoped3A : memref<!tpu.dma_semaphore, #tpu.memory_space<semaphore_mem>>) src(%arg16 : memref<40x128xf32, #tpu.memory_space<vmem>>) dst(%dma_wait3A_149 : memref<40x128xf32, #tpu.memory_space<vmem_shared>>)
        tpu.yield
      }) : () -> ()
      %mul3A_84 = arith.constant 1000 : i32
      %mul3A_85 = arith.muli %arg1, %mul3A_84 : i32
      %add3A_86 = arith.constant 520 : i32
      %add3A_87 = arith.addi %mul3A_85, %add3A_86 : i32
      %multiple_of3A_88 = tpu.assume_multiple %add3A_87, 8 : i32
      "tpu.region"() ({
        %run_scoped3A = tpu.sem_alloc : memref<!tpu.dma_semaphore, #tpu.memory_space<semaphore_mem>>
        %dma_start3A = arith.constant 0 : i32
        %dma_start3A_144 = tpu.memref_slice %arg20[%multiple_of3A_88, %dma_start3A] : memref<10000x128xf32, #tpu.memory_space<vmem_shared>> -> memref<40x128xf32, #tpu.memory_space<vmem_shared>>
        %dma_start3A_145 = arith.constant 0 : i32
        %dma_start3A_146 = tpu.memref_slice %arg20[%multiple_of3A_88, %dma_start3A_145] : memref<10000x128xf32, #tpu.memory_space<vmem_shared>> -> memref<40x128xf32, #tpu.memory_space<vmem_shared>>
        tpu.enqueue_dma source(%arg16 : memref<40x128xf32, #tpu.memory_space<vmem>>) target(%dma_start3A_146 : memref<40x128xf32, #tpu.memory_space<vmem_shared>>) target_semaphore(%run_scoped3A : memref<!tpu.dma_semaphore, #tpu.memory_space<semaphore_mem>>)
        %dma_wait3A = arith.constant 0 : i32
        %dma_wait3A_147 = tpu.memref_slice %arg20[%multiple_of3A_88, %dma_wait3A] : memref<10000x128xf32, #tpu.memory_space<vmem_shared>> -> memref<40x128xf32, #tpu.memory_space<vmem_shared>>
        %dma_wait3A_148 = arith.constant 0 : i32
        %dma_wait3A_149 = tpu.memref_slice %arg20[%multiple_of3A_88, %dma_wait3A_148] : memref<10000x128xf32, #tpu.memory_space<vmem_shared>> -> memref<40x128xf32, #tpu.memory_space<vmem_shared>>
        tpu.wait_dma2 semaphore(%run_scoped3A : memref<!tpu.dma_semaphore, #tpu.memory_space<semaphore_mem>>) src(%arg16 : memref<40x128xf32, #tpu.memory_space<vmem>>) dst(%dma_wait3A_149 : memref<40x128xf32, #tpu.memory_space<vmem_shared>>)
        tpu.yield
      }) : () -> ()
      %mul3A_89 = arith.constant 1000 : i32
      %mul3A_90 = arith.muli %arg1, %mul3A_89 : i32
      %add3A_91 = arith.constant 560 : i32
      %add3A_92 = arith.addi %mul3A_90, %add3A_91 : i32
      %multiple_of3A_93 = tpu.assume_multiple %add3A_92, 8 : i32
      "tpu.region"() ({
        %run_scoped3A = tpu.sem_alloc : memref<!tpu.dma_semaphore, #tpu.memory_space<semaphore_mem>>
        %dma_start3A = arith.constant 0 : i32
        %dma_start3A_144 = tpu.memref_slice %arg20[%multiple_of3A_93, %dma_start3A] : memref<10000x128xf32, #tpu.memory_space<vmem_shared>> -> memref<40x128xf32, #tpu.memory_space<vmem_shared>>
        %dma_start3A_145 = arith.constant 0 : i32
        %dma_start3A_146 = tpu.memref_slice %arg20[%multiple_of3A_93, %dma_start3A_145] : memref<10000x128xf32, #tpu.memory_space<vmem_shared>> -> memref<40x128xf32, #tpu.memory_space<vmem_shared>>
        tpu.enqueue_dma source(%arg16 : memref<40x128xf32, #tpu.memory_space<vmem>>) target(%dma_start3A_146 : memref<40x128xf32, #tpu.memory_space<vmem_shared>>) target_semaphore(%run_scoped3A : memref<!tpu.dma_semaphore, #tpu.memory_space<semaphore_mem>>)
        %dma_wait3A = arith.constant 0 : i32
        %dma_wait3A_147 = tpu.memref_slice %arg20[%multiple_of3A_93, %dma_wait3A] : memref<10000x128xf32, #tpu.memory_space<vmem_shared>> -> memref<40x128xf32, #tpu.memory_space<vmem_shared>>
        %dma_wait3A_148 = arith.constant 0 : i32
        %dma_wait3A_149 = tpu.memref_slice %arg20[%multiple_of3A_93, %dma_wait3A_148] : memref<10000x128xf32, #tpu.memory_space<vmem_shared>> -> memref<40x128xf32, #tpu.memory_space<vmem_shared>>
        tpu.wait_dma2 semaphore(%run_scoped3A : memref<!tpu.dma_semaphore, #tpu.memory_space<semaphore_mem>>) src(%arg16 : memref<40x128xf32, #tpu.memory_space<vmem>>) dst(%dma_wait3A_149 : memref<40x128xf32, #tpu.memory_space<vmem_shared>>)
        tpu.yield
      }) : () -> ()
      %mul3A_94 = arith.constant 1000 : i32
      %mul3A_95 = arith.muli %arg1, %mul3A_94 : i32
      %add3A_96 = arith.constant 600 : i32
      %add3A_97 = arith.addi %mul3A_95, %add3A_96 : i32
      %multiple_of3A_98 = tpu.assume_multiple %add3A_97, 8 : i32
      "tpu.region"() ({
        %run_scoped3A = tpu.sem_alloc : memref<!tpu.dma_semaphore, #tpu.memory_space<semaphore_mem>>
        %dma_start3A = arith.constant 0 : i32
        %dma_start3A_144 = tpu.memref_slice %arg20[%multiple_of3A_98, %dma_start3A] : memref<10000x128xf32, #tpu.memory_space<vmem_shared>> -> memref<40x128xf32, #tpu.memory_space<vmem_shared>>
        %dma_start3A_145 = arith.constant 0 : i32
        %dma_start3A_146 = tpu.memref_slice %arg20[%multiple_of3A_98, %dma_start3A_145] : memref<10000x128xf32, #tpu.memory_space<vmem_shared>> -> memref<40x128xf32, #tpu.memory_space<vmem_shared>>
        tpu.enqueue_dma source(%arg16 : memref<40x128xf32, #tpu.memory_space<vmem>>) target(%dma_start3A_146 : memref<40x128xf32, #tpu.memory_space<vmem_shared>>) target_semaphore(%run_scoped3A : memref<!tpu.dma_semaphore, #tpu.memory_space<semaphore_mem>>)
        %dma_wait3A = arith.constant 0 : i32
        %dma_wait3A_147 = tpu.memref_slice %arg20[%multiple_of3A_98, %dma_wait3A] : memref<10000x128xf32, #tpu.memory_space<vmem_shared>> -> memref<40x128xf32, #tpu.memory_space<vmem_shared>>
        %dma_wait3A_148 = arith.constant 0 : i32
        %dma_wait3A_149 = tpu.memref_slice %arg20[%multiple_of3A_98, %dma_wait3A_148] : memref<10000x128xf32, #tpu.memory_space<vmem_shared>> -> memref<40x128xf32, #tpu.memory_space<vmem_shared>>
        tpu.wait_dma2 semaphore(%run_scoped3A : memref<!tpu.dma_semaphore, #tpu.memory_space<semaphore_mem>>) src(%arg16 : memref<40x128xf32, #tpu.memory_space<vmem>>) dst(%dma_wait3A_149 : memref<40x128xf32, #tpu.memory_space<vmem_shared>>)
        tpu.yield
      }) : () -> ()
      %mul3A_99 = arith.constant 1000 : i32
      %mul3A_100 = arith.muli %arg1, %mul3A_99 : i32
      %add3A_101 = arith.constant 640 : i32
      %add3A_102 = arith.addi %mul3A_100, %add3A_101 : i32
      %multiple_of3A_103 = tpu.assume_multiple %add3A_102, 8 : i32
      "tpu.region"() ({
        %run_scoped3A = tpu.sem_alloc : memref<!tpu.dma_semaphore, #tpu.memory_space<semaphore_mem>>
        %dma_start3A = arith.constant 0 : i32
        %dma_start3A_144 = tpu.memref_slice %arg20[%multiple_of3A_103, %dma_start3A] : memref<10000x128xf32, #tpu.memory_space<vmem_shared>> -> memref<40x128xf32, #tpu.memory_space<vmem_shared>>
        %dma_start3A_145 = arith.constant 0 : i32
        %dma_start3A_146 = tpu.memref_slice %arg20[%multiple_of3A_103, %dma_start3A_145] : memref<10000x128xf32, #tpu.memory_space<vmem_shared>> -> memref<40x128xf32, #tpu.memory_space<vmem_shared>>
        tpu.enqueue_dma source(%arg16 : memref<40x128xf32, #tpu.memory_space<vmem>>) target(%dma_start3A_146 : memref<40x128xf32, #tpu.memory_space<vmem_shared>>) target_semaphore(%run_scoped3A : memref<!tpu.dma_semaphore, #tpu.memory_space<semaphore_mem>>)
        %dma_wait3A = arith.constant 0 : i32
        %dma_wait3A_147 = tpu.memref_slice %arg20[%multiple_of3A_103, %dma_wait3A] : memref<10000x128xf32, #tpu.memory_space<vmem_shared>> -> memref<40x128xf32, #tpu.memory_space<vmem_shared>>
        %dma_wait3A_148 = arith.constant 0 : i32
        %dma_wait3A_149 = tpu.memref_slice %arg20[%multiple_of3A_103, %dma_wait3A_148] : memref<10000x128xf32, #tpu.memory_space<vmem_shared>> -> memref<40x128xf32, #tpu.memory_space<vmem_shared>>
        tpu.wait_dma2 semaphore(%run_scoped3A : memref<!tpu.dma_semaphore, #tpu.memory_space<semaphore_mem>>) src(%arg16 : memref<40x128xf32, #tpu.memory_space<vmem>>) dst(%dma_wait3A_149 : memref<40x128xf32, #tpu.memory_space<vmem_shared>>)
        tpu.yield
      }) : () -> ()
      %mul3A_104 = arith.constant 1000 : i32
      %mul3A_105 = arith.muli %arg1, %mul3A_104 : i32
      %add3A_106 = arith.constant 680 : i32
      %add3A_107 = arith.addi %mul3A_105, %add3A_106 : i32
      %multiple_of3A_108 = tpu.assume_multiple %add3A_107, 8 : i32
      "tpu.region"() ({
        %run_scoped3A = tpu.sem_alloc : memref<!tpu.dma_semaphore, #tpu.memory_space<semaphore_mem>>
        %dma_start3A = arith.constant 0 : i32
        %dma_start3A_144 = tpu.memref_slice %arg20[%multiple_of3A_108, %dma_start3A] : memref<10000x128xf32, #tpu.memory_space<vmem_shared>> -> memref<40x128xf32, #tpu.memory_space<vmem_shared>>
        %dma_start3A_145 = arith.constant 0 : i32
        %dma_start3A_146 = tpu.memref_slice %arg20[%multiple_of3A_108, %dma_start3A_145] : memref<10000x128xf32, #tpu.memory_space<vmem_shared>> -> memref<40x128xf32, #tpu.memory_space<vmem_shared>>
        tpu.enqueue_dma source(%arg16 : memref<40x128xf32, #tpu.memory_space<vmem>>) target(%dma_start3A_146 : memref<40x128xf32, #tpu.memory_space<vmem_shared>>) target_semaphore(%run_scoped3A : memref<!tpu.dma_semaphore, #tpu.memory_space<semaphore_mem>>)
        %dma_wait3A = arith.constant 0 : i32
        %dma_wait3A_147 = tpu.memref_slice %arg20[%multiple_of3A_108, %dma_wait3A] : memref<10000x128xf32, #tpu.memory_space<vmem_shared>> -> memref<40x128xf32, #tpu.memory_space<vmem_shared>>
        %dma_wait3A_148 = arith.constant 0 : i32
        %dma_wait3A_149 = tpu.memref_slice %arg20[%multiple_of3A_108, %dma_wait3A_148] : memref<10000x128xf32, #tpu.memory_space<vmem_shared>> -> memref<40x128xf32, #tpu.memory_space<vmem_shared>>
        tpu.wait_dma2 semaphore(%run_scoped3A : memref<!tpu.dma_semaphore, #tpu.memory_space<semaphore_mem>>) src(%arg16 : memref<40x128xf32, #tpu.memory_space<vmem>>) dst(%dma_wait3A_149 : memref<40x128xf32, #tpu.memory_space<vmem_shared>>)
        tpu.yield
      }) : () -> ()
      %mul3A_109 = arith.constant 1000 : i32
      %mul3A_110 = arith.muli %arg1, %mul3A_109 : i32
      %add3A_111 = arith.constant 720 : i32
      %add3A_112 = arith.addi %mul3A_110, %add3A_111 : i32
      %multiple_of3A_113 = tpu.assume_multiple %add3A_112, 8 : i32
      "tpu.region"() ({
        %run_scoped3A = tpu.sem_alloc : memref<!tpu.dma_semaphore, #tpu.memory_space<semaphore_mem>>
        %dma_start3A = arith.constant 0 : i32
        %dma_start3A_144 = tpu.memref_slice %arg20[%multiple_of3A_113, %dma_start3A] : memref<10000x128xf32, #tpu.memory_space<vmem_shared>> -> memref<40x128xf32, #tpu.memory_space<vmem_shared>>
        %dma_start3A_145 = arith.constant 0 : i32
        %dma_start3A_146 = tpu.memref_slice %arg20[%multiple_of3A_113, %dma_start3A_145] : memref<10000x128xf32, #tpu.memory_space<vmem_shared>> -> memref<40x128xf32, #tpu.memory_space<vmem_shared>>
        tpu.enqueue_dma source(%arg16 : memref<40x128xf32, #tpu.memory_space<vmem>>) target(%dma_start3A_146 : memref<40x128xf32, #tpu.memory_space<vmem_shared>>) target_semaphore(%run_scoped3A : memref<!tpu.dma_semaphore, #tpu.memory_space<semaphore_mem>>)
        %dma_wait3A = arith.constant 0 : i32
        %dma_wait3A_147 = tpu.memref_slice %arg20[%multiple_of3A_113, %dma_wait3A] : memref<10000x128xf32, #tpu.memory_space<vmem_shared>> -> memref<40x128xf32, #tpu.memory_space<vmem_shared>>
        %dma_wait3A_148 = arith.constant 0 : i32
        %dma_wait3A_149 = tpu.memref_slice %arg20[%multiple_of3A_113, %dma_wait3A_148] : memref<10000x128xf32, #tpu.memory_space<vmem_shared>> -> memref<40x128xf32, #tpu.memory_space<vmem_shared>>
        tpu.wait_dma2 semaphore(%run_scoped3A : memref<!tpu.dma_semaphore, #tpu.memory_space<semaphore_mem>>) src(%arg16 : memref<40x128xf32, #tpu.memory_space<vmem>>) dst(%dma_wait3A_149 : memref<40x128xf32, #tpu.memory_space<vmem_shared>>)
        tpu.yield
      }) : () -> ()
      %mul3A_114 = arith.constant 1000 : i32
      %mul3A_115 = arith.muli %arg1, %mul3A_114 : i32
      %add3A_116 = arith.constant 760 : i32
      %add3A_117 = arith.addi %mul3A_115, %add3A_116 : i32
      %multiple_of3A_118 = tpu.assume_multiple %add3A_117, 8 : i32
      "tpu.region"() ({
        %run_scoped3A = tpu.sem_alloc : memref<!tpu.dma_semaphore, #tpu.memory_space<semaphore_mem>>
        %dma_start3A = arith.constant 0 : i32
        %dma_start3A_144 = tpu.memref_slice %arg20[%multiple_of3A_118, %dma_start3A] : memref<10000x128xf32, #tpu.memory_space<vmem_shared>> -> memref<40x128xf32, #tpu.memory_space<vmem_shared>>
        %dma_start3A_145 = arith.constant 0 : i32
        %dma_start3A_146 = tpu.memref_slice %arg20[%multiple_of3A_118, %dma_start3A_145] : memref<10000x128xf32, #tpu.memory_space<vmem_shared>> -> memref<40x128xf32, #tpu.memory_space<vmem_shared>>
        tpu.enqueue_dma source(%arg16 : memref<40x128xf32, #tpu.memory_space<vmem>>) target(%dma_start3A_146 : memref<40x128xf32, #tpu.memory_space<vmem_shared>>) target_semaphore(%run_scoped3A : memref<!tpu.dma_semaphore, #tpu.memory_space<semaphore_mem>>)
        %dma_wait3A = arith.constant 0 : i32
        %dma_wait3A_147 = tpu.memref_slice %arg20[%multiple_of3A_118, %dma_wait3A] : memref<10000x128xf32, #tpu.memory_space<vmem_shared>> -> memref<40x128xf32, #tpu.memory_space<vmem_shared>>
        %dma_wait3A_148 = arith.constant 0 : i32
        %dma_wait3A_149 = tpu.memref_slice %arg20[%multiple_of3A_118, %dma_wait3A_148] : memref<10000x128xf32, #tpu.memory_space<vmem_shared>> -> memref<40x128xf32, #tpu.memory_space<vmem_shared>>
        tpu.wait_dma2 semaphore(%run_scoped3A : memref<!tpu.dma_semaphore, #tpu.memory_space<semaphore_mem>>) src(%arg16 : memref<40x128xf32, #tpu.memory_space<vmem>>) dst(%dma_wait3A_149 : memref<40x128xf32, #tpu.memory_space<vmem_shared>>)
        tpu.yield
      }) : () -> ()
      %mul3A_119 = arith.constant 1000 : i32
      %mul3A_120 = arith.muli %arg1, %mul3A_119 : i32
      %add3A_121 = arith.constant 800 : i32
      %add3A_122 = arith.addi %mul3A_120, %add3A_121 : i32
      %multiple_of3A_123 = tpu.assume_multiple %add3A_122, 8 : i32
      "tpu.region"() ({
        %run_scoped3A = tpu.sem_alloc : memref<!tpu.dma_semaphore, #tpu.memory_space<semaphore_mem>>
        %dma_start3A = arith.constant 0 : i32
        %dma_start3A_144 = tpu.memref_slice %arg20[%multiple_of3A_123, %dma_start3A] : memref<10000x128xf32, #tpu.memory_space<vmem_shared>> -> memref<40x128xf32, #tpu.memory_space<vmem_shared>>
        %dma_start3A_145 = arith.constant 0 : i32
        %dma_start3A_146 = tpu.memref_slice %arg20[%multiple_of3A_123, %dma_start3A_145] : memref<10000x128xf32, #tpu.memory_space<vmem_shared>> -> memref<40x128xf32, #tpu.memory_space<vmem_shared>>
        tpu.enqueue_dma source(%arg16 : memref<40x128xf32, #tpu.memory_space<vmem>>) target(%dma_start3A_146 : memref<40x128xf32, #tpu.memory_space<vmem_shared>>) target_semaphore(%run_scoped3A : memref<!tpu.dma_semaphore, #tpu.memory_space<semaphore_mem>>)
        %dma_wait3A = arith.constant 0 : i32
        %dma_wait3A_147 = tpu.memref_slice %arg20[%multiple_of3A_123, %dma_wait3A] : memref<10000x128xf32, #tpu.memory_space<vmem_shared>> -> memref<40x128xf32, #tpu.memory_space<vmem_shared>>
        %dma_wait3A_148 = arith.constant 0 : i32
        %dma_wait3A_149 = tpu.memref_slice %arg20[%multiple_of3A_123, %dma_wait3A_148] : memref<10000x128xf32, #tpu.memory_space<vmem_shared>> -> memref<40x128xf32, #tpu.memory_space<vmem_shared>>
        tpu.wait_dma2 semaphore(%run_scoped3A : memref<!tpu.dma_semaphore, #tpu.memory_space<semaphore_mem>>) src(%arg16 : memref<40x128xf32, #tpu.memory_space<vmem>>) dst(%dma_wait3A_149 : memref<40x128xf32, #tpu.memory_space<vmem_shared>>)
        tpu.yield
      }) : () -> ()
      %mul3A_124 = arith.constant 1000 : i32
      %mul3A_125 = arith.muli %arg1, %mul3A_124 : i32
      %add3A_126 = arith.constant 840 : i32
      %add3A_127 = arith.addi %mul3A_125, %add3A_126 : i32
      %multiple_of3A_128 = tpu.assume_multiple %add3A_127, 8 : i32
      "tpu.region"() ({
        %run_scoped3A = tpu.sem_alloc : memref<!tpu.dma_semaphore, #tpu.memory_space<semaphore_mem>>
        %dma_start3A = arith.constant 0 : i32
        %dma_start3A_144 = tpu.memref_slice %arg20[%multiple_of3A_128, %dma_start3A] : memref<10000x128xf32, #tpu.memory_space<vmem_shared>> -> memref<40x128xf32, #tpu.memory_space<vmem_shared>>
        %dma_start3A_145 = arith.constant 0 : i32
        %dma_start3A_146 = tpu.memref_slice %arg20[%multiple_of3A_128, %dma_start3A_145] : memref<10000x128xf32, #tpu.memory_space<vmem_shared>> -> memref<40x128xf32, #tpu.memory_space<vmem_shared>>
        tpu.enqueue_dma source(%arg16 : memref<40x128xf32, #tpu.memory_space<vmem>>) target(%dma_start3A_146 : memref<40x128xf32, #tpu.memory_space<vmem_shared>>) target_semaphore(%run_scoped3A : memref<!tpu.dma_semaphore, #tpu.memory_space<semaphore_mem>>)
        %dma_wait3A = arith.constant 0 : i32
        %dma_wait3A_147 = tpu.memref_slice %arg20[%multiple_of3A_128, %dma_wait3A] : memref<10000x128xf32, #tpu.memory_space<vmem_shared>> -> memref<40x128xf32, #tpu.memory_space<vmem_shared>>
        %dma_wait3A_148 = arith.constant 0 : i32
        %dma_wait3A_149 = tpu.memref_slice %arg20[%multiple_of3A_128, %dma_wait3A_148] : memref<10000x128xf32, #tpu.memory_space<vmem_shared>> -> memref<40x128xf32, #tpu.memory_space<vmem_shared>>
        tpu.wait_dma2 semaphore(%run_scoped3A : memref<!tpu.dma_semaphore, #tpu.memory_space<semaphore_mem>>) src(%arg16 : memref<40x128xf32, #tpu.memory_space<vmem>>) dst(%dma_wait3A_149 : memref<40x128xf32, #tpu.memory_space<vmem_shared>>)
        tpu.yield
      }) : () -> ()
      %mul3A_129 = arith.constant 1000 : i32
      %mul3A_130 = arith.muli %arg1, %mul3A_129 : i32
      %add3A_131 = arith.constant 880 : i32
      %add3A_132 = arith.addi %mul3A_130, %add3A_131 : i32
      %multiple_of3A_133 = tpu.assume_multiple %add3A_132, 8 : i32
      "tpu.region"() ({
        %run_scoped3A = tpu.sem_alloc : memref<!tpu.dma_semaphore, #tpu.memory_space<semaphore_mem>>
        %dma_start3A = arith.constant 0 : i32
        %dma_start3A_144 = tpu.memref_slice %arg20[%multiple_of3A_133, %dma_start3A] : memref<10000x128xf32, #tpu.memory_space<vmem_shared>> -> memref<40x128xf32, #tpu.memory_space<vmem_shared>>
        %dma_start3A_145 = arith.constant 0 : i32
        %dma_start3A_146 = tpu.memref_slice %arg20[%multiple_of3A_133, %dma_start3A_145] : memref<10000x128xf32, #tpu.memory_space<vmem_shared>> -> memref<40x128xf32, #tpu.memory_space<vmem_shared>>
        tpu.enqueue_dma source(%arg16 : memref<40x128xf32, #tpu.memory_space<vmem>>) target(%dma_start3A_146 : memref<40x128xf32, #tpu.memory_space<vmem_shared>>) target_semaphore(%run_scoped3A : memref<!tpu.dma_semaphore, #tpu.memory_space<semaphore_mem>>)
        %dma_wait3A = arith.constant 0 : i32
        %dma_wait3A_147 = tpu.memref_slice %arg20[%multiple_of3A_133, %dma_wait3A] : memref<10000x128xf32, #tpu.memory_space<vmem_shared>> -> memref<40x128xf32, #tpu.memory_space<vmem_shared>>
        %dma_wait3A_148 = arith.constant 0 : i32
        %dma_wait3A_149 = tpu.memref_slice %arg20[%multiple_of3A_133, %dma_wait3A_148] : memref<10000x128xf32, #tpu.memory_space<vmem_shared>> -> memref<40x128xf32, #tpu.memory_space<vmem_shared>>
        tpu.wait_dma2 semaphore(%run_scoped3A : memref<!tpu.dma_semaphore, #tpu.memory_space<semaphore_mem>>) src(%arg16 : memref<40x128xf32, #tpu.memory_space<vmem>>) dst(%dma_wait3A_149 : memref<40x128xf32, #tpu.memory_space<vmem_shared>>)
        tpu.yield
      }) : () -> ()
      %mul3A_134 = arith.constant 1000 : i32
      %mul3A_135 = arith.muli %arg1, %mul3A_134 : i32
      %add3A_136 = arith.constant 920 : i32
      %add3A_137 = arith.addi %mul3A_135, %add3A_136 : i32
      %multiple_of3A_138 = tpu.assume_multiple %add3A_137, 8 : i32
      "tpu.region"() ({
        %run_scoped3A = tpu.sem_alloc : memref<!tpu.dma_semaphore, #tpu.memory_space<semaphore_mem>>
        %dma_start3A = arith.constant 0 : i32
        %dma_start3A_144 = tpu.memref_slice %arg20[%multiple_of3A_138, %dma_start3A] : memref<10000x128xf32, #tpu.memory_space<vmem_shared>> -> memref<40x128xf32, #tpu.memory_space<vmem_shared>>
        %dma_start3A_145 = arith.constant 0 : i32
        %dma_start3A_146 = tpu.memref_slice %arg20[%multiple_of3A_138, %dma_start3A_145] : memref<10000x128xf32, #tpu.memory_space<vmem_shared>> -> memref<40x128xf32, #tpu.memory_space<vmem_shared>>
        tpu.enqueue_dma source(%arg16 : memref<40x128xf32, #tpu.memory_space<vmem>>) target(%dma_start3A_146 : memref<40x128xf32, #tpu.memory_space<vmem_shared>>) target_semaphore(%run_scoped3A : memref<!tpu.dma_semaphore, #tpu.memory_space<semaphore_mem>>)
        %dma_wait3A = arith.constant 0 : i32
        %dma_wait3A_147 = tpu.memref_slice %arg20[%multiple_of3A_138, %dma_wait3A] : memref<10000x128xf32, #tpu.memory_space<vmem_shared>> -> memref<40x128xf32, #tpu.memory_space<vmem_shared>>
        %dma_wait3A_148 = arith.constant 0 : i32
        %dma_wait3A_149 = tpu.memref_slice %arg20[%multiple_of3A_138, %dma_wait3A_148] : memref<10000x128xf32, #tpu.memory_space<vmem_shared>> -> memref<40x128xf32, #tpu.memory_space<vmem_shared>>
        tpu.wait_dma2 semaphore(%run_scoped3A : memref<!tpu.dma_semaphore, #tpu.memory_space<semaphore_mem>>) src(%arg16 : memref<40x128xf32, #tpu.memory_space<vmem>>) dst(%dma_wait3A_149 : memref<40x128xf32, #tpu.memory_space<vmem_shared>>)
        tpu.yield
      }) : () -> ()
      %mul3A_139 = arith.constant 1000 : i32
      %mul3A_140 = arith.muli %arg1, %mul3A_139 : i32
      %add3A_141 = arith.constant 960 : i32
      %add3A_142 = arith.addi %mul3A_140, %add3A_141 : i32
      %multiple_of3A_143 = tpu.assume_multiple %add3A_142, 8 : i32
      "tpu.region"() ({
        %run_scoped3A = tpu.sem_alloc : memref<!tpu.dma_semaphore, #tpu.memory_space<semaphore_mem>>
        %dma_start3A = arith.constant 0 : i32
        %dma_start3A_144 = tpu.memref_slice %arg20[%multiple_of3A_143, %dma_start3A] : memref<10000x128xf32, #tpu.memory_space<vmem_shared>> -> memref<40x128xf32, #tpu.memory_space<vmem_shared>>
        %dma_start3A_145 = arith.constant 0 : i32
        %dma_start3A_146 = tpu.memref_slice %arg20[%multiple_of3A_143, %dma_start3A_145] : memref<10000x128xf32, #tpu.memory_space<vmem_shared>> -> memref<40x128xf32, #tpu.memory_space<vmem_shared>>
        tpu.enqueue_dma source(%arg16 : memref<40x128xf32, #tpu.memory_space<vmem>>) target(%dma_start3A_146 : memref<40x128xf32, #tpu.memory_space<vmem_shared>>) target_semaphore(%run_scoped3A : memref<!tpu.dma_semaphore, #tpu.memory_space<semaphore_mem>>)
        %dma_wait3A = arith.constant 0 : i32
        %dma_wait3A_147 = tpu.memref_slice %arg20[%multiple_of3A_143, %dma_wait3A] : memref<10000x128xf32, #tpu.memory_space<vmem_shared>> -> memref<40x128xf32, #tpu.memory_space<vmem_shared>>
        %dma_wait3A_148 = arith.constant 0 : i32
        %dma_wait3A_149 = tpu.memref_slice %arg20[%multiple_of3A_143, %dma_wait3A_148] : memref<10000x128xf32, #tpu.memory_space<vmem_shared>> -> memref<40x128xf32, #tpu.memory_space<vmem_shared>>
        tpu.wait_dma2 semaphore(%run_scoped3A : memref<!tpu.dma_semaphore, #tpu.memory_space<semaphore_mem>>) src(%arg16 : memref<40x128xf32, #tpu.memory_space<vmem>>) dst(%dma_wait3A_149 : memref<40x128xf32, #tpu.memory_space<vmem_shared>>)
        tpu.yield
      }) : () -> ()
    } else {
    }
    %barrier3A = arith.constant 0 : index
    tpu.barrier barrier_id(%barrier3A)
    %scan3A = arith.constant 0 : i32
    %scan3A_3 = arith.constant 0 : i32
    %scan3A_4 = arith.constant 250 : i32
    %scan3A_5 = arith.addi %scan3A_3, %scan3A_4 : i32
    %scan3A_6 = arith.constant 1 : i32
    scf.for %scan3A_14 = %scan3A_3 to %scan3A_5 step %scan3A_6  : i32 {
      %mul3A_15 = arith.constant 10000 : i32
      %mul3A_16 = arith.muli %add3A, %mul3A_15 : i32
      %mul3A_17 = arith.constant 40 : i32
      %mul3A_18 = arith.muli %scan3A_14, %mul3A_17 : i32
      %add3A_19 = arith.addi %mul3A_16, %mul3A_18 : i32
      %multiple_of3A = tpu.assume_multiple %add3A_19, 8 : i32
      "tpu.region"() ({
        %run_scoped3A = tpu.sem_alloc : memref<!tpu.dma_semaphore, #tpu.memory_space<semaphore_mem>>
        %dma_start3A_66 = tpu.memref_slice %arg2[%multiple_of3A] : memref<320000xi32, #tpu.memory_space<hbm>> -> memref<40xi32, #tpu.memory_space<hbm>>
        %dma_start3A_67 = tpu.memref_slice %arg2[%multiple_of3A] : memref<320000xi32, #tpu.memory_space<hbm>> -> memref<40xi32, #tpu.memory_space<hbm>>
        tpu.enqueue_dma source(%dma_start3A_67 : memref<40xi32, #tpu.memory_space<hbm>>) target(%arg12 : memref<40xi32, #tpu.memory_space<vmem>>) target_semaphore(%run_scoped3A : memref<!tpu.dma_semaphore, #tpu.memory_space<semaphore_mem>>)
        %dma_wait3A_68 = tpu.memref_slice %arg2[%multiple_of3A] : memref<320000xi32, #tpu.memory_space<hbm>> -> memref<40xi32, #tpu.memory_space<hbm>>
        %dma_wait3A_69 = tpu.memref_slice %arg2[%multiple_of3A] : memref<320000xi32, #tpu.memory_space<hbm>> -> memref<40xi32, #tpu.memory_space<hbm>>
        tpu.wait_dma2 semaphore(%run_scoped3A : memref<!tpu.dma_semaphore, #tpu.memory_space<semaphore_mem>>) src(%dma_wait3A_69 : memref<40xi32, #tpu.memory_space<hbm>>) dst(%arg12 : memref<40xi32, #tpu.memory_space<vmem>>)
        tpu.yield
      }) : () -> ()
      "tpu.region"() ({
        %run_scoped3A = tpu.sem_alloc : memref<!tpu.dma_semaphore, #tpu.memory_space<semaphore_mem>>
        %dma_start3A_66 = tpu.memref_slice %arg3[%multiple_of3A] : memref<320000xi32, #tpu.memory_space<hbm>> -> memref<40xi32, #tpu.memory_space<hbm>>
        %dma_start3A_67 = tpu.memref_slice %arg3[%multiple_of3A] : memref<320000xi32, #tpu.memory_space<hbm>> -> memref<40xi32, #tpu.memory_space<hbm>>
        tpu.enqueue_dma source(%dma_start3A_67 : memref<40xi32, #tpu.memory_space<hbm>>) target(%arg13 : memref<40xi32, #tpu.memory_space<vmem>>) target_semaphore(%run_scoped3A : memref<!tpu.dma_semaphore, #tpu.memory_space<semaphore_mem>>)
        %dma_wait3A_68 = tpu.memref_slice %arg3[%multiple_of3A] : memref<320000xi32, #tpu.memory_space<hbm>> -> memref<40xi32, #tpu.memory_space<hbm>>
        %dma_wait3A_69 = tpu.memref_slice %arg3[%multiple_of3A] : memref<320000xi32, #tpu.memory_space<hbm>> -> memref<40xi32, #tpu.memory_space<hbm>>
        tpu.wait_dma2 semaphore(%run_scoped3A : memref<!tpu.dma_semaphore, #tpu.memory_space<semaphore_mem>>) src(%dma_wait3A_69 : memref<40xi32, #tpu.memory_space<hbm>>) dst(%arg13 : memref<40xi32, #tpu.memory_space<vmem>>)
        tpu.yield
      }) : () -> ()
      %dma_start3A = arith.constant 0 : i32
      %dma_start3A_20 = arith.constant 0 : i32
      %dma_start3A_21 = tpu.memref_slice %arg4[%dma_start3A, %dma_start3A_20] : memref<10000x128xf32, #tpu.memory_space<hbm>> -> memref<10000x128xf32, #tpu.memory_space<hbm>>
      tpu.enqueue_indirect_dma source(%dma_start3A_21 : memref<10000x128xf32, #tpu.memory_space<hbm>>) target(%arg14 : memref<40x128xf32, #tpu.memory_space<vmem>>) offsets(%arg12 : memref<40xi32, #tpu.memory_space<vmem>>) semaphore(%arg21 : memref<!tpu.dma_semaphore, #tpu.memory_space<semaphore_mem>>)
      %dma_start3A_22 = arith.constant 0 : i32
      %dma_start3A_23 = arith.constant 0 : i32
      %dma_start3A_24 = tpu.memref_slice %arg5[%dma_start3A_22, %dma_start3A_23] : memref<10000x128xf32, #tpu.memory_space<hbm>> -> memref<10000x128xf32, #tpu.memory_space<hbm>>
      tpu.enqueue_indirect_dma source(%dma_start3A_24 : memref<10000x128xf32, #tpu.memory_space<hbm>>) target(%arg15 : memref<40x128xf32, #tpu.memory_space<vmem>>) offsets(%arg13 : memref<40xi32, #tpu.memory_space<vmem>>) semaphore(%arg21 : memref<!tpu.dma_semaphore, #tpu.memory_space<semaphore_mem>>)
      %dma_start3A_25 = arith.constant 0 : i32
      %dma_start3A_26 = arith.constant 0 : i32
      %dma_start3A_27 = tpu.memref_slice %arg6[%dma_start3A_25, %dma_start3A_26] : memref<10000x128xf32, #tpu.memory_space<hbm>> -> memref<10000x128xf32, #tpu.memory_space<hbm>>
      tpu.enqueue_indirect_dma source(%dma_start3A_27 : memref<10000x128xf32, #tpu.memory_space<hbm>>) target(%arg16 : memref<40x128xf32, #tpu.memory_space<vmem>>) offsets(%arg12 : memref<40xi32, #tpu.memory_space<vmem>>) semaphore(%arg21 : memref<!tpu.dma_semaphore, #tpu.memory_space<semaphore_mem>>)
      %dma_start3A_28 = arith.constant 0 : i32
      %dma_start3A_29 = tpu.memref_slice %arg7[%multiple_of3A, %dma_start3A_28] : memref<320000x128xf32, #tpu.memory_space<hbm>> -> memref<40x128xf32, #tpu.memory_space<hbm>>
      %dma_start3A_30 = arith.constant 0 : i32
      %dma_start3A_31 = tpu.memref_slice %arg7[%multiple_of3A, %dma_start3A_30] : memref<320000x128xf32, #tpu.memory_space<hbm>> -> memref<40x128xf32, #tpu.memory_space<hbm>>
      tpu.enqueue_dma source(%dma_start3A_31 : memref<40x128xf32, #tpu.memory_space<hbm>>) target(%arg17 : memref<40x128xf32, #tpu.memory_space<vmem>>) target_semaphore(%arg21 : memref<!tpu.dma_semaphore, #tpu.memory_space<semaphore_mem>>)
      %dma_start3A_32 = arith.constant 0 : i32
      %dma_start3A_33 = tpu.memref_slice %arg8[%multiple_of3A, %dma_start3A_32] : memref<320000x128xf32, #tpu.memory_space<hbm>> -> memref<40x128xf32, #tpu.memory_space<hbm>>
      %dma_start3A_34 = arith.constant 0 : i32
      %dma_start3A_35 = tpu.memref_slice %arg8[%multiple_of3A, %dma_start3A_34] : memref<320000x128xf32, #tpu.memory_space<hbm>> -> memref<40x128xf32, #tpu.memory_space<hbm>>
      tpu.enqueue_dma source(%dma_start3A_35 : memref<40x128xf32, #tpu.memory_space<hbm>>) target(%arg18 : memref<40x128xf32, #tpu.memory_space<vmem>>) target_semaphore(%arg21 : memref<!tpu.dma_semaphore, #tpu.memory_space<semaphore_mem>>)
      %dma_start3A_36 = arith.constant 0 : i32
      %dma_start3A_37 = tpu.memref_slice %arg9[%multiple_of3A, %dma_start3A_36] : memref<320000x16xf32, #tpu.memory_space<hbm>> -> memref<40x16xf32, #tpu.memory_space<hbm>>
      %dma_start3A_38 = arith.constant 0 : i32
      %dma_start3A_39 = tpu.memref_slice %arg9[%multiple_of3A, %dma_start3A_38] : memref<320000x16xf32, #tpu.memory_space<hbm>> -> memref<40x16xf32, #tpu.memory_space<hbm>>
      tpu.enqueue_dma source(%dma_start3A_39 : memref<40x16xf32, #tpu.memory_space<hbm>>) target(%arg19 : memref<40x16xf32, #tpu.memory_space<vmem>>) target_semaphore(%arg21 : memref<!tpu.dma_semaphore, #tpu.memory_space<semaphore_mem>>)
      %dma_wait3A = arith.constant 0 : i32
      %dma_wait3A_40 = arith.constant 0 : i32
      %dma_wait3A_41 = tpu.memref_slice %arg4[%dma_wait3A, %dma_wait3A_40] : memref<10000x128xf32, #tpu.memory_space<hbm>> -> memref<10000x128xf32, #tpu.memory_space<hbm>>
      tpu.wait_indirect_dma semaphore(%arg21 : memref<!tpu.dma_semaphore, #tpu.memory_space<semaphore_mem>>) src(%dma_wait3A_41 : memref<10000x128xf32, #tpu.memory_space<hbm>>) dst(%arg14 : memref<40x128xf32, #tpu.memory_space<vmem>>)
      %dma_wait3A_42 = arith.constant 0 : i32
      %dma_wait3A_43 = arith.constant 0 : i32
      %dma_wait3A_44 = tpu.memref_slice %arg5[%dma_wait3A_42, %dma_wait3A_43] : memref<10000x128xf32, #tpu.memory_space<hbm>> -> memref<10000x128xf32, #tpu.memory_space<hbm>>
      tpu.wait_indirect_dma semaphore(%arg21 : memref<!tpu.dma_semaphore, #tpu.memory_space<semaphore_mem>>) src(%dma_wait3A_44 : memref<10000x128xf32, #tpu.memory_space<hbm>>) dst(%arg15 : memref<40x128xf32, #tpu.memory_space<vmem>>)
      %dma_wait3A_45 = arith.constant 0 : i32
      %dma_wait3A_46 = arith.constant 0 : i32
      %dma_wait3A_47 = tpu.memref_slice %arg6[%dma_wait3A_45, %dma_wait3A_46] : memref<10000x128xf32, #tpu.memory_space<hbm>> -> memref<10000x128xf32, #tpu.memory_space<hbm>>
      tpu.wait_indirect_dma semaphore(%arg21 : memref<!tpu.dma_semaphore, #tpu.memory_space<semaphore_mem>>) src(%dma_wait3A_47 : memref<10000x128xf32, #tpu.memory_space<hbm>>) dst(%arg16 : memref<40x128xf32, #tpu.memory_space<vmem>>)
      %dma_wait3A_48 = arith.constant 0 : i32
      %dma_wait3A_49 = tpu.memref_slice %arg7[%multiple_of3A, %dma_wait3A_48] : memref<320000x128xf32, #tpu.memory_space<hbm>> -> memref<40x128xf32, #tpu.memory_space<hbm>>
      %dma_wait3A_50 = arith.constant 0 : i32
      %dma_wait3A_51 = tpu.memref_slice %arg7[%multiple_of3A, %dma_wait3A_50] : memref<320000x128xf32, #tpu.memory_space<hbm>> -> memref<40x128xf32, #tpu.memory_space<hbm>>
      tpu.wait_dma2 semaphore(%arg21 : memref<!tpu.dma_semaphore, #tpu.memory_space<semaphore_mem>>) src(%dma_wait3A_51 : memref<40x128xf32, #tpu.memory_space<hbm>>) dst(%arg17 : memref<40x128xf32, #tpu.memory_space<vmem>>)
      %dma_wait3A_52 = arith.constant 0 : i32
      %dma_wait3A_53 = tpu.memref_slice %arg8[%multiple_of3A, %dma_wait3A_52] : memref<320000x128xf32, #tpu.memory_space<hbm>> -> memref<40x128xf32, #tpu.memory_space<hbm>>
      %dma_wait3A_54 = arith.constant 0 : i32
      %dma_wait3A_55 = tpu.memref_slice %arg8[%multiple_of3A, %dma_wait3A_54] : memref<320000x128xf32, #tpu.memory_space<hbm>> -> memref<40x128xf32, #tpu.memory_space<hbm>>
      tpu.wait_dma2 semaphore(%arg21 : memref<!tpu.dma_semaphore, #tpu.memory_space<semaphore_mem>>) src(%dma_wait3A_55 : memref<40x128xf32, #tpu.memory_space<hbm>>) dst(%arg18 : memref<40x128xf32, #tpu.memory_space<vmem>>)
      %dma_wait3A_56 = arith.constant 0 : i32
      %dma_wait3A_57 = tpu.memref_slice %arg9[%multiple_of3A, %dma_wait3A_56] : memref<320000x16xf32, #tpu.memory_space<hbm>> -> memref<40x16xf32, #tpu.memory_space<hbm>>
      %dma_wait3A_58 = arith.constant 0 : i32
      %dma_wait3A_59 = tpu.memref_slice %arg9[%multiple_of3A, %dma_wait3A_58] : memref<320000x16xf32, #tpu.memory_space<hbm>> -> memref<40x16xf32, #tpu.memory_space<hbm>>
      tpu.wait_dma2 semaphore(%arg21 : memref<!tpu.dma_semaphore, #tpu.memory_space<semaphore_mem>>) src(%dma_wait3A_59 : memref<40x16xf32, #tpu.memory_space<hbm>>) dst(%arg19 : memref<40x16xf32, #tpu.memory_space<vmem>>)
      %scan3A_60 = arith.constant 0 : i32
      %scan3A_61 = arith.constant 0 : i32
      %scan3A_62 = arith.constant 40 : i32
      %scan3A_63 = arith.addi %scan3A_61, %scan3A_62 : i32
      %scan3A_64 = arith.constant 1 : i32
      scf.for %scan3A_66 = %scan3A_61 to %scan3A_63 step %scan3A_64  : i32 {
        %get3A = arith.index_cast %scan3A_66 : i32 to index
        %get3A_67 = arith.constant 0 : index
        %get3A_68 = tpu.vector_load %arg19[%get3A, %get3A_67] {strides = array<i32>} : memref<40x16xf32, #tpu.memory_space<vmem>>, vector<1x16xf32>,
        %get3A_69 = vector.shape_cast %get3A_68 : vector<1x16xf32> to vector<16xf32>
        %get3A_70 = arith.index_cast %scan3A_66 : i32 to index
        %get3A_71 = arith.constant 0 : index
        %get3A_72 = tpu.vector_load %arg14[%get3A_70, %get3A_71] {strides = array<i32>} : memref<40x128xf32, #tpu.memory_space<vmem>>, vector<1x16xf32>,
        %get3A_73 = vector.shape_cast %get3A_72 : vector<1x16xf32> to vector<16xf32>
        %get3A_74 = arith.index_cast %scan3A_66 : i32 to index
        %get3A_75 = arith.constant 0 : index
        %get3A_76 = tpu.vector_load %arg15[%get3A_74, %get3A_75] {strides = array<i32>} : memref<40x128xf32, #tpu.memory_space<vmem>>, vector<1x16xf32>,
        %get3A_77 = vector.shape_cast %get3A_76 : vector<1x16xf32> to vector<16xf32>
        %add3A_78 = arith.addf %get3A_73, %get3A_77 : vector<16xf32>
        %get3A_79 = arith.index_cast %scan3A_66 : i32 to index
        %get3A_80 = arith.constant 0 : index
        %get3A_81 = tpu.vector_load %arg17[%get3A_79, %get3A_80] {strides = array<i32>} : memref<40x128xf32, #tpu.memory_space<vmem>>, vector<1x16xf32>,
        %get3A_82 = vector.shape_cast %get3A_81 : vector<1x16xf32> to vector<16xf32>
        %add3A_83 = arith.addf %add3A_78, %get3A_82 : vector<16xf32>
        %swap3A = arith.index_cast %scan3A_66 : i32 to index
        %swap3A_84 = arith.constant 0 : index
        %swap3A_85 = tpu.vector_load %arg14[%swap3A, %swap3A_84] {strides = array<i32>} : memref<40x128xf32, #tpu.memory_space<vmem>>, vector<1x16xf32>,
        %swap3A_86 = vector.shape_cast %swap3A_85 : vector<1x16xf32> to vector<16xf32>
        %swap3A_87 = vector.shape_cast %add3A_83 : vector<16xf32> to vector<1x16xf32>
        tpu.vector_store %arg14[%swap3A, %swap3A_84], %swap3A_87 {strides = array<i32>} : memref<40x128xf32, #tpu.memory_space<vmem>>, vector<1x16xf32>,
        %slice3A = vector.extract_strided_slice %get3A_69 {offsets = [0], sizes = [1], strides = [1]} : vector<16xf32> to vector<1xf32>
        %squeeze3A = vector.extract %slice3A[0] : f32 from vector<1xf32>
        %broadcast_in_dim3A = vector.broadcast %squeeze3A : f32 to vector<16xf32>
        %get3A_88 = arith.index_cast %scan3A_66 : i32 to index
        %get3A_89 = arith.constant 0 : index
        %get3A_90 = tpu.vector_load %arg16[%get3A_88, %get3A_89] {strides = array<i32>} : memref<40x128xf32, #tpu.memory_space<vmem>>, vector<1x16xf32>,
        %get3A_91 = vector.shape_cast %get3A_90 : vector<1x16xf32> to vector<16xf32>
        %get3A_92 = arith.index_cast %scan3A_66 : i32 to index
        %get3A_93 = arith.constant 0 : index
        %get3A_94 = tpu.vector_load %arg18[%get3A_92, %get3A_93] {strides = array<i32>} : memref<40x128xf32, #tpu.memory_space<vmem>>, vector<1x16xf32>,
        %get3A_95 = vector.shape_cast %get3A_94 : vector<1x16xf32> to vector<16xf32>
        %add3A_96 = arith.addf %get3A_91, %get3A_95 : vector<16xf32>
        %mul3A_97 = arith.mulf %broadcast_in_dim3A, %add3A_96 : vector<16xf32>
        %swap3A_98 = arith.index_cast %scan3A_66 : i32 to index
        %swap3A_99 = arith.constant 0 : index
        %swap3A_100 = tpu.vector_load %arg16[%swap3A_98, %swap3A_99] {strides = array<i32>} : memref<40x128xf32, #tpu.memory_space<vmem>>, vector<1x16xf32>,
        %swap3A_101 = vector.shape_cast %swap3A_100 : vector<1x16xf32> to vector<16xf32>
        %swap3A_102 = vector.shape_cast %mul3A_97 : vector<16xf32> to vector<1x16xf32>
        tpu.vector_store %arg16[%swap3A_98, %swap3A_99], %swap3A_102 {strides = array<i32>} : memref<40x128xf32, #tpu.memory_space<vmem>>, vector<1x16xf32>,
        %get3A_103 = arith.index_cast %scan3A_66 : i32 to index
        %get3A_104 = arith.constant 16 : index
        %get3A_105 = tpu.vector_load %arg14[%get3A_103, %get3A_104] {strides = array<i32>} : memref<40x128xf32, #tpu.memory_space<vmem>>, vector<1x16xf32>,
        %get3A_106 = vector.shape_cast %get3A_105 : vector<1x16xf32> to vector<16xf32>
        %get3A_107 = arith.index_cast %scan3A_66 : i32 to index
        %get3A_108 = arith.constant 16 : index
        %get3A_109 = tpu.vector_load %arg15[%get3A_107, %get3A_108] {strides = array<i32>} : memref<40x128xf32, #tpu.memory_space<vmem>>, vector<1x16xf32>,
        %get3A_110 = vector.shape_cast %get3A_109 : vector<1x16xf32> to vector<16xf32>
        %add3A_111 = arith.addf %get3A_106, %get3A_110 : vector<16xf32>
        %get3A_112 = arith.index_cast %scan3A_66 : i32 to index
        %get3A_113 = arith.constant 16 : index
        %get3A_114 = tpu.vector_load %arg17[%get3A_112, %get3A_113] {strides = array<i32>} : memref<40x128xf32, #tpu.memory_space<vmem>>, vector<1x16xf32>,
        %get3A_115 = vector.shape_cast %get3A_114 : vector<1x16xf32> to vector<16xf32>
        %add3A_116 = arith.addf %add3A_111, %get3A_115 : vector<16xf32>
        %swap3A_117 = arith.index_cast %scan3A_66 : i32 to index
        %swap3A_118 = arith.constant 16 : index
        %swap3A_119 = tpu.vector_load %arg14[%swap3A_117, %swap3A_118] {strides = array<i32>} : memref<40x128xf32, #tpu.memory_space<vmem>>, vector<1x16xf32>,
        %swap3A_120 = vector.shape_cast %swap3A_119 : vector<1x16xf32> to vector<16xf32>
        %swap3A_121 = vector.shape_cast %add3A_116 : vector<16xf32> to vector<1x16xf32>
        tpu.vector_store %arg14[%swap3A_117, %swap3A_118], %swap3A_121 {strides = array<i32>} : memref<40x128xf32, #tpu.memory_space<vmem>>, vector<1x16xf32>,
        %slice3A_122 = vector.extract_strided_slice %get3A_69 {offsets = [1], sizes = [1], strides = [1]} : vector<16xf32> to vector<1xf32>
        %squeeze3A_123 = vector.extract %slice3A_122[0] : f32 from vector<1xf32>
        %broadcast_in_dim3A_124 = vector.broadcast %squeeze3A_123 : f32 to vector<16xf32>
        %get3A_125 = arith.index_cast %scan3A_66 : i32 to index
        %get3A_126 = arith.constant 16 : index
        %get3A_127 = tpu.vector_load %arg16[%get3A_125, %get3A_126] {strides = array<i32>} : memref<40x128xf32, #tpu.memory_space<vmem>>, vector<1x16xf32>,
        %get3A_128 = vector.shape_cast %get3A_127 : vector<1x16xf32> to vector<16xf32>
        %get3A_129 = arith.index_cast %scan3A_66 : i32 to index
        %get3A_130 = arith.constant 16 : index
        %get3A_131 = tpu.vector_load %arg18[%get3A_129, %get3A_130] {strides = array<i32>} : memref<40x128xf32, #tpu.memory_space<vmem>>, vector<1x16xf32>,
        %get3A_132 = vector.shape_cast %get3A_131 : vector<1x16xf32> to vector<16xf32>
        %add3A_133 = arith.addf %get3A_128, %get3A_132 : vector<16xf32>
        %mul3A_134 = arith.mulf %broadcast_in_dim3A_124, %add3A_133 : vector<16xf32>
        %swap3A_135 = arith.index_cast %scan3A_66 : i32 to index
        %swap3A_136 = arith.constant 16 : index
        %swap3A_137 = tpu.vector_load %arg16[%swap3A_135, %swap3A_136] {strides = array<i32>} : memref<40x128xf32, #tpu.memory_space<vmem>>, vector<1x16xf32>,
        %swap3A_138 = vector.shape_cast %swap3A_137 : vector<1x16xf32> to vector<16xf32>
        %swap3A_139 = vector.shape_cast %mul3A_134 : vector<16xf32> to vector<1x16xf32>
        tpu.vector_store %arg16[%swap3A_135, %swap3A_136], %swap3A_139 {strides = array<i32>} : memref<40x128xf32, #tpu.memory_space<vmem>>, vector<1x16xf32>,
        %get3A_140 = arith.index_cast %scan3A_66 : i32 to index
        %get3A_141 = arith.constant 32 : index
        %get3A_142 = tpu.vector_load %arg14[%get3A_140, %get3A_141] {strides = array<i32>} : memref<40x128xf32, #tpu.memory_space<vmem>>, vector<1x16xf32>,
        %get3A_143 = vector.shape_cast %get3A_142 : vector<1x16xf32> to vector<16xf32>
        %get3A_144 = arith.index_cast %scan3A_66 : i32 to index
        %get3A_145 = arith.constant 32 : index
        %get3A_146 = tpu.vector_load %arg15[%get3A_144, %get3A_145] {strides = array<i32>} : memref<40x128xf32, #tpu.memory_space<vmem>>, vector<1x16xf32>,
        %get3A_147 = vector.shape_cast %get3A_146 : vector<1x16xf32> to vector<16xf32>
        %add3A_148 = arith.addf %get3A_143, %get3A_147 : vector<16xf32>
        %get3A_149 = arith.index_cast %scan3A_66 : i32 to index
        %get3A_150 = arith.constant 32 : index
        %get3A_151 = tpu.vector_load %arg17[%get3A_149, %get3A_150] {strides = array<i32>} : memref<40x128xf32, #tpu.memory_space<vmem>>, vector<1x16xf32>,
        %get3A_152 = vector.shape_cast %get3A_151 : vector<1x16xf32> to vector<16xf32>
        %add3A_153 = arith.addf %add3A_148, %get3A_152 : vector<16xf32>
        %swap3A_154 = arith.index_cast %scan3A_66 : i32 to index
        %swap3A_155 = arith.constant 32 : index
        %swap3A_156 = tpu.vector_load %arg14[%swap3A_154, %swap3A_155] {strides = array<i32>} : memref<40x128xf32, #tpu.memory_space<vmem>>, vector<1x16xf32>,
        %swap3A_157 = vector.shape_cast %swap3A_156 : vector<1x16xf32> to vector<16xf32>
        %swap3A_158 = vector.shape_cast %add3A_153 : vector<16xf32> to vector<1x16xf32>
        tpu.vector_store %arg14[%swap3A_154, %swap3A_155], %swap3A_158 {strides = array<i32>} : memref<40x128xf32, #tpu.memory_space<vmem>>, vector<1x16xf32>,
        %slice3A_159 = vector.extract_strided_slice %get3A_69 {offsets = [2], sizes = [1], strides = [1]} : vector<16xf32> to vector<1xf32>
        %squeeze3A_160 = vector.extract %slice3A_159[0] : f32 from vector<1xf32>
        %broadcast_in_dim3A_161 = vector.broadcast %squeeze3A_160 : f32 to vector<16xf32>
        %get3A_162 = arith.index_cast %scan3A_66 : i32 to index
        %get3A_163 = arith.constant 32 : index
        %get3A_164 = tpu.vector_load %arg16[%get3A_162, %get3A_163] {strides = array<i32>} : memref<40x128xf32, #tpu.memory_space<vmem>>, vector<1x16xf32>,
        %get3A_165 = vector.shape_cast %get3A_164 : vector<1x16xf32> to vector<16xf32>
        %get3A_166 = arith.index_cast %scan3A_66 : i32 to index
        %get3A_167 = arith.constant 32 : index
        %get3A_168 = tpu.vector_load %arg18[%get3A_166, %get3A_167] {strides = array<i32>} : memref<40x128xf32, #tpu.memory_space<vmem>>, vector<1x16xf32>,
        %get3A_169 = vector.shape_cast %get3A_168 : vector<1x16xf32> to vector<16xf32>
        %add3A_170 = arith.addf %get3A_165, %get3A_169 : vector<16xf32>
        %mul3A_171 = arith.mulf %broadcast_in_dim3A_161, %add3A_170 : vector<16xf32>
        %swap3A_172 = arith.index_cast %scan3A_66 : i32 to index
        %swap3A_173 = arith.constant 32 : index
        %swap3A_174 = tpu.vector_load %arg16[%swap3A_172, %swap3A_173] {strides = array<i32>} : memref<40x128xf32, #tpu.memory_space<vmem>>, vector<1x16xf32>,
        %swap3A_175 = vector.shape_cast %swap3A_174 : vector<1x16xf32> to vector<16xf32>
        %swap3A_176 = vector.shape_cast %mul3A_171 : vector<16xf32> to vector<1x16xf32>
        tpu.vector_store %arg16[%swap3A_172, %swap3A_173], %swap3A_176 {strides = array<i32>} : memref<40x128xf32, #tpu.memory_space<vmem>>, vector<1x16xf32>,
        %get3A_177 = arith.index_cast %scan3A_66 : i32 to index
        %get3A_178 = arith.constant 48 : index
        %get3A_179 = tpu.vector_load %arg14[%get3A_177, %get3A_178] {strides = array<i32>} : memref<40x128xf32, #tpu.memory_space<vmem>>, vector<1x16xf32>,
        %get3A_180 = vector.shape_cast %get3A_179 : vector<1x16xf32> to vector<16xf32>
        %get3A_181 = arith.index_cast %scan3A_66 : i32 to index
        %get3A_182 = arith.constant 48 : index
        %get3A_183 = tpu.vector_load %arg15[%get3A_181, %get3A_182] {strides = array<i32>} : memref<40x128xf32, #tpu.memory_space<vmem>>, vector<1x16xf32>,
        %get3A_184 = vector.shape_cast %get3A_183 : vector<1x16xf32> to vector<16xf32>
        %add3A_185 = arith.addf %get3A_180, %get3A_184 : vector<16xf32>
        %get3A_186 = arith.index_cast %scan3A_66 : i32 to index
        %get3A_187 = arith.constant 48 : index
        %get3A_188 = tpu.vector_load %arg17[%get3A_186, %get3A_187] {strides = array<i32>} : memref<40x128xf32, #tpu.memory_space<vmem>>, vector<1x16xf32>,
        %get3A_189 = vector.shape_cast %get3A_188 : vector<1x16xf32> to vector<16xf32>
        %add3A_190 = arith.addf %add3A_185, %get3A_189 : vector<16xf32>
        %swap3A_191 = arith.index_cast %scan3A_66 : i32 to index
        %swap3A_192 = arith.constant 48 : index
        %swap3A_193 = tpu.vector_load %arg14[%swap3A_191, %swap3A_192] {strides = array<i32>} : memref<40x128xf32, #tpu.memory_space<vmem>>, vector<1x16xf32>,
        %swap3A_194 = vector.shape_cast %swap3A_193 : vector<1x16xf32> to vector<16xf32>
        %swap3A_195 = vector.shape_cast %add3A_190 : vector<16xf32> to vector<1x16xf32>
        tpu.vector_store %arg14[%swap3A_191, %swap3A_192], %swap3A_195 {strides = array<i32>} : memref<40x128xf32, #tpu.memory_space<vmem>>, vector<1x16xf32>,
        %slice3A_196 = vector.extract_strided_slice %get3A_69 {offsets = [3], sizes = [1], strides = [1]} : vector<16xf32> to vector<1xf32>
        %squeeze3A_197 = vector.extract %slice3A_196[0] : f32 from vector<1xf32>
        %broadcast_in_dim3A_198 = vector.broadcast %squeeze3A_197 : f32 to vector<16xf32>
        %get3A_199 = arith.index_cast %scan3A_66 : i32 to index
        %get3A_200 = arith.constant 48 : index
        %get3A_201 = tpu.vector_load %arg16[%get3A_199, %get3A_200] {strides = array<i32>} : memref<40x128xf32, #tpu.memory_space<vmem>>, vector<1x16xf32>,
        %get3A_202 = vector.shape_cast %get3A_201 : vector<1x16xf32> to vector<16xf32>
        %get3A_203 = arith.index_cast %scan3A_66 : i32 to index
        %get3A_204 = arith.constant 48 : index
        %get3A_205 = tpu.vector_load %arg18[%get3A_203, %get3A_204] {strides = array<i32>} : memref<40x128xf32, #tpu.memory_space<vmem>>, vector<1x16xf32>,
        %get3A_206 = vector.shape_cast %get3A_205 : vector<1x16xf32> to vector<16xf32>
        %add3A_207 = arith.addf %get3A_202, %get3A_206 : vector<16xf32>
        %mul3A_208 = arith.mulf %broadcast_in_dim3A_198, %add3A_207 : vector<16xf32>
        %swap3A_209 = arith.index_cast %scan3A_66 : i32 to index
        %swap3A_210 = arith.constant 48 : index
        %swap3A_211 = tpu.vector_load %arg16[%swap3A_209, %swap3A_210] {strides = array<i32>} : memref<40x128xf32, #tpu.memory_space<vmem>>, vector<1x16xf32>,
        %swap3A_212 = vector.shape_cast %swap3A_211 : vector<1x16xf32> to vector<16xf32>
        %swap3A_213 = vector.shape_cast %mul3A_208 : vector<16xf32> to vector<1x16xf32>
        tpu.vector_store %arg16[%swap3A_209, %swap3A_210], %swap3A_213 {strides = array<i32>} : memref<40x128xf32, #tpu.memory_space<vmem>>, vector<1x16xf32>,
        %get3A_214 = arith.index_cast %scan3A_66 : i32 to index
        %get3A_215 = arith.constant 64 : index
        %get3A_216 = tpu.vector_load %arg14[%get3A_214, %get3A_215] {strides = array<i32>} : memref<40x128xf32, #tpu.memory_space<vmem>>, vector<1x16xf32>,
        %get3A_217 = vector.shape_cast %get3A_216 : vector<1x16xf32> to vector<16xf32>
        %get3A_218 = arith.index_cast %scan3A_66 : i32 to index
        %get3A_219 = arith.constant 64 : index
        %get3A_220 = tpu.vector_load %arg15[%get3A_218, %get3A_219] {strides = array<i32>} : memref<40x128xf32, #tpu.memory_space<vmem>>, vector<1x16xf32>,
        %get3A_221 = vector.shape_cast %get3A_220 : vector<1x16xf32> to vector<16xf32>
        %add3A_222 = arith.addf %get3A_217, %get3A_221 : vector<16xf32>
        %get3A_223 = arith.index_cast %scan3A_66 : i32 to index
        %get3A_224 = arith.constant 64 : index
        %get3A_225 = tpu.vector_load %arg17[%get3A_223, %get3A_224] {strides = array<i32>} : memref<40x128xf32, #tpu.memory_space<vmem>>, vector<1x16xf32>,
        %get3A_226 = vector.shape_cast %get3A_225 : vector<1x16xf32> to vector<16xf32>
        %add3A_227 = arith.addf %add3A_222, %get3A_226 : vector<16xf32>
        %swap3A_228 = arith.index_cast %scan3A_66 : i32 to index
        %swap3A_229 = arith.constant 64 : index
        %swap3A_230 = tpu.vector_load %arg14[%swap3A_228, %swap3A_229] {strides = array<i32>} : memref<40x128xf32, #tpu.memory_space<vmem>>, vector<1x16xf32>,
        %swap3A_231 = vector.shape_cast %swap3A_230 : vector<1x16xf32> to vector<16xf32>
        %swap3A_232 = vector.shape_cast %add3A_227 : vector<16xf32> to vector<1x16xf32>
        tpu.vector_store %arg14[%swap3A_228, %swap3A_229], %swap3A_232 {strides = array<i32>} : memref<40x128xf32, #tpu.memory_space<vmem>>, vector<1x16xf32>,
        %slice3A_233 = vector.extract_strided_slice %get3A_69 {offsets = [4], sizes = [1], strides = [1]} : vector<16xf32> to vector<1xf32>
        %squeeze3A_234 = vector.extract %slice3A_233[0] : f32 from vector<1xf32>
        %broadcast_in_dim3A_235 = vector.broadcast %squeeze3A_234 : f32 to vector<16xf32>
        %get3A_236 = arith.index_cast %scan3A_66 : i32 to index
        %get3A_237 = arith.constant 64 : index
        %get3A_238 = tpu.vector_load %arg16[%get3A_236, %get3A_237] {strides = array<i32>} : memref<40x128xf32, #tpu.memory_space<vmem>>, vector<1x16xf32>,
        %get3A_239 = vector.shape_cast %get3A_238 : vector<1x16xf32> to vector<16xf32>
        %get3A_240 = arith.index_cast %scan3A_66 : i32 to index
        %get3A_241 = arith.constant 64 : index
        %get3A_242 = tpu.vector_load %arg18[%get3A_240, %get3A_241] {strides = array<i32>} : memref<40x128xf32, #tpu.memory_space<vmem>>, vector<1x16xf32>,
        %get3A_243 = vector.shape_cast %get3A_242 : vector<1x16xf32> to vector<16xf32>
        %add3A_244 = arith.addf %get3A_239, %get3A_243 : vector<16xf32>
        %mul3A_245 = arith.mulf %broadcast_in_dim3A_235, %add3A_244 : vector<16xf32>
        %swap3A_246 = arith.index_cast %scan3A_66 : i32 to index
        %swap3A_247 = arith.constant 64 : index
        %swap3A_248 = tpu.vector_load %arg16[%swap3A_246, %swap3A_247] {strides = array<i32>} : memref<40x128xf32, #tpu.memory_space<vmem>>, vector<1x16xf32>,
        %swap3A_249 = vector.shape_cast %swap3A_248 : vector<1x16xf32> to vector<16xf32>
        %swap3A_250 = vector.shape_cast %mul3A_245 : vector<16xf32> to vector<1x16xf32>
        tpu.vector_store %arg16[%swap3A_246, %swap3A_247], %swap3A_250 {strides = array<i32>} : memref<40x128xf32, #tpu.memory_space<vmem>>, vector<1x16xf32>,
        %get3A_251 = arith.index_cast %scan3A_66 : i32 to index
        %get3A_252 = arith.constant 80 : index
        %get3A_253 = tpu.vector_load %arg14[%get3A_251, %get3A_252] {strides = array<i32>} : memref<40x128xf32, #tpu.memory_space<vmem>>, vector<1x16xf32>,
        %get3A_254 = vector.shape_cast %get3A_253 : vector<1x16xf32> to vector<16xf32>
        %get3A_255 = arith.index_cast %scan3A_66 : i32 to index
        %get3A_256 = arith.constant 80 : index
        %get3A_257 = tpu.vector_load %arg15[%get3A_255, %get3A_256] {strides = array<i32>} : memref<40x128xf32, #tpu.memory_space<vmem>>, vector<1x16xf32>,
        %get3A_258 = vector.shape_cast %get3A_257 : vector<1x16xf32> to vector<16xf32>
        %add3A_259 = arith.addf %get3A_254, %get3A_258 : vector<16xf32>
        %get3A_260 = arith.index_cast %scan3A_66 : i32 to index
        %get3A_261 = arith.constant 80 : index
        %get3A_262 = tpu.vector_load %arg17[%get3A_260, %get3A_261] {strides = array<i32>} : memref<40x128xf32, #tpu.memory_space<vmem>>, vector<1x16xf32>,
        %get3A_263 = vector.shape_cast %get3A_262 : vector<1x16xf32> to vector<16xf32>
        %add3A_264 = arith.addf %add3A_259, %get3A_263 : vector<16xf32>
        %swap3A_265 = arith.index_cast %scan3A_66 : i32 to index
        %swap3A_266 = arith.constant 80 : index
        %swap3A_267 = tpu.vector_load %arg14[%swap3A_265, %swap3A_266] {strides = array<i32>} : memref<40x128xf32, #tpu.memory_space<vmem>>, vector<1x16xf32>,
        %swap3A_268 = vector.shape_cast %swap3A_267 : vector<1x16xf32> to vector<16xf32>
        %swap3A_269 = vector.shape_cast %add3A_264 : vector<16xf32> to vector<1x16xf32>
        tpu.vector_store %arg14[%swap3A_265, %swap3A_266], %swap3A_269 {strides = array<i32>} : memref<40x128xf32, #tpu.memory_space<vmem>>, vector<1x16xf32>,
        %slice3A_270 = vector.extract_strided_slice %get3A_69 {offsets = [5], sizes = [1], strides = [1]} : vector<16xf32> to vector<1xf32>
        %squeeze3A_271 = vector.extract %slice3A_270[0] : f32 from vector<1xf32>
        %broadcast_in_dim3A_272 = vector.broadcast %squeeze3A_271 : f32 to vector<16xf32>
        %get3A_273 = arith.index_cast %scan3A_66 : i32 to index
        %get3A_274 = arith.constant 80 : index
        %get3A_275 = tpu.vector_load %arg16[%get3A_273, %get3A_274] {strides = array<i32>} : memref<40x128xf32, #tpu.memory_space<vmem>>, vector<1x16xf32>,
        %get3A_276 = vector.shape_cast %get3A_275 : vector<1x16xf32> to vector<16xf32>
        %get3A_277 = arith.index_cast %scan3A_66 : i32 to index
        %get3A_278 = arith.constant 80 : index
        %get3A_279 = tpu.vector_load %arg18[%get3A_277, %get3A_278] {strides = array<i32>} : memref<40x128xf32, #tpu.memory_space<vmem>>, vector<1x16xf32>,
        %get3A_280 = vector.shape_cast %get3A_279 : vector<1x16xf32> to vector<16xf32>
        %add3A_281 = arith.addf %get3A_276, %get3A_280 : vector<16xf32>
        %mul3A_282 = arith.mulf %broadcast_in_dim3A_272, %add3A_281 : vector<16xf32>
        %swap3A_283 = arith.index_cast %scan3A_66 : i32 to index
        %swap3A_284 = arith.constant 80 : index
        %swap3A_285 = tpu.vector_load %arg16[%swap3A_283, %swap3A_284] {strides = array<i32>} : memref<40x128xf32, #tpu.memory_space<vmem>>, vector<1x16xf32>,
        %swap3A_286 = vector.shape_cast %swap3A_285 : vector<1x16xf32> to vector<16xf32>
        %swap3A_287 = vector.shape_cast %mul3A_282 : vector<16xf32> to vector<1x16xf32>
        tpu.vector_store %arg16[%swap3A_283, %swap3A_284], %swap3A_287 {strides = array<i32>} : memref<40x128xf32, #tpu.memory_space<vmem>>, vector<1x16xf32>,
        %get3A_288 = arith.index_cast %scan3A_66 : i32 to index
        %get3A_289 = arith.constant 96 : index
        %get3A_290 = tpu.vector_load %arg14[%get3A_288, %get3A_289] {strides = array<i32>} : memref<40x128xf32, #tpu.memory_space<vmem>>, vector<1x16xf32>,
        %get3A_291 = vector.shape_cast %get3A_290 : vector<1x16xf32> to vector<16xf32>
        %get3A_292 = arith.index_cast %scan3A_66 : i32 to index
        %get3A_293 = arith.constant 96 : index
        %get3A_294 = tpu.vector_load %arg15[%get3A_292, %get3A_293] {strides = array<i32>} : memref<40x128xf32, #tpu.memory_space<vmem>>, vector<1x16xf32>,
        %get3A_295 = vector.shape_cast %get3A_294 : vector<1x16xf32> to vector<16xf32>
        %add3A_296 = arith.addf %get3A_291, %get3A_295 : vector<16xf32>
        %get3A_297 = arith.index_cast %scan3A_66 : i32 to index
        %get3A_298 = arith.constant 96 : index
        %get3A_299 = tpu.vector_load %arg17[%get3A_297, %get3A_298] {strides = array<i32>} : memref<40x128xf32, #tpu.memory_space<vmem>>, vector<1x16xf32>,
        %get3A_300 = vector.shape_cast %get3A_299 : vector<1x16xf32> to vector<16xf32>
        %add3A_301 = arith.addf %add3A_296, %get3A_300 : vector<16xf32>
        %swap3A_302 = arith.index_cast %scan3A_66 : i32 to index
        %swap3A_303 = arith.constant 96 : index
        %swap3A_304 = tpu.vector_load %arg14[%swap3A_302, %swap3A_303] {strides = array<i32>} : memref<40x128xf32, #tpu.memory_space<vmem>>, vector<1x16xf32>,
        %swap3A_305 = vector.shape_cast %swap3A_304 : vector<1x16xf32> to vector<16xf32>
        %swap3A_306 = vector.shape_cast %add3A_301 : vector<16xf32> to vector<1x16xf32>
        tpu.vector_store %arg14[%swap3A_302, %swap3A_303], %swap3A_306 {strides = array<i32>} : memref<40x128xf32, #tpu.memory_space<vmem>>, vector<1x16xf32>,
        %slice3A_307 = vector.extract_strided_slice %get3A_69 {offsets = [6], sizes = [1], strides = [1]} : vector<16xf32> to vector<1xf32>
        %squeeze3A_308 = vector.extract %slice3A_307[0] : f32 from vector<1xf32>
        %broadcast_in_dim3A_309 = vector.broadcast %squeeze3A_308 : f32 to vector<16xf32>
        %get3A_310 = arith.index_cast %scan3A_66 : i32 to index
        %get3A_311 = arith.constant 96 : index
        %get3A_312 = tpu.vector_load %arg16[%get3A_310, %get3A_311] {strides = array<i32>} : memref<40x128xf32, #tpu.memory_space<vmem>>, vector<1x16xf32>,
        %get3A_313 = vector.shape_cast %get3A_312 : vector<1x16xf32> to vector<16xf32>
        %get3A_314 = arith.index_cast %scan3A_66 : i32 to index
        %get3A_315 = arith.constant 96 : index
        %get3A_316 = tpu.vector_load %arg18[%get3A_314, %get3A_315] {strides = array<i32>} : memref<40x128xf32, #tpu.memory_space<vmem>>, vector<1x16xf32>,
        %get3A_317 = vector.shape_cast %get3A_316 : vector<1x16xf32> to vector<16xf32>
        %add3A_318 = arith.addf %get3A_313, %get3A_317 : vector<16xf32>
        %mul3A_319 = arith.mulf %broadcast_in_dim3A_309, %add3A_318 : vector<16xf32>
        %swap3A_320 = arith.index_cast %scan3A_66 : i32 to index
        %swap3A_321 = arith.constant 96 : index
        %swap3A_322 = tpu.vector_load %arg16[%swap3A_320, %swap3A_321] {strides = array<i32>} : memref<40x128xf32, #tpu.memory_space<vmem>>, vector<1x16xf32>,
        %swap3A_323 = vector.shape_cast %swap3A_322 : vector<1x16xf32> to vector<16xf32>
        %swap3A_324 = vector.shape_cast %mul3A_319 : vector<16xf32> to vector<1x16xf32>
        tpu.vector_store %arg16[%swap3A_320, %swap3A_321], %swap3A_324 {strides = array<i32>} : memref<40x128xf32, #tpu.memory_space<vmem>>, vector<1x16xf32>,
        %get3A_325 = arith.index_cast %scan3A_66 : i32 to index
        %get3A_326 = arith.constant 112 : index
        %get3A_327 = tpu.vector_load %arg14[%get3A_325, %get3A_326] {strides = array<i32>} : memref<40x128xf32, #tpu.memory_space<vmem>>, vector<1x16xf32>,
        %get3A_328 = vector.shape_cast %get3A_327 : vector<1x16xf32> to vector<16xf32>
        %get3A_329 = arith.index_cast %scan3A_66 : i32 to index
        %get3A_330 = arith.constant 112 : index
        %get3A_331 = tpu.vector_load %arg15[%get3A_329, %get3A_330] {strides = array<i32>} : memref<40x128xf32, #tpu.memory_space<vmem>>, vector<1x16xf32>,
        %get3A_332 = vector.shape_cast %get3A_331 : vector<1x16xf32> to vector<16xf32>
        %add3A_333 = arith.addf %get3A_328, %get3A_332 : vector<16xf32>
        %get3A_334 = arith.index_cast %scan3A_66 : i32 to index
        %get3A_335 = arith.constant 112 : index
        %get3A_336 = tpu.vector_load %arg17[%get3A_334, %get3A_335] {strides = array<i32>} : memref<40x128xf32, #tpu.memory_space<vmem>>, vector<1x16xf32>,
        %get3A_337 = vector.shape_cast %get3A_336 : vector<1x16xf32> to vector<16xf32>
        %add3A_338 = arith.addf %add3A_333, %get3A_337 : vector<16xf32>
        %swap3A_339 = arith.index_cast %scan3A_66 : i32 to index
        %swap3A_340 = arith.constant 112 : index
        %swap3A_341 = tpu.vector_load %arg14[%swap3A_339, %swap3A_340] {strides = array<i32>} : memref<40x128xf32, #tpu.memory_space<vmem>>, vector<1x16xf32>,
        %swap3A_342 = vector.shape_cast %swap3A_341 : vector<1x16xf32> to vector<16xf32>
        %swap3A_343 = vector.shape_cast %add3A_338 : vector<16xf32> to vector<1x16xf32>
        tpu.vector_store %arg14[%swap3A_339, %swap3A_340], %swap3A_343 {strides = array<i32>} : memref<40x128xf32, #tpu.memory_space<vmem>>, vector<1x16xf32>,
        %slice3A_344 = vector.extract_strided_slice %get3A_69 {offsets = [7], sizes = [1], strides = [1]} : vector<16xf32> to vector<1xf32>
        %squeeze3A_345 = vector.extract %slice3A_344[0] : f32 from vector<1xf32>
        %broadcast_in_dim3A_346 = vector.broadcast %squeeze3A_345 : f32 to vector<16xf32>
        %get3A_347 = arith.index_cast %scan3A_66 : i32 to index
        %get3A_348 = arith.constant 112 : index
        %get3A_349 = tpu.vector_load %arg16[%get3A_347, %get3A_348] {strides = array<i32>} : memref<40x128xf32, #tpu.memory_space<vmem>>, vector<1x16xf32>,
        %get3A_350 = vector.shape_cast %get3A_349 : vector<1x16xf32> to vector<16xf32>
        %get3A_351 = arith.index_cast %scan3A_66 : i32 to index
        %get3A_352 = arith.constant 112 : index
        %get3A_353 = tpu.vector_load %arg18[%get3A_351, %get3A_352] {strides = array<i32>} : memref<40x128xf32, #tpu.memory_space<vmem>>, vector<1x16xf32>,
        %get3A_354 = vector.shape_cast %get3A_353 : vector<1x16xf32> to vector<16xf32>
        %add3A_355 = arith.addf %get3A_350, %get3A_354 : vector<16xf32>
        %mul3A_356 = arith.mulf %broadcast_in_dim3A_346, %add3A_355 : vector<16xf32>
        %swap3A_357 = arith.index_cast %scan3A_66 : i32 to index
        %swap3A_358 = arith.constant 112 : index
        %swap3A_359 = tpu.vector_load %arg16[%swap3A_357, %swap3A_358] {strides = array<i32>} : memref<40x128xf32, #tpu.memory_space<vmem>>, vector<1x16xf32>,
        %swap3A_360 = vector.shape_cast %swap3A_359 : vector<1x16xf32> to vector<16xf32>
        %swap3A_361 = vector.shape_cast %mul3A_356 : vector<16xf32> to vector<1x16xf32>
        tpu.vector_store %arg16[%swap3A_357, %swap3A_358], %swap3A_361 {strides = array<i32>} : memref<40x128xf32, #tpu.memory_space<vmem>>, vector<1x16xf32>,
      }
      %scan3A_65 = arith.constant 40 : i32
      "tpu.region"() ({
        %run_scoped3A = tpu.sem_alloc : memref<!tpu.dma_semaphore, #tpu.memory_space<semaphore_mem>>
        %dma_start3A_66 = arith.constant 0 : i32
        %dma_start3A_67 = tpu.memref_slice %arg10[%multiple_of3A, %dma_start3A_66] : memref<320000x128xf32, #tpu.memory_space<hbm>> -> memref<40x128xf32, #tpu.memory_space<hbm>>
        %dma_start3A_68 = arith.constant 0 : i32
        %dma_start3A_69 = tpu.memref_slice %arg10[%multiple_of3A, %dma_start3A_68] : memref<320000x128xf32, #tpu.memory_space<hbm>> -> memref<40x128xf32, #tpu.memory_space<hbm>>
        tpu.enqueue_dma source(%arg14 : memref<40x128xf32, #tpu.memory_space<vmem>>) target(%dma_start3A_69 : memref<40x128xf32, #tpu.memory_space<hbm>>) target_semaphore(%run_scoped3A : memref<!tpu.dma_semaphore, #tpu.memory_space<semaphore_mem>>)
        %dma_wait3A_70 = arith.constant 0 : i32
        %dma_wait3A_71 = tpu.memref_slice %arg10[%multiple_of3A, %dma_wait3A_70] : memref<320000x128xf32, #tpu.memory_space<hbm>> -> memref<40x128xf32, #tpu.memory_space<hbm>>
        %dma_wait3A_72 = arith.constant 0 : i32
        %dma_wait3A_73 = tpu.memref_slice %arg10[%multiple_of3A, %dma_wait3A_72] : memref<320000x128xf32, #tpu.memory_space<hbm>> -> memref<40x128xf32, #tpu.memory_space<hbm>>
        tpu.wait_dma2 semaphore(%run_scoped3A : memref<!tpu.dma_semaphore, #tpu.memory_space<semaphore_mem>>) src(%arg14 : memref<40x128xf32, #tpu.memory_space<vmem>>) dst(%dma_wait3A_73 : memref<40x128xf32, #tpu.memory_space<hbm>>)
        tpu.yield
      }) : () -> ()
      "tpu.region"() ({
        %run_scoped3A = tpu.sem_alloc : memref<!tpu.dma_semaphore, #tpu.memory_space<semaphore_mem>>
        %dma_start3A_66 = arith.constant 0 : i32
        %dma_start3A_67 = arith.constant 0 : i32
        %dma_start3A_68 = tpu.memref_slice %arg20[%dma_start3A_66, %dma_start3A_67] : memref<10000x128xf32, #tpu.memory_space<vmem_shared>> -> memref<10000x128xf32, #tpu.memory_space<vmem_shared>>
        tpu.enqueue_indirect_dma source(%arg16 : memref<40x128xf32, #tpu.memory_space<vmem>>) target(%dma_start3A_68 : memref<10000x128xf32, #tpu.memory_space<vmem_shared>>) offsets(%arg13 : memref<40xi32, #tpu.memory_space<vmem>>) semaphore(%run_scoped3A : memref<!tpu.dma_semaphore, #tpu.memory_space<semaphore_mem>>) {add = true}
        %dma_wait3A_69 = arith.constant 0 : i32
        %dma_wait3A_70 = arith.constant 0 : i32
        %dma_wait3A_71 = tpu.memref_slice %arg20[%dma_wait3A_69, %dma_wait3A_70] : memref<10000x128xf32, #tpu.memory_space<vmem_shared>> -> memref<10000x128xf32, #tpu.memory_space<vmem_shared>>
        tpu.wait_indirect_dma semaphore(%run_scoped3A : memref<!tpu.dma_semaphore, #tpu.memory_space<semaphore_mem>>) src(%arg16 : memref<40x128xf32, #tpu.memory_space<vmem>>) dst(%dma_wait3A_71 : memref<10000x128xf32, #tpu.memory_space<vmem_shared>>)
        tpu.yield
      }) : () -> ()
    }
    %scan3A_7 = arith.constant 250 : i32
    %barrier3A_8 = arith.constant 0 : index
    tpu.barrier barrier_id(%barrier3A_8)
    %lt3A_9 = arith.constant 10 : i32
    %lt3A_10 = arith.cmpi slt, %arg1, %lt3A_9 : i32
    %convert_element_type3A_11 = arith.extui %lt3A_10 : i1 to i32
    %cond3A_12 = arith.constant 0 : i32
    %cond3A_13 = arith.cmpi ne, %convert_element_type3A_11, %cond3A_12 : i32
    scf.if %cond3A_13 {
      %mul3A_14 = arith.constant 1000 : i32
      %mul3A_15 = arith.muli %arg1, %mul3A_14 : i32
      %multiple_of3A = tpu.assume_multiple %mul3A_15, 8 : i32
      %mul3A_16 = arith.constant 1000 : i32
      %mul3A_17 = arith.muli %arg1, %mul3A_16 : i32
      %multiple_of3A_18 = tpu.assume_multiple %mul3A_17, 8 : i32
      "tpu.region"() ({
        %run_scoped3A = tpu.sem_alloc : memref<!tpu.dma_semaphore, #tpu.memory_space<semaphore_mem>>
        %dma_start3A = arith.constant 0 : i32
        %dma_start3A_19 = tpu.memref_slice %arg11[%arg0, %multiple_of3A_18, %dma_start3A] : memref<2x10000x128xf32, #tpu.memory_space<hbm>> -> memref<1x1000x128xf32, #tpu.memory_space<hbm>>
        %dma_start3A_20 = tpu.memref_squeeze %dma_start3A_19 : memref<1x1000x128xf32, #tpu.memory_space<hbm>> -> memref<1000x128xf32, #tpu.memory_space<hbm>>
        %dma_start3A_21 = arith.constant 0 : i32
        %dma_start3A_22 = tpu.memref_slice %arg20[%multiple_of3A, %dma_start3A_21] : memref<10000x128xf32, #tpu.memory_space<vmem_shared>> -> memref<1000x128xf32, #tpu.memory_space<vmem_shared>>
        tpu.enqueue_dma source(%dma_start3A_22 : memref<1000x128xf32, #tpu.memory_space<vmem_shared>>) target(%dma_start3A_20 : memref<1000x128xf32, #tpu.memory_space<hbm>>) target_semaphore(%run_scoped3A : memref<!tpu.dma_semaphore, #tpu.memory_space<semaphore_mem>>)
        %dma_wait3A = arith.constant 0 : i32
        %dma_wait3A_23 = tpu.memref_slice %arg11[%arg0, %multiple_of3A_18, %dma_wait3A] : memref<2x10000x128xf32, #tpu.memory_space<hbm>> -> memref<1x1000x128xf32, #tpu.memory_space<hbm>>
        %dma_wait3A_24 = tpu.memref_squeeze %dma_wait3A_23 : memref<1x1000x128xf32, #tpu.memory_space<hbm>> -> memref<1000x128xf32, #tpu.memory_space<hbm>>
        %dma_wait3A_25 = arith.constant 0 : i32
        %dma_wait3A_26 = tpu.memref_slice %arg20[%multiple_of3A, %dma_wait3A_25] : memref<10000x128xf32, #tpu.memory_space<vmem_shared>> -> memref<1000x128xf32, #tpu.memory_space<vmem_shared>>
        tpu.wait_dma2 semaphore(%run_scoped3A : memref<!tpu.dma_semaphore, #tpu.memory_space<semaphore_mem>>) src(%dma_wait3A_26 : memref<1000x128xf32, #tpu.memory_space<vmem_shared>>) dst(%dma_wait3A_24 : memref<1000x128xf32, #tpu.memory_space<hbm>>)
        tpu.yield
      }) : () -> ()
    } else {
    }
    return
  }
}

#map = affine_map<(d0, d1) -> (0)>
#map1 = affine_map<(d0, d1) -> (0, 0)>
#map2 = affine_map<(d0, d1) -> (0, 0, 0)>
module attributes {stable_mosaic.version = 14 : i64} {
  func.func @k(%arg0: i32, %arg1: i32, %arg2: memref<320000xi32, #tpu.memory_space<hbm>>, %arg3: memref<320000xi32, #tpu.memory_space<hbm>>, %arg4: memref<10000x128xf32, #tpu.memory_space<hbm>>, %arg5: memref<10000x128xf32, #tpu.memory_space<hbm>>, %arg6: memref<320000x16xf32, #tpu.memory_space<hbm>>, %arg7: memref<320000x16xf32, #tpu.memory_space<hbm>>, %arg8: memref<2x10000x128xf32, #tpu.memory_space<hbm>>, %arg9: memref<40xi32, #tpu.memory_space<vmem>>, %arg10: memref<40xi32, #tpu.memory_space<vmem>>, %arg11: memref<40x128xf32, #tpu.memory_space<vmem>>, %arg12: memref<40x128xf32, #tpu.memory_space<vmem>>, %arg13: memref<40x16xf32, #tpu.memory_space<vmem>>, %arg14: memref<40xi32, #tpu.memory_space<vmem>>, %arg15: memref<40xi32, #tpu.memory_space<vmem>>, %arg16: memref<40x128xf32, #tpu.memory_space<vmem>>, %arg17: memref<40x128xf32, #tpu.memory_space<vmem>>, %arg18: memref<40x16xf32, #tpu.memory_space<vmem>>, %arg19: memref<40x128xf32, #tpu.memory_space<vmem>>, %arg20: memref<40x16xf32, #tpu.memory_space<vmem>>, %arg21: memref<10000x128xf32, #tpu.memory_space<vmem_shared>>, %arg22: memref<!tpu.dma_semaphore, #tpu.memory_space<semaphore_mem>>, %arg23: memref<!tpu.dma_semaphore, #tpu.memory_space<semaphore_mem>>) attributes {dimension_semantics = [#tpu.dimension_semantics<core_parallel>, #tpu.dimension_semantics<subcore_parallel>], iteration_bounds = array<i64: 2, 16>, scalar_prefetch = 0 : i64, scratch_operands = 15 : i64, tpu.core_type = #tpu.core_type<sc_vector_subcore>, window_params = [{transform_indices = #map}, {transform_indices = #map}, {transform_indices = #map1}, {transform_indices = #map1}, {transform_indices = #map1}, {transform_indices = #map1}, {transform_indices = #map2}]} {
    %mul3A = arith.constant 2 : i32
    %mul3A_0 = arith.muli %arg1, %mul3A : i32
    %add3A = arith.addi %mul3A_0, %arg0 : i32
    %iota3A = tpu.iota {dimensions = array<i32: 0>} : vector<16xi32>
    %lt3A = arith.constant 8 : i32
    %lt3A_1 = vector.broadcast %lt3A : i32 to vector<16xi32>
    %lt3A_2 = arith.cmpi slt, %iota3A, %lt3A_1 : vector<16xi32>
    %jit3A = arith.constant 1.000000e+00 : f32
    %jit3A_3 = arith.constant 0.000000e+00 : f32
    %broadcast_in_dim3A = vector.broadcast %jit3A : f32 to vector<16xf32>
    %broadcast_in_dim3A_4 = vector.broadcast %jit3A_3 : f32 to vector<16xf32>
    %select_n3A = arith.select %lt3A_2, %broadcast_in_dim3A, %broadcast_in_dim3A_4 : vector<16xi1>, vector<16xf32>
    %scan3A = arith.constant 0 : i32
    %scan3A_5 = arith.constant 0 : i32
    %scan3A_6 = arith.constant 40 : i32
    %scan3A_7 = arith.addi %scan3A_5, %scan3A_6 : i32
    %scan3A_8 = arith.constant 1 : i32
    scf.for %scan3A_38 = %scan3A_5 to %scan3A_7 step %scan3A_8  : i32 {
      %broadcast_in_dim3A_39 = arith.constant 0.000000e+00 : f32
      %broadcast_in_dim3A_40 = vector.broadcast %broadcast_in_dim3A_39 : f32 to vector<16xf32>
      %swap3A = arith.index_cast %scan3A_38 : i32 to index
      %swap3A_41 = arith.constant 0 : index
      %swap3A_42 = tpu.vector_load %arg19[%swap3A, %swap3A_41] {strides = array<i32>} : memref<40x128xf32, #tpu.memory_space<vmem>>, vector<1x16xf32>,
      %swap3A_43 = vector.shape_cast %swap3A_42 : vector<1x16xf32> to vector<16xf32>
      %swap3A_44 = vector.shape_cast %broadcast_in_dim3A_40 : vector<16xf32> to vector<1x16xf32>
      tpu.vector_store %arg19[%swap3A, %swap3A_41], %swap3A_44 {strides = array<i32>} : memref<40x128xf32, #tpu.memory_space<vmem>>, vector<1x16xf32>,
      %broadcast_in_dim3A_45 = arith.constant 0.000000e+00 : f32
      %broadcast_in_dim3A_46 = vector.broadcast %broadcast_in_dim3A_45 : f32 to vector<16xf32>
      %swap3A_47 = arith.index_cast %scan3A_38 : i32 to index
      %swap3A_48 = arith.constant 16 : index
      %swap3A_49 = tpu.vector_load %arg19[%swap3A_47, %swap3A_48] {strides = array<i32>} : memref<40x128xf32, #tpu.memory_space<vmem>>, vector<1x16xf32>,
      %swap3A_50 = vector.shape_cast %swap3A_49 : vector<1x16xf32> to vector<16xf32>
      %swap3A_51 = vector.shape_cast %broadcast_in_dim3A_46 : vector<16xf32> to vector<1x16xf32>
      tpu.vector_store %arg19[%swap3A_47, %swap3A_48], %swap3A_51 {strides = array<i32>} : memref<40x128xf32, #tpu.memory_space<vmem>>, vector<1x16xf32>,
      %broadcast_in_dim3A_52 = arith.constant 0.000000e+00 : f32
      %broadcast_in_dim3A_53 = vector.broadcast %broadcast_in_dim3A_52 : f32 to vector<16xf32>
      %swap3A_54 = arith.index_cast %scan3A_38 : i32 to index
      %swap3A_55 = arith.constant 32 : index
      %swap3A_56 = tpu.vector_load %arg19[%swap3A_54, %swap3A_55] {strides = array<i32>} : memref<40x128xf32, #tpu.memory_space<vmem>>, vector<1x16xf32>,
      %swap3A_57 = vector.shape_cast %swap3A_56 : vector<1x16xf32> to vector<16xf32>
      %swap3A_58 = vector.shape_cast %broadcast_in_dim3A_53 : vector<16xf32> to vector<1x16xf32>
      tpu.vector_store %arg19[%swap3A_54, %swap3A_55], %swap3A_58 {strides = array<i32>} : memref<40x128xf32, #tpu.memory_space<vmem>>, vector<1x16xf32>,
      %broadcast_in_dim3A_59 = arith.constant 0.000000e+00 : f32
      %broadcast_in_dim3A_60 = vector.broadcast %broadcast_in_dim3A_59 : f32 to vector<16xf32>
      %swap3A_61 = arith.index_cast %scan3A_38 : i32 to index
      %swap3A_62 = arith.constant 48 : index
      %swap3A_63 = tpu.vector_load %arg19[%swap3A_61, %swap3A_62] {strides = array<i32>} : memref<40x128xf32, #tpu.memory_space<vmem>>, vector<1x16xf32>,
      %swap3A_64 = vector.shape_cast %swap3A_63 : vector<1x16xf32> to vector<16xf32>
      %swap3A_65 = vector.shape_cast %broadcast_in_dim3A_60 : vector<16xf32> to vector<1x16xf32>
      tpu.vector_store %arg19[%swap3A_61, %swap3A_62], %swap3A_65 {strides = array<i32>} : memref<40x128xf32, #tpu.memory_space<vmem>>, vector<1x16xf32>,
      %broadcast_in_dim3A_66 = arith.constant 0.000000e+00 : f32
      %broadcast_in_dim3A_67 = vector.broadcast %broadcast_in_dim3A_66 : f32 to vector<16xf32>
      %swap3A_68 = arith.index_cast %scan3A_38 : i32 to index
      %swap3A_69 = arith.constant 64 : index
      %swap3A_70 = tpu.vector_load %arg19[%swap3A_68, %swap3A_69] {strides = array<i32>} : memref<40x128xf32, #tpu.memory_space<vmem>>, vector<1x16xf32>,
      %swap3A_71 = vector.shape_cast %swap3A_70 : vector<1x16xf32> to vector<16xf32>
      %swap3A_72 = vector.shape_cast %broadcast_in_dim3A_67 : vector<16xf32> to vector<1x16xf32>
      tpu.vector_store %arg19[%swap3A_68, %swap3A_69], %swap3A_72 {strides = array<i32>} : memref<40x128xf32, #tpu.memory_space<vmem>>, vector<1x16xf32>,
      %broadcast_in_dim3A_73 = arith.constant 0.000000e+00 : f32
      %broadcast_in_dim3A_74 = vector.broadcast %broadcast_in_dim3A_73 : f32 to vector<16xf32>
      %swap3A_75 = arith.index_cast %scan3A_38 : i32 to index
      %swap3A_76 = arith.constant 80 : index
      %swap3A_77 = tpu.vector_load %arg19[%swap3A_75, %swap3A_76] {strides = array<i32>} : memref<40x128xf32, #tpu.memory_space<vmem>>, vector<1x16xf32>,
      %swap3A_78 = vector.shape_cast %swap3A_77 : vector<1x16xf32> to vector<16xf32>
      %swap3A_79 = vector.shape_cast %broadcast_in_dim3A_74 : vector<16xf32> to vector<1x16xf32>
      tpu.vector_store %arg19[%swap3A_75, %swap3A_76], %swap3A_79 {strides = array<i32>} : memref<40x128xf32, #tpu.memory_space<vmem>>, vector<1x16xf32>,
      %broadcast_in_dim3A_80 = arith.constant 0.000000e+00 : f32
      %broadcast_in_dim3A_81 = vector.broadcast %broadcast_in_dim3A_80 : f32 to vector<16xf32>
      %swap3A_82 = arith.index_cast %scan3A_38 : i32 to index
      %swap3A_83 = arith.constant 96 : index
      %swap3A_84 = tpu.vector_load %arg19[%swap3A_82, %swap3A_83] {strides = array<i32>} : memref<40x128xf32, #tpu.memory_space<vmem>>, vector<1x16xf32>,
      %swap3A_85 = vector.shape_cast %swap3A_84 : vector<1x16xf32> to vector<16xf32>
      %swap3A_86 = vector.shape_cast %broadcast_in_dim3A_81 : vector<16xf32> to vector<1x16xf32>
      tpu.vector_store %arg19[%swap3A_82, %swap3A_83], %swap3A_86 {strides = array<i32>} : memref<40x128xf32, #tpu.memory_space<vmem>>, vector<1x16xf32>,
      %broadcast_in_dim3A_87 = arith.constant 0.000000e+00 : f32
      %broadcast_in_dim3A_88 = vector.broadcast %broadcast_in_dim3A_87 : f32 to vector<16xf32>
      %swap3A_89 = arith.index_cast %scan3A_38 : i32 to index
      %swap3A_90 = arith.constant 112 : index
      %swap3A_91 = tpu.vector_load %arg19[%swap3A_89, %swap3A_90] {strides = array<i32>} : memref<40x128xf32, #tpu.memory_space<vmem>>, vector<1x16xf32>,
      %swap3A_92 = vector.shape_cast %swap3A_91 : vector<1x16xf32> to vector<16xf32>
      %swap3A_93 = vector.shape_cast %broadcast_in_dim3A_88 : vector<16xf32> to vector<1x16xf32>
      tpu.vector_store %arg19[%swap3A_89, %swap3A_90], %swap3A_93 {strides = array<i32>} : memref<40x128xf32, #tpu.memory_space<vmem>>, vector<1x16xf32>,
    }
    %scan3A_9 = arith.constant 40 : i32
    %lt3A_10 = arith.constant 10 : i32
    %lt3A_11 = arith.cmpi slt, %arg1, %lt3A_10 : i32
    %convert_element_type3A = arith.extui %lt3A_11 : i1 to i32
    %cond3A = arith.constant 0 : i32
    %cond3A_12 = arith.cmpi ne, %convert_element_type3A, %cond3A : i32
    scf.if %cond3A_12 {
      %mul3A_38 = arith.constant 1000 : i32
      %mul3A_39 = arith.muli %arg1, %mul3A_38 : i32
      %add3A_40 = arith.constant 0 : i32
      %add3A_41 = arith.addi %mul3A_39, %add3A_40 : i32
      %multiple_of3A_42 = tpu.assume_multiple %add3A_41, 8 : i32
      "tpu.region"() ({
        %run_scoped3A = tpu.sem_alloc : memref<!tpu.dma_semaphore, #tpu.memory_space<semaphore_mem>>
        %dma_start3A_163 = arith.constant 0 : i32
        %dma_start3A_164 = tpu.memref_slice %arg21[%multiple_of3A_42, %dma_start3A_163] : memref<10000x128xf32, #tpu.memory_space<vmem_shared>> -> memref<40x128xf32, #tpu.memory_space<vmem_shared>>
        %dma_start3A_165 = arith.constant 0 : i32
        %dma_start3A_166 = tpu.memref_slice %arg21[%multiple_of3A_42, %dma_start3A_165] : memref<10000x128xf32, #tpu.memory_space<vmem_shared>> -> memref<40x128xf32, #tpu.memory_space<vmem_shared>>
        tpu.enqueue_dma source(%arg19 : memref<40x128xf32, #tpu.memory_space<vmem>>) target(%dma_start3A_166 : memref<40x128xf32, #tpu.memory_space<vmem_shared>>) target_semaphore(%run_scoped3A : memref<!tpu.dma_semaphore, #tpu.memory_space<semaphore_mem>>)
        %dma_wait3A = arith.constant 0 : i32
        %dma_wait3A_167 = tpu.memref_slice %arg21[%multiple_of3A_42, %dma_wait3A] : memref<10000x128xf32, #tpu.memory_space<vmem_shared>> -> memref<40x128xf32, #tpu.memory_space<vmem_shared>>
        %dma_wait3A_168 = arith.constant 0 : i32
        %dma_wait3A_169 = tpu.memref_slice %arg21[%multiple_of3A_42, %dma_wait3A_168] : memref<10000x128xf32, #tpu.memory_space<vmem_shared>> -> memref<40x128xf32, #tpu.memory_space<vmem_shared>>
        tpu.wait_dma2 semaphore(%run_scoped3A : memref<!tpu.dma_semaphore, #tpu.memory_space<semaphore_mem>>) src(%arg19 : memref<40x128xf32, #tpu.memory_space<vmem>>) dst(%dma_wait3A_169 : memref<40x128xf32, #tpu.memory_space<vmem_shared>>)
        tpu.yield
      }) : () -> ()
      %mul3A_43 = arith.constant 1000 : i32
      %mul3A_44 = arith.muli %arg1, %mul3A_43 : i32
      %add3A_45 = arith.constant 40 : i32
      %add3A_46 = arith.addi %mul3A_44, %add3A_45 : i32
      %multiple_of3A_47 = tpu.assume_multiple %add3A_46, 8 : i32
      "tpu.region"() ({
        %run_scoped3A = tpu.sem_alloc : memref<!tpu.dma_semaphore, #tpu.memory_space<semaphore_mem>>
        %dma_start3A_163 = arith.constant 0 : i32
        %dma_start3A_164 = tpu.memref_slice %arg21[%multiple_of3A_47, %dma_start3A_163] : memref<10000x128xf32, #tpu.memory_space<vmem_shared>> -> memref<40x128xf32, #tpu.memory_space<vmem_shared>>
        %dma_start3A_165 = arith.constant 0 : i32
        %dma_start3A_166 = tpu.memref_slice %arg21[%multiple_of3A_47, %dma_start3A_165] : memref<10000x128xf32, #tpu.memory_space<vmem_shared>> -> memref<40x128xf32, #tpu.memory_space<vmem_shared>>
        tpu.enqueue_dma source(%arg19 : memref<40x128xf32, #tpu.memory_space<vmem>>) target(%dma_start3A_166 : memref<40x128xf32, #tpu.memory_space<vmem_shared>>) target_semaphore(%run_scoped3A : memref<!tpu.dma_semaphore, #tpu.memory_space<semaphore_mem>>)
        %dma_wait3A = arith.constant 0 : i32
        %dma_wait3A_167 = tpu.memref_slice %arg21[%multiple_of3A_47, %dma_wait3A] : memref<10000x128xf32, #tpu.memory_space<vmem_shared>> -> memref<40x128xf32, #tpu.memory_space<vmem_shared>>
        %dma_wait3A_168 = arith.constant 0 : i32
        %dma_wait3A_169 = tpu.memref_slice %arg21[%multiple_of3A_47, %dma_wait3A_168] : memref<10000x128xf32, #tpu.memory_space<vmem_shared>> -> memref<40x128xf32, #tpu.memory_space<vmem_shared>>
        tpu.wait_dma2 semaphore(%run_scoped3A : memref<!tpu.dma_semaphore, #tpu.memory_space<semaphore_mem>>) src(%arg19 : memref<40x128xf32, #tpu.memory_space<vmem>>) dst(%dma_wait3A_169 : memref<40x128xf32, #tpu.memory_space<vmem_shared>>)
        tpu.yield
      }) : () -> ()
      %mul3A_48 = arith.constant 1000 : i32
      %mul3A_49 = arith.muli %arg1, %mul3A_48 : i32
      %add3A_50 = arith.constant 80 : i32
      %add3A_51 = arith.addi %mul3A_49, %add3A_50 : i32
      %multiple_of3A_52 = tpu.assume_multiple %add3A_51, 8 : i32
      "tpu.region"() ({
        %run_scoped3A = tpu.sem_alloc : memref<!tpu.dma_semaphore, #tpu.memory_space<semaphore_mem>>
        %dma_start3A_163 = arith.constant 0 : i32
        %dma_start3A_164 = tpu.memref_slice %arg21[%multiple_of3A_52, %dma_start3A_163] : memref<10000x128xf32, #tpu.memory_space<vmem_shared>> -> memref<40x128xf32, #tpu.memory_space<vmem_shared>>
        %dma_start3A_165 = arith.constant 0 : i32
        %dma_start3A_166 = tpu.memref_slice %arg21[%multiple_of3A_52, %dma_start3A_165] : memref<10000x128xf32, #tpu.memory_space<vmem_shared>> -> memref<40x128xf32, #tpu.memory_space<vmem_shared>>
        tpu.enqueue_dma source(%arg19 : memref<40x128xf32, #tpu.memory_space<vmem>>) target(%dma_start3A_166 : memref<40x128xf32, #tpu.memory_space<vmem_shared>>) target_semaphore(%run_scoped3A : memref<!tpu.dma_semaphore, #tpu.memory_space<semaphore_mem>>)
        %dma_wait3A = arith.constant 0 : i32
        %dma_wait3A_167 = tpu.memref_slice %arg21[%multiple_of3A_52, %dma_wait3A] : memref<10000x128xf32, #tpu.memory_space<vmem_shared>> -> memref<40x128xf32, #tpu.memory_space<vmem_shared>>
        %dma_wait3A_168 = arith.constant 0 : i32
        %dma_wait3A_169 = tpu.memref_slice %arg21[%multiple_of3A_52, %dma_wait3A_168] : memref<10000x128xf32, #tpu.memory_space<vmem_shared>> -> memref<40x128xf32, #tpu.memory_space<vmem_shared>>
        tpu.wait_dma2 semaphore(%run_scoped3A : memref<!tpu.dma_semaphore, #tpu.memory_space<semaphore_mem>>) src(%arg19 : memref<40x128xf32, #tpu.memory_space<vmem>>) dst(%dma_wait3A_169 : memref<40x128xf32, #tpu.memory_space<vmem_shared>>)
        tpu.yield
      }) : () -> ()
      %mul3A_53 = arith.constant 1000 : i32
      %mul3A_54 = arith.muli %arg1, %mul3A_53 : i32
      %add3A_55 = arith.constant 120 : i32
      %add3A_56 = arith.addi %mul3A_54, %add3A_55 : i32
      %multiple_of3A_57 = tpu.assume_multiple %add3A_56, 8 : i32
      "tpu.region"() ({
        %run_scoped3A = tpu.sem_alloc : memref<!tpu.dma_semaphore, #tpu.memory_space<semaphore_mem>>
        %dma_start3A_163 = arith.constant 0 : i32
        %dma_start3A_164 = tpu.memref_slice %arg21[%multiple_of3A_57, %dma_start3A_163] : memref<10000x128xf32, #tpu.memory_space<vmem_shared>> -> memref<40x128xf32, #tpu.memory_space<vmem_shared>>
        %dma_start3A_165 = arith.constant 0 : i32
        %dma_start3A_166 = tpu.memref_slice %arg21[%multiple_of3A_57, %dma_start3A_165] : memref<10000x128xf32, #tpu.memory_space<vmem_shared>> -> memref<40x128xf32, #tpu.memory_space<vmem_shared>>
        tpu.enqueue_dma source(%arg19 : memref<40x128xf32, #tpu.memory_space<vmem>>) target(%dma_start3A_166 : memref<40x128xf32, #tpu.memory_space<vmem_shared>>) target_semaphore(%run_scoped3A : memref<!tpu.dma_semaphore, #tpu.memory_space<semaphore_mem>>)
        %dma_wait3A = arith.constant 0 : i32
        %dma_wait3A_167 = tpu.memref_slice %arg21[%multiple_of3A_57, %dma_wait3A] : memref<10000x128xf32, #tpu.memory_space<vmem_shared>> -> memref<40x128xf32, #tpu.memory_space<vmem_shared>>
        %dma_wait3A_168 = arith.constant 0 : i32
        %dma_wait3A_169 = tpu.memref_slice %arg21[%multiple_of3A_57, %dma_wait3A_168] : memref<10000x128xf32, #tpu.memory_space<vmem_shared>> -> memref<40x128xf32, #tpu.memory_space<vmem_shared>>
        tpu.wait_dma2 semaphore(%run_scoped3A : memref<!tpu.dma_semaphore, #tpu.memory_space<semaphore_mem>>) src(%arg19 : memref<40x128xf32, #tpu.memory_space<vmem>>) dst(%dma_wait3A_169 : memref<40x128xf32, #tpu.memory_space<vmem_shared>>)
        tpu.yield
      }) : () -> ()
      %mul3A_58 = arith.constant 1000 : i32
      %mul3A_59 = arith.muli %arg1, %mul3A_58 : i32
      %add3A_60 = arith.constant 160 : i32
      %add3A_61 = arith.addi %mul3A_59, %add3A_60 : i32
      %multiple_of3A_62 = tpu.assume_multiple %add3A_61, 8 : i32
      "tpu.region"() ({
        %run_scoped3A = tpu.sem_alloc : memref<!tpu.dma_semaphore, #tpu.memory_space<semaphore_mem>>
        %dma_start3A_163 = arith.constant 0 : i32
        %dma_start3A_164 = tpu.memref_slice %arg21[%multiple_of3A_62, %dma_start3A_163] : memref<10000x128xf32, #tpu.memory_space<vmem_shared>> -> memref<40x128xf32, #tpu.memory_space<vmem_shared>>
        %dma_start3A_165 = arith.constant 0 : i32
        %dma_start3A_166 = tpu.memref_slice %arg21[%multiple_of3A_62, %dma_start3A_165] : memref<10000x128xf32, #tpu.memory_space<vmem_shared>> -> memref<40x128xf32, #tpu.memory_space<vmem_shared>>
        tpu.enqueue_dma source(%arg19 : memref<40x128xf32, #tpu.memory_space<vmem>>) target(%dma_start3A_166 : memref<40x128xf32, #tpu.memory_space<vmem_shared>>) target_semaphore(%run_scoped3A : memref<!tpu.dma_semaphore, #tpu.memory_space<semaphore_mem>>)
        %dma_wait3A = arith.constant 0 : i32
        %dma_wait3A_167 = tpu.memref_slice %arg21[%multiple_of3A_62, %dma_wait3A] : memref<10000x128xf32, #tpu.memory_space<vmem_shared>> -> memref<40x128xf32, #tpu.memory_space<vmem_shared>>
        %dma_wait3A_168 = arith.constant 0 : i32
        %dma_wait3A_169 = tpu.memref_slice %arg21[%multiple_of3A_62, %dma_wait3A_168] : memref<10000x128xf32, #tpu.memory_space<vmem_shared>> -> memref<40x128xf32, #tpu.memory_space<vmem_shared>>
        tpu.wait_dma2 semaphore(%run_scoped3A : memref<!tpu.dma_semaphore, #tpu.memory_space<semaphore_mem>>) src(%arg19 : memref<40x128xf32, #tpu.memory_space<vmem>>) dst(%dma_wait3A_169 : memref<40x128xf32, #tpu.memory_space<vmem_shared>>)
        tpu.yield
      }) : () -> ()
      %mul3A_63 = arith.constant 1000 : i32
      %mul3A_64 = arith.muli %arg1, %mul3A_63 : i32
      %add3A_65 = arith.constant 200 : i32
      %add3A_66 = arith.addi %mul3A_64, %add3A_65 : i32
      %multiple_of3A_67 = tpu.assume_multiple %add3A_66, 8 : i32
      "tpu.region"() ({
        %run_scoped3A = tpu.sem_alloc : memref<!tpu.dma_semaphore, #tpu.memory_space<semaphore_mem>>
        %dma_start3A_163 = arith.constant 0 : i32
        %dma_start3A_164 = tpu.memref_slice %arg21[%multiple_of3A_67, %dma_start3A_163] : memref<10000x128xf32, #tpu.memory_space<vmem_shared>> -> memref<40x128xf32, #tpu.memory_space<vmem_shared>>
        %dma_start3A_165 = arith.constant 0 : i32
        %dma_start3A_166 = tpu.memref_slice %arg21[%multiple_of3A_67, %dma_start3A_165] : memref<10000x128xf32, #tpu.memory_space<vmem_shared>> -> memref<40x128xf32, #tpu.memory_space<vmem_shared>>
        tpu.enqueue_dma source(%arg19 : memref<40x128xf32, #tpu.memory_space<vmem>>) target(%dma_start3A_166 : memref<40x128xf32, #tpu.memory_space<vmem_shared>>) target_semaphore(%run_scoped3A : memref<!tpu.dma_semaphore, #tpu.memory_space<semaphore_mem>>)
        %dma_wait3A = arith.constant 0 : i32
        %dma_wait3A_167 = tpu.memref_slice %arg21[%multiple_of3A_67, %dma_wait3A] : memref<10000x128xf32, #tpu.memory_space<vmem_shared>> -> memref<40x128xf32, #tpu.memory_space<vmem_shared>>
        %dma_wait3A_168 = arith.constant 0 : i32
        %dma_wait3A_169 = tpu.memref_slice %arg21[%multiple_of3A_67, %dma_wait3A_168] : memref<10000x128xf32, #tpu.memory_space<vmem_shared>> -> memref<40x128xf32, #tpu.memory_space<vmem_shared>>
        tpu.wait_dma2 semaphore(%run_scoped3A : memref<!tpu.dma_semaphore, #tpu.memory_space<semaphore_mem>>) src(%arg19 : memref<40x128xf32, #tpu.memory_space<vmem>>) dst(%dma_wait3A_169 : memref<40x128xf32, #tpu.memory_space<vmem_shared>>)
        tpu.yield
      }) : () -> ()
      %mul3A_68 = arith.constant 1000 : i32
      %mul3A_69 = arith.muli %arg1, %mul3A_68 : i32
      %add3A_70 = arith.constant 240 : i32
      %add3A_71 = arith.addi %mul3A_69, %add3A_70 : i32
      %multiple_of3A_72 = tpu.assume_multiple %add3A_71, 8 : i32
      "tpu.region"() ({
        %run_scoped3A = tpu.sem_alloc : memref<!tpu.dma_semaphore, #tpu.memory_space<semaphore_mem>>
        %dma_start3A_163 = arith.constant 0 : i32
        %dma_start3A_164 = tpu.memref_slice %arg21[%multiple_of3A_72, %dma_start3A_163] : memref<10000x128xf32, #tpu.memory_space<vmem_shared>> -> memref<40x128xf32, #tpu.memory_space<vmem_shared>>
        %dma_start3A_165 = arith.constant 0 : i32
        %dma_start3A_166 = tpu.memref_slice %arg21[%multiple_of3A_72, %dma_start3A_165] : memref<10000x128xf32, #tpu.memory_space<vmem_shared>> -> memref<40x128xf32, #tpu.memory_space<vmem_shared>>
        tpu.enqueue_dma source(%arg19 : memref<40x128xf32, #tpu.memory_space<vmem>>) target(%dma_start3A_166 : memref<40x128xf32, #tpu.memory_space<vmem_shared>>) target_semaphore(%run_scoped3A : memref<!tpu.dma_semaphore, #tpu.memory_space<semaphore_mem>>)
        %dma_wait3A = arith.constant 0 : i32
        %dma_wait3A_167 = tpu.memref_slice %arg21[%multiple_of3A_72, %dma_wait3A] : memref<10000x128xf32, #tpu.memory_space<vmem_shared>> -> memref<40x128xf32, #tpu.memory_space<vmem_shared>>
        %dma_wait3A_168 = arith.constant 0 : i32
        %dma_wait3A_169 = tpu.memref_slice %arg21[%multiple_of3A_72, %dma_wait3A_168] : memref<10000x128xf32, #tpu.memory_space<vmem_shared>> -> memref<40x128xf32, #tpu.memory_space<vmem_shared>>
        tpu.wait_dma2 semaphore(%run_scoped3A : memref<!tpu.dma_semaphore, #tpu.memory_space<semaphore_mem>>) src(%arg19 : memref<40x128xf32, #tpu.memory_space<vmem>>) dst(%dma_wait3A_169 : memref<40x128xf32, #tpu.memory_space<vmem_shared>>)
        tpu.yield
      }) : () -> ()
      %mul3A_73 = arith.constant 1000 : i32
      %mul3A_74 = arith.muli %arg1, %mul3A_73 : i32
      %add3A_75 = arith.constant 280 : i32
      %add3A_76 = arith.addi %mul3A_74, %add3A_75 : i32
      %multiple_of3A_77 = tpu.assume_multiple %add3A_76, 8 : i32
      "tpu.region"() ({
        %run_scoped3A = tpu.sem_alloc : memref<!tpu.dma_semaphore, #tpu.memory_space<semaphore_mem>>
        %dma_start3A_163 = arith.constant 0 : i32
        %dma_start3A_164 = tpu.memref_slice %arg21[%multiple_of3A_77, %dma_start3A_163] : memref<10000x128xf32, #tpu.memory_space<vmem_shared>> -> memref<40x128xf32, #tpu.memory_space<vmem_shared>>
        %dma_start3A_165 = arith.constant 0 : i32
        %dma_start3A_166 = tpu.memref_slice %arg21[%multiple_of3A_77, %dma_start3A_165] : memref<10000x128xf32, #tpu.memory_space<vmem_shared>> -> memref<40x128xf32, #tpu.memory_space<vmem_shared>>
        tpu.enqueue_dma source(%arg19 : memref<40x128xf32, #tpu.memory_space<vmem>>) target(%dma_start3A_166 : memref<40x128xf32, #tpu.memory_space<vmem_shared>>) target_semaphore(%run_scoped3A : memref<!tpu.dma_semaphore, #tpu.memory_space<semaphore_mem>>)
        %dma_wait3A = arith.constant 0 : i32
        %dma_wait3A_167 = tpu.memref_slice %arg21[%multiple_of3A_77, %dma_wait3A] : memref<10000x128xf32, #tpu.memory_space<vmem_shared>> -> memref<40x128xf32, #tpu.memory_space<vmem_shared>>
        %dma_wait3A_168 = arith.constant 0 : i32
        %dma_wait3A_169 = tpu.memref_slice %arg21[%multiple_of3A_77, %dma_wait3A_168] : memref<10000x128xf32, #tpu.memory_space<vmem_shared>> -> memref<40x128xf32, #tpu.memory_space<vmem_shared>>
        tpu.wait_dma2 semaphore(%run_scoped3A : memref<!tpu.dma_semaphore, #tpu.memory_space<semaphore_mem>>) src(%arg19 : memref<40x128xf32, #tpu.memory_space<vmem>>) dst(%dma_wait3A_169 : memref<40x128xf32, #tpu.memory_space<vmem_shared>>)
        tpu.yield
      }) : () -> ()
      %mul3A_78 = arith.constant 1000 : i32
      %mul3A_79 = arith.muli %arg1, %mul3A_78 : i32
      %add3A_80 = arith.constant 320 : i32
      %add3A_81 = arith.addi %mul3A_79, %add3A_80 : i32
      %multiple_of3A_82 = tpu.assume_multiple %add3A_81, 8 : i32
      "tpu.region"() ({
        %run_scoped3A = tpu.sem_alloc : memref<!tpu.dma_semaphore, #tpu.memory_space<semaphore_mem>>
        %dma_start3A_163 = arith.constant 0 : i32
        %dma_start3A_164 = tpu.memref_slice %arg21[%multiple_of3A_82, %dma_start3A_163] : memref<10000x128xf32, #tpu.memory_space<vmem_shared>> -> memref<40x128xf32, #tpu.memory_space<vmem_shared>>
        %dma_start3A_165 = arith.constant 0 : i32
        %dma_start3A_166 = tpu.memref_slice %arg21[%multiple_of3A_82, %dma_start3A_165] : memref<10000x128xf32, #tpu.memory_space<vmem_shared>> -> memref<40x128xf32, #tpu.memory_space<vmem_shared>>
        tpu.enqueue_dma source(%arg19 : memref<40x128xf32, #tpu.memory_space<vmem>>) target(%dma_start3A_166 : memref<40x128xf32, #tpu.memory_space<vmem_shared>>) target_semaphore(%run_scoped3A : memref<!tpu.dma_semaphore, #tpu.memory_space<semaphore_mem>>)
        %dma_wait3A = arith.constant 0 : i32
        %dma_wait3A_167 = tpu.memref_slice %arg21[%multiple_of3A_82, %dma_wait3A] : memref<10000x128xf32, #tpu.memory_space<vmem_shared>> -> memref<40x128xf32, #tpu.memory_space<vmem_shared>>
        %dma_wait3A_168 = arith.constant 0 : i32
        %dma_wait3A_169 = tpu.memref_slice %arg21[%multiple_of3A_82, %dma_wait3A_168] : memref<10000x128xf32, #tpu.memory_space<vmem_shared>> -> memref<40x128xf32, #tpu.memory_space<vmem_shared>>
        tpu.wait_dma2 semaphore(%run_scoped3A : memref<!tpu.dma_semaphore, #tpu.memory_space<semaphore_mem>>) src(%arg19 : memref<40x128xf32, #tpu.memory_space<vmem>>) dst(%dma_wait3A_169 : memref<40x128xf32, #tpu.memory_space<vmem_shared>>)
        tpu.yield
      }) : () -> ()
      %mul3A_83 = arith.constant 1000 : i32
      %mul3A_84 = arith.muli %arg1, %mul3A_83 : i32
      %add3A_85 = arith.constant 360 : i32
      %add3A_86 = arith.addi %mul3A_84, %add3A_85 : i32
      %multiple_of3A_87 = tpu.assume_multiple %add3A_86, 8 : i32
      "tpu.region"() ({
        %run_scoped3A = tpu.sem_alloc : memref<!tpu.dma_semaphore, #tpu.memory_space<semaphore_mem>>
        %dma_start3A_163 = arith.constant 0 : i32
        %dma_start3A_164 = tpu.memref_slice %arg21[%multiple_of3A_87, %dma_start3A_163] : memref<10000x128xf32, #tpu.memory_space<vmem_shared>> -> memref<40x128xf32, #tpu.memory_space<vmem_shared>>
        %dma_start3A_165 = arith.constant 0 : i32
        %dma_start3A_166 = tpu.memref_slice %arg21[%multiple_of3A_87, %dma_start3A_165] : memref<10000x128xf32, #tpu.memory_space<vmem_shared>> -> memref<40x128xf32, #tpu.memory_space<vmem_shared>>
        tpu.enqueue_dma source(%arg19 : memref<40x128xf32, #tpu.memory_space<vmem>>) target(%dma_start3A_166 : memref<40x128xf32, #tpu.memory_space<vmem_shared>>) target_semaphore(%run_scoped3A : memref<!tpu.dma_semaphore, #tpu.memory_space<semaphore_mem>>)
        %dma_wait3A = arith.constant 0 : i32
        %dma_wait3A_167 = tpu.memref_slice %arg21[%multiple_of3A_87, %dma_wait3A] : memref<10000x128xf32, #tpu.memory_space<vmem_shared>> -> memref<40x128xf32, #tpu.memory_space<vmem_shared>>
        %dma_wait3A_168 = arith.constant 0 : i32
        %dma_wait3A_169 = tpu.memref_slice %arg21[%multiple_of3A_87, %dma_wait3A_168] : memref<10000x128xf32, #tpu.memory_space<vmem_shared>> -> memref<40x128xf32, #tpu.memory_space<vmem_shared>>
        tpu.wait_dma2 semaphore(%run_scoped3A : memref<!tpu.dma_semaphore, #tpu.memory_space<semaphore_mem>>) src(%arg19 : memref<40x128xf32, #tpu.memory_space<vmem>>) dst(%dma_wait3A_169 : memref<40x128xf32, #tpu.memory_space<vmem_shared>>)
        tpu.yield
      }) : () -> ()
      %mul3A_88 = arith.constant 1000 : i32
      %mul3A_89 = arith.muli %arg1, %mul3A_88 : i32
      %add3A_90 = arith.constant 400 : i32
      %add3A_91 = arith.addi %mul3A_89, %add3A_90 : i32
      %multiple_of3A_92 = tpu.assume_multiple %add3A_91, 8 : i32
      "tpu.region"() ({
        %run_scoped3A = tpu.sem_alloc : memref<!tpu.dma_semaphore, #tpu.memory_space<semaphore_mem>>
        %dma_start3A_163 = arith.constant 0 : i32
        %dma_start3A_164 = tpu.memref_slice %arg21[%multiple_of3A_92, %dma_start3A_163] : memref<10000x128xf32, #tpu.memory_space<vmem_shared>> -> memref<40x128xf32, #tpu.memory_space<vmem_shared>>
        %dma_start3A_165 = arith.constant 0 : i32
        %dma_start3A_166 = tpu.memref_slice %arg21[%multiple_of3A_92, %dma_start3A_165] : memref<10000x128xf32, #tpu.memory_space<vmem_shared>> -> memref<40x128xf32, #tpu.memory_space<vmem_shared>>
        tpu.enqueue_dma source(%arg19 : memref<40x128xf32, #tpu.memory_space<vmem>>) target(%dma_start3A_166 : memref<40x128xf32, #tpu.memory_space<vmem_shared>>) target_semaphore(%run_scoped3A : memref<!tpu.dma_semaphore, #tpu.memory_space<semaphore_mem>>)
        %dma_wait3A = arith.constant 0 : i32
        %dma_wait3A_167 = tpu.memref_slice %arg21[%multiple_of3A_92, %dma_wait3A] : memref<10000x128xf32, #tpu.memory_space<vmem_shared>> -> memref<40x128xf32, #tpu.memory_space<vmem_shared>>
        %dma_wait3A_168 = arith.constant 0 : i32
        %dma_wait3A_169 = tpu.memref_slice %arg21[%multiple_of3A_92, %dma_wait3A_168] : memref<10000x128xf32, #tpu.memory_space<vmem_shared>> -> memref<40x128xf32, #tpu.memory_space<vmem_shared>>
        tpu.wait_dma2 semaphore(%run_scoped3A : memref<!tpu.dma_semaphore, #tpu.memory_space<semaphore_mem>>) src(%arg19 : memref<40x128xf32, #tpu.memory_space<vmem>>) dst(%dma_wait3A_169 : memref<40x128xf32, #tpu.memory_space<vmem_shared>>)
        tpu.yield
      }) : () -> ()
      %mul3A_93 = arith.constant 1000 : i32
      %mul3A_94 = arith.muli %arg1, %mul3A_93 : i32
      %add3A_95 = arith.constant 440 : i32
      %add3A_96 = arith.addi %mul3A_94, %add3A_95 : i32
      %multiple_of3A_97 = tpu.assume_multiple %add3A_96, 8 : i32
      "tpu.region"() ({
        %run_scoped3A = tpu.sem_alloc : memref<!tpu.dma_semaphore, #tpu.memory_space<semaphore_mem>>
        %dma_start3A_163 = arith.constant 0 : i32
        %dma_start3A_164 = tpu.memref_slice %arg21[%multiple_of3A_97, %dma_start3A_163] : memref<10000x128xf32, #tpu.memory_space<vmem_shared>> -> memref<40x128xf32, #tpu.memory_space<vmem_shared>>
        %dma_start3A_165 = arith.constant 0 : i32
        %dma_start3A_166 = tpu.memref_slice %arg21[%multiple_of3A_97, %dma_start3A_165] : memref<10000x128xf32, #tpu.memory_space<vmem_shared>> -> memref<40x128xf32, #tpu.memory_space<vmem_shared>>
        tpu.enqueue_dma source(%arg19 : memref<40x128xf32, #tpu.memory_space<vmem>>) target(%dma_start3A_166 : memref<40x128xf32, #tpu.memory_space<vmem_shared>>) target_semaphore(%run_scoped3A : memref<!tpu.dma_semaphore, #tpu.memory_space<semaphore_mem>>)
        %dma_wait3A = arith.constant 0 : i32
        %dma_wait3A_167 = tpu.memref_slice %arg21[%multiple_of3A_97, %dma_wait3A] : memref<10000x128xf32, #tpu.memory_space<vmem_shared>> -> memref<40x128xf32, #tpu.memory_space<vmem_shared>>
        %dma_wait3A_168 = arith.constant 0 : i32
        %dma_wait3A_169 = tpu.memref_slice %arg21[%multiple_of3A_97, %dma_wait3A_168] : memref<10000x128xf32, #tpu.memory_space<vmem_shared>> -> memref<40x128xf32, #tpu.memory_space<vmem_shared>>
        tpu.wait_dma2 semaphore(%run_scoped3A : memref<!tpu.dma_semaphore, #tpu.memory_space<semaphore_mem>>) src(%arg19 : memref<40x128xf32, #tpu.memory_space<vmem>>) dst(%dma_wait3A_169 : memref<40x128xf32, #tpu.memory_space<vmem_shared>>)
        tpu.yield
      }) : () -> ()
      %mul3A_98 = arith.constant 1000 : i32
      %mul3A_99 = arith.muli %arg1, %mul3A_98 : i32
      %add3A_100 = arith.constant 480 : i32
      %add3A_101 = arith.addi %mul3A_99, %add3A_100 : i32
      %multiple_of3A_102 = tpu.assume_multiple %add3A_101, 8 : i32
      "tpu.region"() ({
        %run_scoped3A = tpu.sem_alloc : memref<!tpu.dma_semaphore, #tpu.memory_space<semaphore_mem>>
        %dma_start3A_163 = arith.constant 0 : i32
        %dma_start3A_164 = tpu.memref_slice %arg21[%multiple_of3A_102, %dma_start3A_163] : memref<10000x128xf32, #tpu.memory_space<vmem_shared>> -> memref<40x128xf32, #tpu.memory_space<vmem_shared>>
        %dma_start3A_165 = arith.constant 0 : i32
        %dma_start3A_166 = tpu.memref_slice %arg21[%multiple_of3A_102, %dma_start3A_165] : memref<10000x128xf32, #tpu.memory_space<vmem_shared>> -> memref<40x128xf32, #tpu.memory_space<vmem_shared>>
        tpu.enqueue_dma source(%arg19 : memref<40x128xf32, #tpu.memory_space<vmem>>) target(%dma_start3A_166 : memref<40x128xf32, #tpu.memory_space<vmem_shared>>) target_semaphore(%run_scoped3A : memref<!tpu.dma_semaphore, #tpu.memory_space<semaphore_mem>>)
        %dma_wait3A = arith.constant 0 : i32
        %dma_wait3A_167 = tpu.memref_slice %arg21[%multiple_of3A_102, %dma_wait3A] : memref<10000x128xf32, #tpu.memory_space<vmem_shared>> -> memref<40x128xf32, #tpu.memory_space<vmem_shared>>
        %dma_wait3A_168 = arith.constant 0 : i32
        %dma_wait3A_169 = tpu.memref_slice %arg21[%multiple_of3A_102, %dma_wait3A_168] : memref<10000x128xf32, #tpu.memory_space<vmem_shared>> -> memref<40x128xf32, #tpu.memory_space<vmem_shared>>
        tpu.wait_dma2 semaphore(%run_scoped3A : memref<!tpu.dma_semaphore, #tpu.memory_space<semaphore_mem>>) src(%arg19 : memref<40x128xf32, #tpu.memory_space<vmem>>) dst(%dma_wait3A_169 : memref<40x128xf32, #tpu.memory_space<vmem_shared>>)
        tpu.yield
      }) : () -> ()
      %mul3A_103 = arith.constant 1000 : i32
      %mul3A_104 = arith.muli %arg1, %mul3A_103 : i32
      %add3A_105 = arith.constant 520 : i32
      %add3A_106 = arith.addi %mul3A_104, %add3A_105 : i32
      %multiple_of3A_107 = tpu.assume_multiple %add3A_106, 8 : i32
      "tpu.region"() ({
        %run_scoped3A = tpu.sem_alloc : memref<!tpu.dma_semaphore, #tpu.memory_space<semaphore_mem>>
        %dma_start3A_163 = arith.constant 0 : i32
        %dma_start3A_164 = tpu.memref_slice %arg21[%multiple_of3A_107, %dma_start3A_163] : memref<10000x128xf32, #tpu.memory_space<vmem_shared>> -> memref<40x128xf32, #tpu.memory_space<vmem_shared>>
        %dma_start3A_165 = arith.constant 0 : i32
        %dma_start3A_166 = tpu.memref_slice %arg21[%multiple_of3A_107, %dma_start3A_165] : memref<10000x128xf32, #tpu.memory_space<vmem_shared>> -> memref<40x128xf32, #tpu.memory_space<vmem_shared>>
        tpu.enqueue_dma source(%arg19 : memref<40x128xf32, #tpu.memory_space<vmem>>) target(%dma_start3A_166 : memref<40x128xf32, #tpu.memory_space<vmem_shared>>) target_semaphore(%run_scoped3A : memref<!tpu.dma_semaphore, #tpu.memory_space<semaphore_mem>>)
        %dma_wait3A = arith.constant 0 : i32
        %dma_wait3A_167 = tpu.memref_slice %arg21[%multiple_of3A_107, %dma_wait3A] : memref<10000x128xf32, #tpu.memory_space<vmem_shared>> -> memref<40x128xf32, #tpu.memory_space<vmem_shared>>
        %dma_wait3A_168 = arith.constant 0 : i32
        %dma_wait3A_169 = tpu.memref_slice %arg21[%multiple_of3A_107, %dma_wait3A_168] : memref<10000x128xf32, #tpu.memory_space<vmem_shared>> -> memref<40x128xf32, #tpu.memory_space<vmem_shared>>
        tpu.wait_dma2 semaphore(%run_scoped3A : memref<!tpu.dma_semaphore, #tpu.memory_space<semaphore_mem>>) src(%arg19 : memref<40x128xf32, #tpu.memory_space<vmem>>) dst(%dma_wait3A_169 : memref<40x128xf32, #tpu.memory_space<vmem_shared>>)
        tpu.yield
      }) : () -> ()
      %mul3A_108 = arith.constant 1000 : i32
      %mul3A_109 = arith.muli %arg1, %mul3A_108 : i32
      %add3A_110 = arith.constant 560 : i32
      %add3A_111 = arith.addi %mul3A_109, %add3A_110 : i32
      %multiple_of3A_112 = tpu.assume_multiple %add3A_111, 8 : i32
      "tpu.region"() ({
        %run_scoped3A = tpu.sem_alloc : memref<!tpu.dma_semaphore, #tpu.memory_space<semaphore_mem>>
        %dma_start3A_163 = arith.constant 0 : i32
        %dma_start3A_164 = tpu.memref_slice %arg21[%multiple_of3A_112, %dma_start3A_163] : memref<10000x128xf32, #tpu.memory_space<vmem_shared>> -> memref<40x128xf32, #tpu.memory_space<vmem_shared>>
        %dma_start3A_165 = arith.constant 0 : i32
        %dma_start3A_166 = tpu.memref_slice %arg21[%multiple_of3A_112, %dma_start3A_165] : memref<10000x128xf32, #tpu.memory_space<vmem_shared>> -> memref<40x128xf32, #tpu.memory_space<vmem_shared>>
        tpu.enqueue_dma source(%arg19 : memref<40x128xf32, #tpu.memory_space<vmem>>) target(%dma_start3A_166 : memref<40x128xf32, #tpu.memory_space<vmem_shared>>) target_semaphore(%run_scoped3A : memref<!tpu.dma_semaphore, #tpu.memory_space<semaphore_mem>>)
        %dma_wait3A = arith.constant 0 : i32
        %dma_wait3A_167 = tpu.memref_slice %arg21[%multiple_of3A_112, %dma_wait3A] : memref<10000x128xf32, #tpu.memory_space<vmem_shared>> -> memref<40x128xf32, #tpu.memory_space<vmem_shared>>
        %dma_wait3A_168 = arith.constant 0 : i32
        %dma_wait3A_169 = tpu.memref_slice %arg21[%multiple_of3A_112, %dma_wait3A_168] : memref<10000x128xf32, #tpu.memory_space<vmem_shared>> -> memref<40x128xf32, #tpu.memory_space<vmem_shared>>
        tpu.wait_dma2 semaphore(%run_scoped3A : memref<!tpu.dma_semaphore, #tpu.memory_space<semaphore_mem>>) src(%arg19 : memref<40x128xf32, #tpu.memory_space<vmem>>) dst(%dma_wait3A_169 : memref<40x128xf32, #tpu.memory_space<vmem_shared>>)
        tpu.yield
      }) : () -> ()
      %mul3A_113 = arith.constant 1000 : i32
      %mul3A_114 = arith.muli %arg1, %mul3A_113 : i32
      %add3A_115 = arith.constant 600 : i32
      %add3A_116 = arith.addi %mul3A_114, %add3A_115 : i32
      %multiple_of3A_117 = tpu.assume_multiple %add3A_116, 8 : i32
      "tpu.region"() ({
        %run_scoped3A = tpu.sem_alloc : memref<!tpu.dma_semaphore, #tpu.memory_space<semaphore_mem>>
        %dma_start3A_163 = arith.constant 0 : i32
        %dma_start3A_164 = tpu.memref_slice %arg21[%multiple_of3A_117, %dma_start3A_163] : memref<10000x128xf32, #tpu.memory_space<vmem_shared>> -> memref<40x128xf32, #tpu.memory_space<vmem_shared>>
        %dma_start3A_165 = arith.constant 0 : i32
        %dma_start3A_166 = tpu.memref_slice %arg21[%multiple_of3A_117, %dma_start3A_165] : memref<10000x128xf32, #tpu.memory_space<vmem_shared>> -> memref<40x128xf32, #tpu.memory_space<vmem_shared>>
        tpu.enqueue_dma source(%arg19 : memref<40x128xf32, #tpu.memory_space<vmem>>) target(%dma_start3A_166 : memref<40x128xf32, #tpu.memory_space<vmem_shared>>) target_semaphore(%run_scoped3A : memref<!tpu.dma_semaphore, #tpu.memory_space<semaphore_mem>>)
        %dma_wait3A = arith.constant 0 : i32
        %dma_wait3A_167 = tpu.memref_slice %arg21[%multiple_of3A_117, %dma_wait3A] : memref<10000x128xf32, #tpu.memory_space<vmem_shared>> -> memref<40x128xf32, #tpu.memory_space<vmem_shared>>
        %dma_wait3A_168 = arith.constant 0 : i32
        %dma_wait3A_169 = tpu.memref_slice %arg21[%multiple_of3A_117, %dma_wait3A_168] : memref<10000x128xf32, #tpu.memory_space<vmem_shared>> -> memref<40x128xf32, #tpu.memory_space<vmem_shared>>
        tpu.wait_dma2 semaphore(%run_scoped3A : memref<!tpu.dma_semaphore, #tpu.memory_space<semaphore_mem>>) src(%arg19 : memref<40x128xf32, #tpu.memory_space<vmem>>) dst(%dma_wait3A_169 : memref<40x128xf32, #tpu.memory_space<vmem_shared>>)
        tpu.yield
      }) : () -> ()
      %mul3A_118 = arith.constant 1000 : i32
      %mul3A_119 = arith.muli %arg1, %mul3A_118 : i32
      %add3A_120 = arith.constant 640 : i32
      %add3A_121 = arith.addi %mul3A_119, %add3A_120 : i32
      %multiple_of3A_122 = tpu.assume_multiple %add3A_121, 8 : i32
      "tpu.region"() ({
        %run_scoped3A = tpu.sem_alloc : memref<!tpu.dma_semaphore, #tpu.memory_space<semaphore_mem>>
        %dma_start3A_163 = arith.constant 0 : i32
        %dma_start3A_164 = tpu.memref_slice %arg21[%multiple_of3A_122, %dma_start3A_163] : memref<10000x128xf32, #tpu.memory_space<vmem_shared>> -> memref<40x128xf32, #tpu.memory_space<vmem_shared>>
        %dma_start3A_165 = arith.constant 0 : i32
        %dma_start3A_166 = tpu.memref_slice %arg21[%multiple_of3A_122, %dma_start3A_165] : memref<10000x128xf32, #tpu.memory_space<vmem_shared>> -> memref<40x128xf32, #tpu.memory_space<vmem_shared>>
        tpu.enqueue_dma source(%arg19 : memref<40x128xf32, #tpu.memory_space<vmem>>) target(%dma_start3A_166 : memref<40x128xf32, #tpu.memory_space<vmem_shared>>) target_semaphore(%run_scoped3A : memref<!tpu.dma_semaphore, #tpu.memory_space<semaphore_mem>>)
        %dma_wait3A = arith.constant 0 : i32
        %dma_wait3A_167 = tpu.memref_slice %arg21[%multiple_of3A_122, %dma_wait3A] : memref<10000x128xf32, #tpu.memory_space<vmem_shared>> -> memref<40x128xf32, #tpu.memory_space<vmem_shared>>
        %dma_wait3A_168 = arith.constant 0 : i32
        %dma_wait3A_169 = tpu.memref_slice %arg21[%multiple_of3A_122, %dma_wait3A_168] : memref<10000x128xf32, #tpu.memory_space<vmem_shared>> -> memref<40x128xf32, #tpu.memory_space<vmem_shared>>
        tpu.wait_dma2 semaphore(%run_scoped3A : memref<!tpu.dma_semaphore, #tpu.memory_space<semaphore_mem>>) src(%arg19 : memref<40x128xf32, #tpu.memory_space<vmem>>) dst(%dma_wait3A_169 : memref<40x128xf32, #tpu.memory_space<vmem_shared>>)
        tpu.yield
      }) : () -> ()
      %mul3A_123 = arith.constant 1000 : i32
      %mul3A_124 = arith.muli %arg1, %mul3A_123 : i32
      %add3A_125 = arith.constant 680 : i32
      %add3A_126 = arith.addi %mul3A_124, %add3A_125 : i32
      %multiple_of3A_127 = tpu.assume_multiple %add3A_126, 8 : i32
      "tpu.region"() ({
        %run_scoped3A = tpu.sem_alloc : memref<!tpu.dma_semaphore, #tpu.memory_space<semaphore_mem>>
        %dma_start3A_163 = arith.constant 0 : i32
        %dma_start3A_164 = tpu.memref_slice %arg21[%multiple_of3A_127, %dma_start3A_163] : memref<10000x128xf32, #tpu.memory_space<vmem_shared>> -> memref<40x128xf32, #tpu.memory_space<vmem_shared>>
        %dma_start3A_165 = arith.constant 0 : i32
        %dma_start3A_166 = tpu.memref_slice %arg21[%multiple_of3A_127, %dma_start3A_165] : memref<10000x128xf32, #tpu.memory_space<vmem_shared>> -> memref<40x128xf32, #tpu.memory_space<vmem_shared>>
        tpu.enqueue_dma source(%arg19 : memref<40x128xf32, #tpu.memory_space<vmem>>) target(%dma_start3A_166 : memref<40x128xf32, #tpu.memory_space<vmem_shared>>) target_semaphore(%run_scoped3A : memref<!tpu.dma_semaphore, #tpu.memory_space<semaphore_mem>>)
        %dma_wait3A = arith.constant 0 : i32
        %dma_wait3A_167 = tpu.memref_slice %arg21[%multiple_of3A_127, %dma_wait3A] : memref<10000x128xf32, #tpu.memory_space<vmem_shared>> -> memref<40x128xf32, #tpu.memory_space<vmem_shared>>
        %dma_wait3A_168 = arith.constant 0 : i32
        %dma_wait3A_169 = tpu.memref_slice %arg21[%multiple_of3A_127, %dma_wait3A_168] : memref<10000x128xf32, #tpu.memory_space<vmem_shared>> -> memref<40x128xf32, #tpu.memory_space<vmem_shared>>
        tpu.wait_dma2 semaphore(%run_scoped3A : memref<!tpu.dma_semaphore, #tpu.memory_space<semaphore_mem>>) src(%arg19 : memref<40x128xf32, #tpu.memory_space<vmem>>) dst(%dma_wait3A_169 : memref<40x128xf32, #tpu.memory_space<vmem_shared>>)
        tpu.yield
      }) : () -> ()
      %mul3A_128 = arith.constant 1000 : i32
      %mul3A_129 = arith.muli %arg1, %mul3A_128 : i32
      %add3A_130 = arith.constant 720 : i32
      %add3A_131 = arith.addi %mul3A_129, %add3A_130 : i32
      %multiple_of3A_132 = tpu.assume_multiple %add3A_131, 8 : i32
      "tpu.region"() ({
        %run_scoped3A = tpu.sem_alloc : memref<!tpu.dma_semaphore, #tpu.memory_space<semaphore_mem>>
        %dma_start3A_163 = arith.constant 0 : i32
        %dma_start3A_164 = tpu.memref_slice %arg21[%multiple_of3A_132, %dma_start3A_163] : memref<10000x128xf32, #tpu.memory_space<vmem_shared>> -> memref<40x128xf32, #tpu.memory_space<vmem_shared>>
        %dma_start3A_165 = arith.constant 0 : i32
        %dma_start3A_166 = tpu.memref_slice %arg21[%multiple_of3A_132, %dma_start3A_165] : memref<10000x128xf32, #tpu.memory_space<vmem_shared>> -> memref<40x128xf32, #tpu.memory_space<vmem_shared>>
        tpu.enqueue_dma source(%arg19 : memref<40x128xf32, #tpu.memory_space<vmem>>) target(%dma_start3A_166 : memref<40x128xf32, #tpu.memory_space<vmem_shared>>) target_semaphore(%run_scoped3A : memref<!tpu.dma_semaphore, #tpu.memory_space<semaphore_mem>>)
        %dma_wait3A = arith.constant 0 : i32
        %dma_wait3A_167 = tpu.memref_slice %arg21[%multiple_of3A_132, %dma_wait3A] : memref<10000x128xf32, #tpu.memory_space<vmem_shared>> -> memref<40x128xf32, #tpu.memory_space<vmem_shared>>
        %dma_wait3A_168 = arith.constant 0 : i32
        %dma_wait3A_169 = tpu.memref_slice %arg21[%multiple_of3A_132, %dma_wait3A_168] : memref<10000x128xf32, #tpu.memory_space<vmem_shared>> -> memref<40x128xf32, #tpu.memory_space<vmem_shared>>
        tpu.wait_dma2 semaphore(%run_scoped3A : memref<!tpu.dma_semaphore, #tpu.memory_space<semaphore_mem>>) src(%arg19 : memref<40x128xf32, #tpu.memory_space<vmem>>) dst(%dma_wait3A_169 : memref<40x128xf32, #tpu.memory_space<vmem_shared>>)
        tpu.yield
      }) : () -> ()
      %mul3A_133 = arith.constant 1000 : i32
      %mul3A_134 = arith.muli %arg1, %mul3A_133 : i32
      %add3A_135 = arith.constant 760 : i32
      %add3A_136 = arith.addi %mul3A_134, %add3A_135 : i32
      %multiple_of3A_137 = tpu.assume_multiple %add3A_136, 8 : i32
      "tpu.region"() ({
        %run_scoped3A = tpu.sem_alloc : memref<!tpu.dma_semaphore, #tpu.memory_space<semaphore_mem>>
        %dma_start3A_163 = arith.constant 0 : i32
        %dma_start3A_164 = tpu.memref_slice %arg21[%multiple_of3A_137, %dma_start3A_163] : memref<10000x128xf32, #tpu.memory_space<vmem_shared>> -> memref<40x128xf32, #tpu.memory_space<vmem_shared>>
        %dma_start3A_165 = arith.constant 0 : i32
        %dma_start3A_166 = tpu.memref_slice %arg21[%multiple_of3A_137, %dma_start3A_165] : memref<10000x128xf32, #tpu.memory_space<vmem_shared>> -> memref<40x128xf32, #tpu.memory_space<vmem_shared>>
        tpu.enqueue_dma source(%arg19 : memref<40x128xf32, #tpu.memory_space<vmem>>) target(%dma_start3A_166 : memref<40x128xf32, #tpu.memory_space<vmem_shared>>) target_semaphore(%run_scoped3A : memref<!tpu.dma_semaphore, #tpu.memory_space<semaphore_mem>>)
        %dma_wait3A = arith.constant 0 : i32
        %dma_wait3A_167 = tpu.memref_slice %arg21[%multiple_of3A_137, %dma_wait3A] : memref<10000x128xf32, #tpu.memory_space<vmem_shared>> -> memref<40x128xf32, #tpu.memory_space<vmem_shared>>
        %dma_wait3A_168 = arith.constant 0 : i32
        %dma_wait3A_169 = tpu.memref_slice %arg21[%multiple_of3A_137, %dma_wait3A_168] : memref<10000x128xf32, #tpu.memory_space<vmem_shared>> -> memref<40x128xf32, #tpu.memory_space<vmem_shared>>
        tpu.wait_dma2 semaphore(%run_scoped3A : memref<!tpu.dma_semaphore, #tpu.memory_space<semaphore_mem>>) src(%arg19 : memref<40x128xf32, #tpu.memory_space<vmem>>) dst(%dma_wait3A_169 : memref<40x128xf32, #tpu.memory_space<vmem_shared>>)
        tpu.yield
      }) : () -> ()
      %mul3A_138 = arith.constant 1000 : i32
      %mul3A_139 = arith.muli %arg1, %mul3A_138 : i32
      %add3A_140 = arith.constant 800 : i32
      %add3A_141 = arith.addi %mul3A_139, %add3A_140 : i32
      %multiple_of3A_142 = tpu.assume_multiple %add3A_141, 8 : i32
      "tpu.region"() ({
        %run_scoped3A = tpu.sem_alloc : memref<!tpu.dma_semaphore, #tpu.memory_space<semaphore_mem>>
        %dma_start3A_163 = arith.constant 0 : i32
        %dma_start3A_164 = tpu.memref_slice %arg21[%multiple_of3A_142, %dma_start3A_163] : memref<10000x128xf32, #tpu.memory_space<vmem_shared>> -> memref<40x128xf32, #tpu.memory_space<vmem_shared>>
        %dma_start3A_165 = arith.constant 0 : i32
        %dma_start3A_166 = tpu.memref_slice %arg21[%multiple_of3A_142, %dma_start3A_165] : memref<10000x128xf32, #tpu.memory_space<vmem_shared>> -> memref<40x128xf32, #tpu.memory_space<vmem_shared>>
        tpu.enqueue_dma source(%arg19 : memref<40x128xf32, #tpu.memory_space<vmem>>) target(%dma_start3A_166 : memref<40x128xf32, #tpu.memory_space<vmem_shared>>) target_semaphore(%run_scoped3A : memref<!tpu.dma_semaphore, #tpu.memory_space<semaphore_mem>>)
        %dma_wait3A = arith.constant 0 : i32
        %dma_wait3A_167 = tpu.memref_slice %arg21[%multiple_of3A_142, %dma_wait3A] : memref<10000x128xf32, #tpu.memory_space<vmem_shared>> -> memref<40x128xf32, #tpu.memory_space<vmem_shared>>
        %dma_wait3A_168 = arith.constant 0 : i32
        %dma_wait3A_169 = tpu.memref_slice %arg21[%multiple_of3A_142, %dma_wait3A_168] : memref<10000x128xf32, #tpu.memory_space<vmem_shared>> -> memref<40x128xf32, #tpu.memory_space<vmem_shared>>
        tpu.wait_dma2 semaphore(%run_scoped3A : memref<!tpu.dma_semaphore, #tpu.memory_space<semaphore_mem>>) src(%arg19 : memref<40x128xf32, #tpu.memory_space<vmem>>) dst(%dma_wait3A_169 : memref<40x128xf32, #tpu.memory_space<vmem_shared>>)
        tpu.yield
      }) : () -> ()
      %mul3A_143 = arith.constant 1000 : i32
      %mul3A_144 = arith.muli %arg1, %mul3A_143 : i32
      %add3A_145 = arith.constant 840 : i32
      %add3A_146 = arith.addi %mul3A_144, %add3A_145 : i32
      %multiple_of3A_147 = tpu.assume_multiple %add3A_146, 8 : i32
      "tpu.region"() ({
        %run_scoped3A = tpu.sem_alloc : memref<!tpu.dma_semaphore, #tpu.memory_space<semaphore_mem>>
        %dma_start3A_163 = arith.constant 0 : i32
        %dma_start3A_164 = tpu.memref_slice %arg21[%multiple_of3A_147, %dma_start3A_163] : memref<10000x128xf32, #tpu.memory_space<vmem_shared>> -> memref<40x128xf32, #tpu.memory_space<vmem_shared>>
        %dma_start3A_165 = arith.constant 0 : i32
        %dma_start3A_166 = tpu.memref_slice %arg21[%multiple_of3A_147, %dma_start3A_165] : memref<10000x128xf32, #tpu.memory_space<vmem_shared>> -> memref<40x128xf32, #tpu.memory_space<vmem_shared>>
        tpu.enqueue_dma source(%arg19 : memref<40x128xf32, #tpu.memory_space<vmem>>) target(%dma_start3A_166 : memref<40x128xf32, #tpu.memory_space<vmem_shared>>) target_semaphore(%run_scoped3A : memref<!tpu.dma_semaphore, #tpu.memory_space<semaphore_mem>>)
        %dma_wait3A = arith.constant 0 : i32
        %dma_wait3A_167 = tpu.memref_slice %arg21[%multiple_of3A_147, %dma_wait3A] : memref<10000x128xf32, #tpu.memory_space<vmem_shared>> -> memref<40x128xf32, #tpu.memory_space<vmem_shared>>
        %dma_wait3A_168 = arith.constant 0 : i32
        %dma_wait3A_169 = tpu.memref_slice %arg21[%multiple_of3A_147, %dma_wait3A_168] : memref<10000x128xf32, #tpu.memory_space<vmem_shared>> -> memref<40x128xf32, #tpu.memory_space<vmem_shared>>
        tpu.wait_dma2 semaphore(%run_scoped3A : memref<!tpu.dma_semaphore, #tpu.memory_space<semaphore_mem>>) src(%arg19 : memref<40x128xf32, #tpu.memory_space<vmem>>) dst(%dma_wait3A_169 : memref<40x128xf32, #tpu.memory_space<vmem_shared>>)
        tpu.yield
      }) : () -> ()
      %mul3A_148 = arith.constant 1000 : i32
      %mul3A_149 = arith.muli %arg1, %mul3A_148 : i32
      %add3A_150 = arith.constant 880 : i32
      %add3A_151 = arith.addi %mul3A_149, %add3A_150 : i32
      %multiple_of3A_152 = tpu.assume_multiple %add3A_151, 8 : i32
      "tpu.region"() ({
        %run_scoped3A = tpu.sem_alloc : memref<!tpu.dma_semaphore, #tpu.memory_space<semaphore_mem>>
        %dma_start3A_163 = arith.constant 0 : i32
        %dma_start3A_164 = tpu.memref_slice %arg21[%multiple_of3A_152, %dma_start3A_163] : memref<10000x128xf32, #tpu.memory_space<vmem_shared>> -> memref<40x128xf32, #tpu.memory_space<vmem_shared>>
        %dma_start3A_165 = arith.constant 0 : i32
        %dma_start3A_166 = tpu.memref_slice %arg21[%multiple_of3A_152, %dma_start3A_165] : memref<10000x128xf32, #tpu.memory_space<vmem_shared>> -> memref<40x128xf32, #tpu.memory_space<vmem_shared>>
        tpu.enqueue_dma source(%arg19 : memref<40x128xf32, #tpu.memory_space<vmem>>) target(%dma_start3A_166 : memref<40x128xf32, #tpu.memory_space<vmem_shared>>) target_semaphore(%run_scoped3A : memref<!tpu.dma_semaphore, #tpu.memory_space<semaphore_mem>>)
        %dma_wait3A = arith.constant 0 : i32
        %dma_wait3A_167 = tpu.memref_slice %arg21[%multiple_of3A_152, %dma_wait3A] : memref<10000x128xf32, #tpu.memory_space<vmem_shared>> -> memref<40x128xf32, #tpu.memory_space<vmem_shared>>
        %dma_wait3A_168 = arith.constant 0 : i32
        %dma_wait3A_169 = tpu.memref_slice %arg21[%multiple_of3A_152, %dma_wait3A_168] : memref<10000x128xf32, #tpu.memory_space<vmem_shared>> -> memref<40x128xf32, #tpu.memory_space<vmem_shared>>
        tpu.wait_dma2 semaphore(%run_scoped3A : memref<!tpu.dma_semaphore, #tpu.memory_space<semaphore_mem>>) src(%arg19 : memref<40x128xf32, #tpu.memory_space<vmem>>) dst(%dma_wait3A_169 : memref<40x128xf32, #tpu.memory_space<vmem_shared>>)
        tpu.yield
      }) : () -> ()
      %mul3A_153 = arith.constant 1000 : i32
      %mul3A_154 = arith.muli %arg1, %mul3A_153 : i32
      %add3A_155 = arith.constant 920 : i32
      %add3A_156 = arith.addi %mul3A_154, %add3A_155 : i32
      %multiple_of3A_157 = tpu.assume_multiple %add3A_156, 8 : i32
      "tpu.region"() ({
        %run_scoped3A = tpu.sem_alloc : memref<!tpu.dma_semaphore, #tpu.memory_space<semaphore_mem>>
        %dma_start3A_163 = arith.constant 0 : i32
        %dma_start3A_164 = tpu.memref_slice %arg21[%multiple_of3A_157, %dma_start3A_163] : memref<10000x128xf32, #tpu.memory_space<vmem_shared>> -> memref<40x128xf32, #tpu.memory_space<vmem_shared>>
        %dma_start3A_165 = arith.constant 0 : i32
        %dma_start3A_166 = tpu.memref_slice %arg21[%multiple_of3A_157, %dma_start3A_165] : memref<10000x128xf32, #tpu.memory_space<vmem_shared>> -> memref<40x128xf32, #tpu.memory_space<vmem_shared>>
        tpu.enqueue_dma source(%arg19 : memref<40x128xf32, #tpu.memory_space<vmem>>) target(%dma_start3A_166 : memref<40x128xf32, #tpu.memory_space<vmem_shared>>) target_semaphore(%run_scoped3A : memref<!tpu.dma_semaphore, #tpu.memory_space<semaphore_mem>>)
        %dma_wait3A = arith.constant 0 : i32
        %dma_wait3A_167 = tpu.memref_slice %arg21[%multiple_of3A_157, %dma_wait3A] : memref<10000x128xf32, #tpu.memory_space<vmem_shared>> -> memref<40x128xf32, #tpu.memory_space<vmem_shared>>
        %dma_wait3A_168 = arith.constant 0 : i32
        %dma_wait3A_169 = tpu.memref_slice %arg21[%multiple_of3A_157, %dma_wait3A_168] : memref<10000x128xf32, #tpu.memory_space<vmem_shared>> -> memref<40x128xf32, #tpu.memory_space<vmem_shared>>
        tpu.wait_dma2 semaphore(%run_scoped3A : memref<!tpu.dma_semaphore, #tpu.memory_space<semaphore_mem>>) src(%arg19 : memref<40x128xf32, #tpu.memory_space<vmem>>) dst(%dma_wait3A_169 : memref<40x128xf32, #tpu.memory_space<vmem_shared>>)
        tpu.yield
      }) : () -> ()
      %mul3A_158 = arith.constant 1000 : i32
      %mul3A_159 = arith.muli %arg1, %mul3A_158 : i32
      %add3A_160 = arith.constant 960 : i32
      %add3A_161 = arith.addi %mul3A_159, %add3A_160 : i32
      %multiple_of3A_162 = tpu.assume_multiple %add3A_161, 8 : i32
      "tpu.region"() ({
        %run_scoped3A = tpu.sem_alloc : memref<!tpu.dma_semaphore, #tpu.memory_space<semaphore_mem>>
        %dma_start3A_163 = arith.constant 0 : i32
        %dma_start3A_164 = tpu.memref_slice %arg21[%multiple_of3A_162, %dma_start3A_163] : memref<10000x128xf32, #tpu.memory_space<vmem_shared>> -> memref<40x128xf32, #tpu.memory_space<vmem_shared>>
        %dma_start3A_165 = arith.constant 0 : i32
        %dma_start3A_166 = tpu.memref_slice %arg21[%multiple_of3A_162, %dma_start3A_165] : memref<10000x128xf32, #tpu.memory_space<vmem_shared>> -> memref<40x128xf32, #tpu.memory_space<vmem_shared>>
        tpu.enqueue_dma source(%arg19 : memref<40x128xf32, #tpu.memory_space<vmem>>) target(%dma_start3A_166 : memref<40x128xf32, #tpu.memory_space<vmem_shared>>) target_semaphore(%run_scoped3A : memref<!tpu.dma_semaphore, #tpu.memory_space<semaphore_mem>>)
        %dma_wait3A = arith.constant 0 : i32
        %dma_wait3A_167 = tpu.memref_slice %arg21[%multiple_of3A_162, %dma_wait3A] : memref<10000x128xf32, #tpu.memory_space<vmem_shared>> -> memref<40x128xf32, #tpu.memory_space<vmem_shared>>
        %dma_wait3A_168 = arith.constant 0 : i32
        %dma_wait3A_169 = tpu.memref_slice %arg21[%multiple_of3A_162, %dma_wait3A_168] : memref<10000x128xf32, #tpu.memory_space<vmem_shared>> -> memref<40x128xf32, #tpu.memory_space<vmem_shared>>
        tpu.wait_dma2 semaphore(%run_scoped3A : memref<!tpu.dma_semaphore, #tpu.memory_space<semaphore_mem>>) src(%arg19 : memref<40x128xf32, #tpu.memory_space<vmem>>) dst(%dma_wait3A_169 : memref<40x128xf32, #tpu.memory_space<vmem_shared>>)
        tpu.yield
      }) : () -> ()
    } else {
    }
    %barrier3A = arith.constant 0 : index
    tpu.barrier barrier_id(%barrier3A)
    %mul3A_13 = arith.constant 10000 : i32
    %mul3A_14 = arith.muli %add3A, %mul3A_13 : i32
    %add3A_15 = arith.constant 0 : i32
    %add3A_16 = arith.addi %mul3A_14, %add3A_15 : i32
    %multiple_of3A = tpu.assume_multiple %add3A_16, 8 : i32
    "tpu.region"() ({
      %run_scoped3A = tpu.sem_alloc : memref<!tpu.dma_semaphore, #tpu.memory_space<semaphore_mem>>
      %dma_start3A_38 = tpu.memref_slice %arg2[%multiple_of3A] : memref<320000xi32, #tpu.memory_space<hbm>> -> memref<40xi32, #tpu.memory_space<hbm>>
      %dma_start3A_39 = tpu.memref_slice %arg2[%multiple_of3A] : memref<320000xi32, #tpu.memory_space<hbm>> -> memref<40xi32, #tpu.memory_space<hbm>>
      tpu.enqueue_dma source(%dma_start3A_39 : memref<40xi32, #tpu.memory_space<hbm>>) target(%arg9 : memref<40xi32, #tpu.memory_space<vmem>>) target_semaphore(%run_scoped3A : memref<!tpu.dma_semaphore, #tpu.memory_space<semaphore_mem>>)
      %dma_wait3A = tpu.memref_slice %arg2[%multiple_of3A] : memref<320000xi32, #tpu.memory_space<hbm>> -> memref<40xi32, #tpu.memory_space<hbm>>
      %dma_wait3A_40 = tpu.memref_slice %arg2[%multiple_of3A] : memref<320000xi32, #tpu.memory_space<hbm>> -> memref<40xi32, #tpu.memory_space<hbm>>
      tpu.wait_dma2 semaphore(%run_scoped3A : memref<!tpu.dma_semaphore, #tpu.memory_space<semaphore_mem>>) src(%dma_wait3A_40 : memref<40xi32, #tpu.memory_space<hbm>>) dst(%arg9 : memref<40xi32, #tpu.memory_space<vmem>>)
      tpu.yield
    }) : () -> ()
    "tpu.region"() ({
      %run_scoped3A = tpu.sem_alloc : memref<!tpu.dma_semaphore, #tpu.memory_space<semaphore_mem>>
      %dma_start3A_38 = tpu.memref_slice %arg3[%multiple_of3A] : memref<320000xi32, #tpu.memory_space<hbm>> -> memref<40xi32, #tpu.memory_space<hbm>>
      %dma_start3A_39 = tpu.memref_slice %arg3[%multiple_of3A] : memref<320000xi32, #tpu.memory_space<hbm>> -> memref<40xi32, #tpu.memory_space<hbm>>
      tpu.enqueue_dma source(%dma_start3A_39 : memref<40xi32, #tpu.memory_space<hbm>>) target(%arg10 : memref<40xi32, #tpu.memory_space<vmem>>) target_semaphore(%run_scoped3A : memref<!tpu.dma_semaphore, #tpu.memory_space<semaphore_mem>>)
      %dma_wait3A = tpu.memref_slice %arg3[%multiple_of3A] : memref<320000xi32, #tpu.memory_space<hbm>> -> memref<40xi32, #tpu.memory_space<hbm>>
      %dma_wait3A_40 = tpu.memref_slice %arg3[%multiple_of3A] : memref<320000xi32, #tpu.memory_space<hbm>> -> memref<40xi32, #tpu.memory_space<hbm>>
      tpu.wait_dma2 semaphore(%run_scoped3A : memref<!tpu.dma_semaphore, #tpu.memory_space<semaphore_mem>>) src(%dma_wait3A_40 : memref<40xi32, #tpu.memory_space<hbm>>) dst(%arg10 : memref<40xi32, #tpu.memory_space<vmem>>)
      tpu.yield
    }) : () -> ()
    %dma_start3A = arith.constant 0 : i32
    %dma_start3A_17 = arith.constant 0 : i32
    %dma_start3A_18 = tpu.memref_slice %arg4[%dma_start3A, %dma_start3A_17] : memref<10000x128xf32, #tpu.memory_space<hbm>> -> memref<10000x128xf32, #tpu.memory_space<hbm>>
    tpu.enqueue_indirect_dma source(%dma_start3A_18 : memref<10000x128xf32, #tpu.memory_space<hbm>>) target(%arg11 : memref<40x128xf32, #tpu.memory_space<vmem>>) offsets(%arg9 : memref<40xi32, #tpu.memory_space<vmem>>) semaphore(%arg22 : memref<!tpu.dma_semaphore, #tpu.memory_space<semaphore_mem>>)
    %dma_start3A_19 = arith.constant 0 : i32
    %dma_start3A_20 = arith.constant 0 : i32
    %dma_start3A_21 = tpu.memref_slice %arg5[%dma_start3A_19, %dma_start3A_20] : memref<10000x128xf32, #tpu.memory_space<hbm>> -> memref<10000x128xf32, #tpu.memory_space<hbm>>
    tpu.enqueue_indirect_dma source(%dma_start3A_21 : memref<10000x128xf32, #tpu.memory_space<hbm>>) target(%arg12 : memref<40x128xf32, #tpu.memory_space<vmem>>) offsets(%arg10 : memref<40xi32, #tpu.memory_space<vmem>>) semaphore(%arg22 : memref<!tpu.dma_semaphore, #tpu.memory_space<semaphore_mem>>)
    %dma_start3A_22 = arith.constant 0 : i32
    %dma_start3A_23 = tpu.memref_slice %arg6[%multiple_of3A, %dma_start3A_22] : memref<320000x16xf32, #tpu.memory_space<hbm>> -> memref<40x16xf32, #tpu.memory_space<hbm>>
    %dma_start3A_24 = arith.constant 0 : i32
    %dma_start3A_25 = tpu.memref_slice %arg6[%multiple_of3A, %dma_start3A_24] : memref<320000x16xf32, #tpu.memory_space<hbm>> -> memref<40x16xf32, #tpu.memory_space<hbm>>
    tpu.enqueue_dma source(%dma_start3A_25 : memref<40x16xf32, #tpu.memory_space<hbm>>) target(%arg13 : memref<40x16xf32, #tpu.memory_space<vmem>>) target_semaphore(%arg22 : memref<!tpu.dma_semaphore, #tpu.memory_space<semaphore_mem>>)
    %scan3A_26 = arith.constant 0 : i32
    %scan3A_27 = arith.constant 0 : i32
    %scan3A_28 = arith.constant 125 : i32
    %scan3A_29 = arith.addi %scan3A_27, %scan3A_28 : i32
    %scan3A_30 = arith.constant 1 : i32
    scf.for %scan3A_38 = %scan3A_27 to %scan3A_29 step %scan3A_30  : i32 {
      %mul3A_39 = arith.constant 2 : i32
      %mul3A_40 = arith.muli %mul3A_39, %scan3A_38 : i32
      %add3A_41 = arith.constant 1 : i32
      %add3A_42 = arith.addi %mul3A_40, %add3A_41 : i32
      %mul3A_43 = arith.constant 10000 : i32
      %mul3A_44 = arith.muli %add3A, %mul3A_43 : i32
      %mul3A_45 = arith.constant 40 : i32
      %mul3A_46 = arith.muli %add3A_42, %mul3A_45 : i32
      %add3A_47 = arith.addi %mul3A_44, %mul3A_46 : i32
      %multiple_of3A_48 = tpu.assume_multiple %add3A_47, 8 : i32
      "tpu.region"() ({
        %run_scoped3A = tpu.sem_alloc : memref<!tpu.dma_semaphore, #tpu.memory_space<semaphore_mem>>
        %dma_start3A_111 = tpu.memref_slice %arg2[%multiple_of3A_48] : memref<320000xi32, #tpu.memory_space<hbm>> -> memref<40xi32, #tpu.memory_space<hbm>>
        %dma_start3A_112 = tpu.memref_slice %arg2[%multiple_of3A_48] : memref<320000xi32, #tpu.memory_space<hbm>> -> memref<40xi32, #tpu.memory_space<hbm>>
        tpu.enqueue_dma source(%dma_start3A_112 : memref<40xi32, #tpu.memory_space<hbm>>) target(%arg14 : memref<40xi32, #tpu.memory_space<vmem>>) target_semaphore(%run_scoped3A : memref<!tpu.dma_semaphore, #tpu.memory_space<semaphore_mem>>)
        %dma_wait3A_113 = tpu.memref_slice %arg2[%multiple_of3A_48] : memref<320000xi32, #tpu.memory_space<hbm>> -> memref<40xi32, #tpu.memory_space<hbm>>
        %dma_wait3A_114 = tpu.memref_slice %arg2[%multiple_of3A_48] : memref<320000xi32, #tpu.memory_space<hbm>> -> memref<40xi32, #tpu.memory_space<hbm>>
        tpu.wait_dma2 semaphore(%run_scoped3A : memref<!tpu.dma_semaphore, #tpu.memory_space<semaphore_mem>>) src(%dma_wait3A_114 : memref<40xi32, #tpu.memory_space<hbm>>) dst(%arg14 : memref<40xi32, #tpu.memory_space<vmem>>)
        tpu.yield
      }) : () -> ()
      "tpu.region"() ({
        %run_scoped3A = tpu.sem_alloc : memref<!tpu.dma_semaphore, #tpu.memory_space<semaphore_mem>>
        %dma_start3A_111 = tpu.memref_slice %arg3[%multiple_of3A_48] : memref<320000xi32, #tpu.memory_space<hbm>> -> memref<40xi32, #tpu.memory_space<hbm>>
        %dma_start3A_112 = tpu.memref_slice %arg3[%multiple_of3A_48] : memref<320000xi32, #tpu.memory_space<hbm>> -> memref<40xi32, #tpu.memory_space<hbm>>
        tpu.enqueue_dma source(%dma_start3A_112 : memref<40xi32, #tpu.memory_space<hbm>>) target(%arg15 : memref<40xi32, #tpu.memory_space<vmem>>) target_semaphore(%run_scoped3A : memref<!tpu.dma_semaphore, #tpu.memory_space<semaphore_mem>>)
        %dma_wait3A_113 = tpu.memref_slice %arg3[%multiple_of3A_48] : memref<320000xi32, #tpu.memory_space<hbm>> -> memref<40xi32, #tpu.memory_space<hbm>>
        %dma_wait3A_114 = tpu.memref_slice %arg3[%multiple_of3A_48] : memref<320000xi32, #tpu.memory_space<hbm>> -> memref<40xi32, #tpu.memory_space<hbm>>
        tpu.wait_dma2 semaphore(%run_scoped3A : memref<!tpu.dma_semaphore, #tpu.memory_space<semaphore_mem>>) src(%dma_wait3A_114 : memref<40xi32, #tpu.memory_space<hbm>>) dst(%arg15 : memref<40xi32, #tpu.memory_space<vmem>>)
        tpu.yield
      }) : () -> ()
      %dma_start3A_49 = arith.constant 0 : i32
      %dma_start3A_50 = arith.constant 0 : i32
      %dma_start3A_51 = tpu.memref_slice %arg4[%dma_start3A_49, %dma_start3A_50] : memref<10000x128xf32, #tpu.memory_space<hbm>> -> memref<10000x128xf32, #tpu.memory_space<hbm>>
      tpu.enqueue_indirect_dma source(%dma_start3A_51 : memref<10000x128xf32, #tpu.memory_space<hbm>>) target(%arg16 : memref<40x128xf32, #tpu.memory_space<vmem>>) offsets(%arg14 : memref<40xi32, #tpu.memory_space<vmem>>) semaphore(%arg23 : memref<!tpu.dma_semaphore, #tpu.memory_space<semaphore_mem>>)
      %dma_start3A_52 = arith.constant 0 : i32
      %dma_start3A_53 = arith.constant 0 : i32
      %dma_start3A_54 = tpu.memref_slice %arg5[%dma_start3A_52, %dma_start3A_53] : memref<10000x128xf32, #tpu.memory_space<hbm>> -> memref<10000x128xf32, #tpu.memory_space<hbm>>
      tpu.enqueue_indirect_dma source(%dma_start3A_54 : memref<10000x128xf32, #tpu.memory_space<hbm>>) target(%arg17 : memref<40x128xf32, #tpu.memory_space<vmem>>) offsets(%arg15 : memref<40xi32, #tpu.memory_space<vmem>>) semaphore(%arg23 : memref<!tpu.dma_semaphore, #tpu.memory_space<semaphore_mem>>)
      %dma_start3A_55 = arith.constant 0 : i32
      %dma_start3A_56 = tpu.memref_slice %arg6[%multiple_of3A_48, %dma_start3A_55] : memref<320000x16xf32, #tpu.memory_space<hbm>> -> memref<40x16xf32, #tpu.memory_space<hbm>>
      %dma_start3A_57 = arith.constant 0 : i32
      %dma_start3A_58 = tpu.memref_slice %arg6[%multiple_of3A_48, %dma_start3A_57] : memref<320000x16xf32, #tpu.memory_space<hbm>> -> memref<40x16xf32, #tpu.memory_space<hbm>>
      tpu.enqueue_dma source(%dma_start3A_58 : memref<40x16xf32, #tpu.memory_space<hbm>>) target(%arg18 : memref<40x16xf32, #tpu.memory_space<vmem>>) target_semaphore(%arg23 : memref<!tpu.dma_semaphore, #tpu.memory_space<semaphore_mem>>)
      %mul3A_59 = arith.constant 10000 : i32
      %mul3A_60 = arith.muli %add3A, %mul3A_59 : i32
      %mul3A_61 = arith.constant 40 : i32
      %mul3A_62 = arith.muli %mul3A_40, %mul3A_61 : i32
      %add3A_63 = arith.addi %mul3A_60, %mul3A_62 : i32
      %multiple_of3A_64 = tpu.assume_multiple %add3A_63, 8 : i32
      %dma_wait3A = arith.constant 0 : i32
      %dma_wait3A_65 = arith.constant 0 : i32
      %dma_wait3A_66 = tpu.memref_slice %arg4[%dma_wait3A, %dma_wait3A_65] : memref<10000x128xf32, #tpu.memory_space<hbm>> -> memref<10000x128xf32, #tpu.memory_space<hbm>>
      tpu.wait_indirect_dma semaphore(%arg22 : memref<!tpu.dma_semaphore, #tpu.memory_space<semaphore_mem>>) src(%dma_wait3A_66 : memref<10000x128xf32, #tpu.memory_space<hbm>>) dst(%arg11 : memref<40x128xf32, #tpu.memory_space<vmem>>)
      %dma_wait3A_67 = arith.constant 0 : i32
      %dma_wait3A_68 = arith.constant 0 : i32
      %dma_wait3A_69 = tpu.memref_slice %arg5[%dma_wait3A_67, %dma_wait3A_68] : memref<10000x128xf32, #tpu.memory_space<hbm>> -> memref<10000x128xf32, #tpu.memory_space<hbm>>
      tpu.wait_indirect_dma semaphore(%arg22 : memref<!tpu.dma_semaphore, #tpu.memory_space<semaphore_mem>>) src(%dma_wait3A_69 : memref<10000x128xf32, #tpu.memory_space<hbm>>) dst(%arg12 : memref<40x128xf32, #tpu.memory_space<vmem>>)
      %dma_wait3A_70 = arith.constant 0 : i32
      %dma_wait3A_71 = tpu.memref_slice %arg6[%multiple_of3A_64, %dma_wait3A_70] : memref<320000x16xf32, #tpu.memory_space<hbm>> -> memref<40x16xf32, #tpu.memory_space<hbm>>
      %dma_wait3A_72 = arith.constant 0 : i32
      %dma_wait3A_73 = tpu.memref_slice %arg6[%multiple_of3A_64, %dma_wait3A_72] : memref<320000x16xf32, #tpu.memory_space<hbm>> -> memref<40x16xf32, #tpu.memory_space<hbm>>
      tpu.wait_dma2 semaphore(%arg22 : memref<!tpu.dma_semaphore, #tpu.memory_space<semaphore_mem>>) src(%dma_wait3A_73 : memref<40x16xf32, #tpu.memory_space<hbm>>) dst(%arg13 : memref<40x16xf32, #tpu.memory_space<vmem>>)
      %scan3A_74 = arith.constant 0 : i32
      %scan3A_75 = arith.constant 0 : i32
      %scan3A_76 = arith.constant 40 : i32
      %scan3A_77 = arith.addi %scan3A_75, %scan3A_76 : i32
      %scan3A_78 = arith.constant 1 : i32
      scf.for %scan3A_111 = %scan3A_75 to %scan3A_77 step %scan3A_78  : i32 {
        %get3A = arith.index_cast %scan3A_111 : i32 to index
        %get3A_112 = arith.constant 0 : index
        %get3A_113 = tpu.vector_load %arg11[%get3A, %get3A_112] {strides = array<i32>} : memref<40x128xf32, #tpu.memory_space<vmem>>, vector<1x16xf32>,
        %get3A_114 = vector.shape_cast %get3A_113 : vector<1x16xf32> to vector<16xf32>
        %get3A_115 = arith.index_cast %scan3A_111 : i32 to index
        %get3A_116 = arith.constant 0 : index
        %get3A_117 = tpu.vector_load %arg12[%get3A_115, %get3A_116] {strides = array<i32>} : memref<40x128xf32, #tpu.memory_space<vmem>>, vector<1x16xf32>,
        %get3A_118 = vector.shape_cast %get3A_117 : vector<1x16xf32> to vector<16xf32>
        %add3A_119 = arith.addf %get3A_114, %get3A_118 : vector<16xf32>
        %get3A_120 = arith.index_cast %scan3A_111 : i32 to index
        %get3A_121 = arith.constant 0 : index
        %get3A_122 = tpu.vector_load %arg13[%get3A_120, %get3A_121] {strides = array<i32>} : memref<40x16xf32, #tpu.memory_space<vmem>>, vector<1x16xf32>,
        %get3A_123 = vector.shape_cast %get3A_122 : vector<1x16xf32> to vector<16xf32>
        %add3A_124 = arith.addf %add3A_119, %get3A_123 : vector<16xf32>
        %max3A = arith.constant -5.000000e+00 : f32
        %max3A_125 = vector.broadcast %max3A : f32 to vector<16xf32>
        %max3A_126 = arith.maximumf %add3A_124, %max3A_125 : vector<16xf32>
        %min3A = arith.constant 5.000000e+00 : f32
        %min3A_127 = vector.broadcast %min3A : f32 to vector<16xf32>
        %min3A_128 = arith.minimumf %max3A_126, %min3A_127 : vector<16xf32>
        %sub3A = arith.constant 5.000000e+00 : f32
        %sub3A_129 = vector.broadcast %sub3A : f32 to vector<16xf32>
        %sub3A_130 = arith.subf %min3A_128, %sub3A_129 : vector<16xf32>
        %exp3A = math.exp %sub3A_130 : vector<16xf32>
        %mul3A_131 = arith.mulf %exp3A, %select_n3A : vector<16xf32>
        %swap3A = arith.index_cast %scan3A_111 : i32 to index
        %swap3A_132 = arith.constant 0 : index
        %swap3A_133 = tpu.vector_load %arg19[%swap3A, %swap3A_132] {strides = array<i32>} : memref<40x128xf32, #tpu.memory_space<vmem>>, vector<1x16xf32>,
        %swap3A_134 = vector.shape_cast %swap3A_133 : vector<1x16xf32> to vector<16xf32>
        %swap3A_135 = vector.shape_cast %mul3A_131 : vector<16xf32> to vector<1x16xf32>
        tpu.vector_store %arg19[%swap3A, %swap3A_132], %swap3A_135 {strides = array<i32>} : memref<40x128xf32, #tpu.memory_space<vmem>>, vector<1x16xf32>,
        %swap3A_136 = arith.index_cast %scan3A_111 : i32 to index
        %swap3A_137 = arith.constant 0 : index
        %swap3A_138 = tpu.vector_load %arg20[%swap3A_136, %swap3A_137] {strides = array<i32>} : memref<40x16xf32, #tpu.memory_space<vmem>>, vector<1x16xf32>,
        %swap3A_139 = vector.shape_cast %swap3A_138 : vector<1x16xf32> to vector<16xf32>
        %swap3A_140 = vector.shape_cast %mul3A_131 : vector<16xf32> to vector<1x16xf32>
        tpu.vector_store %arg20[%swap3A_136, %swap3A_137], %swap3A_140 {strides = array<i32>} : memref<40x16xf32, #tpu.memory_space<vmem>>, vector<1x16xf32>,
      }
      %scan3A_79 = arith.constant 40 : i32
      "tpu.region"() ({
        %run_scoped3A = tpu.sem_alloc : memref<!tpu.dma_semaphore, #tpu.memory_space<semaphore_mem>>
        %dma_start3A_111 = arith.constant 0 : i32
        %dma_start3A_112 = tpu.memref_slice %arg7[%multiple_of3A_64, %dma_start3A_111] : memref<320000x16xf32, #tpu.memory_space<hbm>> -> memref<40x16xf32, #tpu.memory_space<hbm>>
        %dma_start3A_113 = arith.constant 0 : i32
        %dma_start3A_114 = tpu.memref_slice %arg7[%multiple_of3A_64, %dma_start3A_113] : memref<320000x16xf32, #tpu.memory_space<hbm>> -> memref<40x16xf32, #tpu.memory_space<hbm>>
        tpu.enqueue_dma source(%arg20 : memref<40x16xf32, #tpu.memory_space<vmem>>) target(%dma_start3A_114 : memref<40x16xf32, #tpu.memory_space<hbm>>) target_semaphore(%run_scoped3A : memref<!tpu.dma_semaphore, #tpu.memory_space<semaphore_mem>>)
        %dma_wait3A_115 = arith.constant 0 : i32
        %dma_wait3A_116 = tpu.memref_slice %arg7[%multiple_of3A_64, %dma_wait3A_115] : memref<320000x16xf32, #tpu.memory_space<hbm>> -> memref<40x16xf32, #tpu.memory_space<hbm>>
        %dma_wait3A_117 = arith.constant 0 : i32
        %dma_wait3A_118 = tpu.memref_slice %arg7[%multiple_of3A_64, %dma_wait3A_117] : memref<320000x16xf32, #tpu.memory_space<hbm>> -> memref<40x16xf32, #tpu.memory_space<hbm>>
        tpu.wait_dma2 semaphore(%run_scoped3A : memref<!tpu.dma_semaphore, #tpu.memory_space<semaphore_mem>>) src(%arg20 : memref<40x16xf32, #tpu.memory_space<vmem>>) dst(%dma_wait3A_118 : memref<40x16xf32, #tpu.memory_space<hbm>>)
        tpu.yield
      }) : () -> ()
      "tpu.region"() ({
        %run_scoped3A = tpu.sem_alloc : memref<!tpu.dma_semaphore, #tpu.memory_space<semaphore_mem>>
        %dma_start3A_111 = arith.constant 0 : i32
        %dma_start3A_112 = arith.constant 0 : i32
        %dma_start3A_113 = tpu.memref_slice %arg21[%dma_start3A_111, %dma_start3A_112] : memref<10000x128xf32, #tpu.memory_space<vmem_shared>> -> memref<10000x128xf32, #tpu.memory_space<vmem_shared>>
        tpu.enqueue_indirect_dma source(%arg19 : memref<40x128xf32, #tpu.memory_space<vmem>>) target(%dma_start3A_113 : memref<10000x128xf32, #tpu.memory_space<vmem_shared>>) offsets(%arg10 : memref<40xi32, #tpu.memory_space<vmem>>) semaphore(%run_scoped3A : memref<!tpu.dma_semaphore, #tpu.memory_space<semaphore_mem>>) {add = true}
        %dma_wait3A_114 = arith.constant 0 : i32
        %dma_wait3A_115 = arith.constant 0 : i32
        %dma_wait3A_116 = tpu.memref_slice %arg21[%dma_wait3A_114, %dma_wait3A_115] : memref<10000x128xf32, #tpu.memory_space<vmem_shared>> -> memref<10000x128xf32, #tpu.memory_space<vmem_shared>>
        tpu.wait_indirect_dma semaphore(%run_scoped3A : memref<!tpu.dma_semaphore, #tpu.memory_space<semaphore_mem>>) src(%arg19 : memref<40x128xf32, #tpu.memory_space<vmem>>) dst(%dma_wait3A_116 : memref<10000x128xf32, #tpu.memory_space<vmem_shared>>)
        tpu.yield
      }) : () -> ()
      %add3A_80 = arith.constant 2 : i32
      %add3A_81 = arith.addi %mul3A_40, %add3A_80 : i32
      %lt3A_82 = arith.constant 250 : i32
      %lt3A_83 = arith.cmpi slt, %add3A_81, %lt3A_82 : i32
      %convert_element_type3A_84 = arith.extui %lt3A_83 : i1 to i32
      %cond3A_85 = arith.constant 0 : i32
      %cond3A_86 = arith.cmpi ne, %convert_element_type3A_84, %cond3A_85 : i32
      scf.if %cond3A_86 {
        %add3A_111 = arith.constant 2 : i32
        %add3A_112 = arith.addi %mul3A_40, %add3A_111 : i32
        %mul3A_113 = arith.constant 10000 : i32
        %mul3A_114 = arith.muli %add3A, %mul3A_113 : i32
        %mul3A_115 = arith.constant 40 : i32
        %mul3A_116 = arith.muli %add3A_112, %mul3A_115 : i32
        %add3A_117 = arith.addi %mul3A_114, %mul3A_116 : i32
        %multiple_of3A_118 = tpu.assume_multiple %add3A_117, 8 : i32
        "tpu.region"() ({
          %run_scoped3A = tpu.sem_alloc : memref<!tpu.dma_semaphore, #tpu.memory_space<semaphore_mem>>
          %dma_start3A_129 = tpu.memref_slice %arg2[%multiple_of3A_118] : memref<320000xi32, #tpu.memory_space<hbm>> -> memref<40xi32, #tpu.memory_space<hbm>>
          %dma_start3A_130 = tpu.memref_slice %arg2[%multiple_of3A_118] : memref<320000xi32, #tpu.memory_space<hbm>> -> memref<40xi32, #tpu.memory_space<hbm>>
          tpu.enqueue_dma source(%dma_start3A_130 : memref<40xi32, #tpu.memory_space<hbm>>) target(%arg9 : memref<40xi32, #tpu.memory_space<vmem>>) target_semaphore(%run_scoped3A : memref<!tpu.dma_semaphore, #tpu.memory_space<semaphore_mem>>)
          %dma_wait3A_131 = tpu.memref_slice %arg2[%multiple_of3A_118] : memref<320000xi32, #tpu.memory_space<hbm>> -> memref<40xi32, #tpu.memory_space<hbm>>
          %dma_wait3A_132 = tpu.memref_slice %arg2[%multiple_of3A_118] : memref<320000xi32, #tpu.memory_space<hbm>> -> memref<40xi32, #tpu.memory_space<hbm>>
          tpu.wait_dma2 semaphore(%run_scoped3A : memref<!tpu.dma_semaphore, #tpu.memory_space<semaphore_mem>>) src(%dma_wait3A_132 : memref<40xi32, #tpu.memory_space<hbm>>) dst(%arg9 : memref<40xi32, #tpu.memory_space<vmem>>)
          tpu.yield
        }) : () -> ()
        "tpu.region"() ({
          %run_scoped3A = tpu.sem_alloc : memref<!tpu.dma_semaphore, #tpu.memory_space<semaphore_mem>>
          %dma_start3A_129 = tpu.memref_slice %arg3[%multiple_of3A_118] : memref<320000xi32, #tpu.memory_space<hbm>> -> memref<40xi32, #tpu.memory_space<hbm>>
          %dma_start3A_130 = tpu.memref_slice %arg3[%multiple_of3A_118] : memref<320000xi32, #tpu.memory_space<hbm>> -> memref<40xi32, #tpu.memory_space<hbm>>
          tpu.enqueue_dma source(%dma_start3A_130 : memref<40xi32, #tpu.memory_space<hbm>>) target(%arg10 : memref<40xi32, #tpu.memory_space<vmem>>) target_semaphore(%run_scoped3A : memref<!tpu.dma_semaphore, #tpu.memory_space<semaphore_mem>>)
          %dma_wait3A_131 = tpu.memref_slice %arg3[%multiple_of3A_118] : memref<320000xi32, #tpu.memory_space<hbm>> -> memref<40xi32, #tpu.memory_space<hbm>>
          %dma_wait3A_132 = tpu.memref_slice %arg3[%multiple_of3A_118] : memref<320000xi32, #tpu.memory_space<hbm>> -> memref<40xi32, #tpu.memory_space<hbm>>
          tpu.wait_dma2 semaphore(%run_scoped3A : memref<!tpu.dma_semaphore, #tpu.memory_space<semaphore_mem>>) src(%dma_wait3A_132 : memref<40xi32, #tpu.memory_space<hbm>>) dst(%arg10 : memref<40xi32, #tpu.memory_space<vmem>>)
          tpu.yield
        }) : () -> ()
        %dma_start3A_119 = arith.constant 0 : i32
        %dma_start3A_120 = arith.constant 0 : i32
        %dma_start3A_121 = tpu.memref_slice %arg4[%dma_start3A_119, %dma_start3A_120] : memref<10000x128xf32, #tpu.memory_space<hbm>> -> memref<10000x128xf32, #tpu.memory_space<hbm>>
        tpu.enqueue_indirect_dma source(%dma_start3A_121 : memref<10000x128xf32, #tpu.memory_space<hbm>>) target(%arg11 : memref<40x128xf32, #tpu.memory_space<vmem>>) offsets(%arg9 : memref<40xi32, #tpu.memory_space<vmem>>) semaphore(%arg22 : memref<!tpu.dma_semaphore, #tpu.memory_space<semaphore_mem>>)
        %dma_start3A_122 = arith.constant 0 : i32
        %dma_start3A_123 = arith.constant 0 : i32
        %dma_start3A_124 = tpu.memref_slice %arg5[%dma_start3A_122, %dma_start3A_123] : memref<10000x128xf32, #tpu.memory_space<hbm>> -> memref<10000x128xf32, #tpu.memory_space<hbm>>
        tpu.enqueue_indirect_dma source(%dma_start3A_124 : memref<10000x128xf32, #tpu.memory_space<hbm>>) target(%arg12 : memref<40x128xf32, #tpu.memory_space<vmem>>) offsets(%arg10 : memref<40xi32, #tpu.memory_space<vmem>>) semaphore(%arg22 : memref<!tpu.dma_semaphore, #tpu.memory_space<semaphore_mem>>)
        %dma_start3A_125 = arith.constant 0 : i32
        %dma_start3A_126 = tpu.memref_slice %arg6[%multiple_of3A_118, %dma_start3A_125] : memref<320000x16xf32, #tpu.memory_space<hbm>> -> memref<40x16xf32, #tpu.memory_space<hbm>>
        %dma_start3A_127 = arith.constant 0 : i32
        %dma_start3A_128 = tpu.memref_slice %arg6[%multiple_of3A_118, %dma_start3A_127] : memref<320000x16xf32, #tpu.memory_space<hbm>> -> memref<40x16xf32, #tpu.memory_space<hbm>>
        tpu.enqueue_dma source(%dma_start3A_128 : memref<40x16xf32, #tpu.memory_space<hbm>>) target(%arg13 : memref<40x16xf32, #tpu.memory_space<vmem>>) target_semaphore(%arg22 : memref<!tpu.dma_semaphore, #tpu.memory_space<semaphore_mem>>)
      } else {
      }
      %add3A_87 = arith.constant 1 : i32
      %add3A_88 = arith.addi %mul3A_40, %add3A_87 : i32
      %mul3A_89 = arith.constant 10000 : i32
      %mul3A_90 = arith.muli %add3A, %mul3A_89 : i32
      %mul3A_91 = arith.constant 40 : i32
      %mul3A_92 = arith.muli %add3A_88, %mul3A_91 : i32
      %add3A_93 = arith.addi %mul3A_90, %mul3A_92 : i32
      %multiple_of3A_94 = tpu.assume_multiple %add3A_93, 8 : i32
      %dma_wait3A_95 = arith.constant 0 : i32
      %dma_wait3A_96 = arith.constant 0 : i32
      %dma_wait3A_97 = tpu.memref_slice %arg4[%dma_wait3A_95, %dma_wait3A_96] : memref<10000x128xf32, #tpu.memory_space<hbm>> -> memref<10000x128xf32, #tpu.memory_space<hbm>>
      tpu.wait_indirect_dma semaphore(%arg23 : memref<!tpu.dma_semaphore, #tpu.memory_space<semaphore_mem>>) src(%dma_wait3A_97 : memref<10000x128xf32, #tpu.memory_space<hbm>>) dst(%arg16 : memref<40x128xf32, #tpu.memory_space<vmem>>)
      %dma_wait3A_98 = arith.constant 0 : i32
      %dma_wait3A_99 = arith.constant 0 : i32
      %dma_wait3A_100 = tpu.memref_slice %arg5[%dma_wait3A_98, %dma_wait3A_99] : memref<10000x128xf32, #tpu.memory_space<hbm>> -> memref<10000x128xf32, #tpu.memory_space<hbm>>
      tpu.wait_indirect_dma semaphore(%arg23 : memref<!tpu.dma_semaphore, #tpu.memory_space<semaphore_mem>>) src(%dma_wait3A_100 : memref<10000x128xf32, #tpu.memory_space<hbm>>) dst(%arg17 : memref<40x128xf32, #tpu.memory_space<vmem>>)
      %dma_wait3A_101 = arith.constant 0 : i32
      %dma_wait3A_102 = tpu.memref_slice %arg6[%multiple_of3A_94, %dma_wait3A_101] : memref<320000x16xf32, #tpu.memory_space<hbm>> -> memref<40x16xf32, #tpu.memory_space<hbm>>
      %dma_wait3A_103 = arith.constant 0 : i32
      %dma_wait3A_104 = tpu.memref_slice %arg6[%multiple_of3A_94, %dma_wait3A_103] : memref<320000x16xf32, #tpu.memory_space<hbm>> -> memref<40x16xf32, #tpu.memory_space<hbm>>
      tpu.wait_dma2 semaphore(%arg23 : memref<!tpu.dma_semaphore, #tpu.memory_space<semaphore_mem>>) src(%dma_wait3A_104 : memref<40x16xf32, #tpu.memory_space<hbm>>) dst(%arg18 : memref<40x16xf32, #tpu.memory_space<vmem>>)
      %scan3A_105 = arith.constant 0 : i32
      %scan3A_106 = arith.constant 0 : i32
      %scan3A_107 = arith.constant 40 : i32
      %scan3A_108 = arith.addi %scan3A_106, %scan3A_107 : i32
      %scan3A_109 = arith.constant 1 : i32
      scf.for %scan3A_111 = %scan3A_106 to %scan3A_108 step %scan3A_109  : i32 {
        %get3A = arith.index_cast %scan3A_111 : i32 to index
        %get3A_112 = arith.constant 0 : index
        %get3A_113 = tpu.vector_load %arg16[%get3A, %get3A_112] {strides = array<i32>} : memref<40x128xf32, #tpu.memory_space<vmem>>, vector<1x16xf32>,
        %get3A_114 = vector.shape_cast %get3A_113 : vector<1x16xf32> to vector<16xf32>
        %get3A_115 = arith.index_cast %scan3A_111 : i32 to index
        %get3A_116 = arith.constant 0 : index
        %get3A_117 = tpu.vector_load %arg17[%get3A_115, %get3A_116] {strides = array<i32>} : memref<40x128xf32, #tpu.memory_space<vmem>>, vector<1x16xf32>,
        %get3A_118 = vector.shape_cast %get3A_117 : vector<1x16xf32> to vector<16xf32>
        %add3A_119 = arith.addf %get3A_114, %get3A_118 : vector<16xf32>
        %get3A_120 = arith.index_cast %scan3A_111 : i32 to index
        %get3A_121 = arith.constant 0 : index
        %get3A_122 = tpu.vector_load %arg18[%get3A_120, %get3A_121] {strides = array<i32>} : memref<40x16xf32, #tpu.memory_space<vmem>>, vector<1x16xf32>,
        %get3A_123 = vector.shape_cast %get3A_122 : vector<1x16xf32> to vector<16xf32>
        %add3A_124 = arith.addf %add3A_119, %get3A_123 : vector<16xf32>
        %max3A = arith.constant -5.000000e+00 : f32
        %max3A_125 = vector.broadcast %max3A : f32 to vector<16xf32>
        %max3A_126 = arith.maximumf %add3A_124, %max3A_125 : vector<16xf32>
        %min3A = arith.constant 5.000000e+00 : f32
        %min3A_127 = vector.broadcast %min3A : f32 to vector<16xf32>
        %min3A_128 = arith.minimumf %max3A_126, %min3A_127 : vector<16xf32>
        %sub3A = arith.constant 5.000000e+00 : f32
        %sub3A_129 = vector.broadcast %sub3A : f32 to vector<16xf32>
        %sub3A_130 = arith.subf %min3A_128, %sub3A_129 : vector<16xf32>
        %exp3A = math.exp %sub3A_130 : vector<16xf32>
        %mul3A_131 = arith.mulf %exp3A, %select_n3A : vector<16xf32>
        %swap3A = arith.index_cast %scan3A_111 : i32 to index
        %swap3A_132 = arith.constant 0 : index
        %swap3A_133 = tpu.vector_load %arg19[%swap3A, %swap3A_132] {strides = array<i32>} : memref<40x128xf32, #tpu.memory_space<vmem>>, vector<1x16xf32>,
        %swap3A_134 = vector.shape_cast %swap3A_133 : vector<1x16xf32> to vector<16xf32>
        %swap3A_135 = vector.shape_cast %mul3A_131 : vector<16xf32> to vector<1x16xf32>
        tpu.vector_store %arg19[%swap3A, %swap3A_132], %swap3A_135 {strides = array<i32>} : memref<40x128xf32, #tpu.memory_space<vmem>>, vector<1x16xf32>,
        %swap3A_136 = arith.index_cast %scan3A_111 : i32 to index
        %swap3A_137 = arith.constant 0 : index
        %swap3A_138 = tpu.vector_load %arg20[%swap3A_136, %swap3A_137] {strides = array<i32>} : memref<40x16xf32, #tpu.memory_space<vmem>>, vector<1x16xf32>,
        %swap3A_139 = vector.shape_cast %swap3A_138 : vector<1x16xf32> to vector<16xf32>
        %swap3A_140 = vector.shape_cast %mul3A_131 : vector<16xf32> to vector<1x16xf32>
        tpu.vector_store %arg20[%swap3A_136, %swap3A_137], %swap3A_140 {strides = array<i32>} : memref<40x16xf32, #tpu.memory_space<vmem>>, vector<1x16xf32>,
      }
      %scan3A_110 = arith.constant 40 : i32
      "tpu.region"() ({
        %run_scoped3A = tpu.sem_alloc : memref<!tpu.dma_semaphore, #tpu.memory_space<semaphore_mem>>
        %dma_start3A_111 = arith.constant 0 : i32
        %dma_start3A_112 = tpu.memref_slice %arg7[%multiple_of3A_94, %dma_start3A_111] : memref<320000x16xf32, #tpu.memory_space<hbm>> -> memref<40x16xf32, #tpu.memory_space<hbm>>
        %dma_start3A_113 = arith.constant 0 : i32
        %dma_start3A_114 = tpu.memref_slice %arg7[%multiple_of3A_94, %dma_start3A_113] : memref<320000x16xf32, #tpu.memory_space<hbm>> -> memref<40x16xf32, #tpu.memory_space<hbm>>
        tpu.enqueue_dma source(%arg20 : memref<40x16xf32, #tpu.memory_space<vmem>>) target(%dma_start3A_114 : memref<40x16xf32, #tpu.memory_space<hbm>>) target_semaphore(%run_scoped3A : memref<!tpu.dma_semaphore, #tpu.memory_space<semaphore_mem>>)
        %dma_wait3A_115 = arith.constant 0 : i32
        %dma_wait3A_116 = tpu.memref_slice %arg7[%multiple_of3A_94, %dma_wait3A_115] : memref<320000x16xf32, #tpu.memory_space<hbm>> -> memref<40x16xf32, #tpu.memory_space<hbm>>
        %dma_wait3A_117 = arith.constant 0 : i32
        %dma_wait3A_118 = tpu.memref_slice %arg7[%multiple_of3A_94, %dma_wait3A_117] : memref<320000x16xf32, #tpu.memory_space<hbm>> -> memref<40x16xf32, #tpu.memory_space<hbm>>
        tpu.wait_dma2 semaphore(%run_scoped3A : memref<!tpu.dma_semaphore, #tpu.memory_space<semaphore_mem>>) src(%arg20 : memref<40x16xf32, #tpu.memory_space<vmem>>) dst(%dma_wait3A_118 : memref<40x16xf32, #tpu.memory_space<hbm>>)
        tpu.yield
      }) : () -> ()
      "tpu.region"() ({
        %run_scoped3A = tpu.sem_alloc : memref<!tpu.dma_semaphore, #tpu.memory_space<semaphore_mem>>
        %dma_start3A_111 = arith.constant 0 : i32
        %dma_start3A_112 = arith.constant 0 : i32
        %dma_start3A_113 = tpu.memref_slice %arg21[%dma_start3A_111, %dma_start3A_112] : memref<10000x128xf32, #tpu.memory_space<vmem_shared>> -> memref<10000x128xf32, #tpu.memory_space<vmem_shared>>
        tpu.enqueue_indirect_dma source(%arg19 : memref<40x128xf32, #tpu.memory_space<vmem>>) target(%dma_start3A_113 : memref<10000x128xf32, #tpu.memory_space<vmem_shared>>) offsets(%arg15 : memref<40xi32, #tpu.memory_space<vmem>>) semaphore(%run_scoped3A : memref<!tpu.dma_semaphore, #tpu.memory_space<semaphore_mem>>) {add = true}
        %dma_wait3A_114 = arith.constant 0 : i32
        %dma_wait3A_115 = arith.constant 0 : i32
        %dma_wait3A_116 = tpu.memref_slice %arg21[%dma_wait3A_114, %dma_wait3A_115] : memref<10000x128xf32, #tpu.memory_space<vmem_shared>> -> memref<10000x128xf32, #tpu.memory_space<vmem_shared>>
        tpu.wait_indirect_dma semaphore(%run_scoped3A : memref<!tpu.dma_semaphore, #tpu.memory_space<semaphore_mem>>) src(%arg19 : memref<40x128xf32, #tpu.memory_space<vmem>>) dst(%dma_wait3A_116 : memref<10000x128xf32, #tpu.memory_space<vmem_shared>>)
        tpu.yield
      }) : () -> ()
    }
    %scan3A_31 = arith.constant 125 : i32
    %barrier3A_32 = arith.constant 0 : index
    tpu.barrier barrier_id(%barrier3A_32)
    %lt3A_33 = arith.constant 10 : i32
    %lt3A_34 = arith.cmpi slt, %arg1, %lt3A_33 : i32
    %convert_element_type3A_35 = arith.extui %lt3A_34 : i1 to i32
    %cond3A_36 = arith.constant 0 : i32
    %cond3A_37 = arith.cmpi ne, %convert_element_type3A_35, %cond3A_36 : i32
    scf.if %cond3A_37 {
      %mul3A_38 = arith.constant 1000 : i32
      %mul3A_39 = arith.muli %arg1, %mul3A_38 : i32
      %multiple_of3A_40 = tpu.assume_multiple %mul3A_39, 8 : i32
      %mul3A_41 = arith.constant 1000 : i32
      %mul3A_42 = arith.muli %arg1, %mul3A_41 : i32
      %multiple_of3A_43 = tpu.assume_multiple %mul3A_42, 8 : i32
      "tpu.region"() ({
        %run_scoped3A = tpu.sem_alloc : memref<!tpu.dma_semaphore, #tpu.memory_space<semaphore_mem>>
        %dma_start3A_44 = arith.constant 0 : i32
        %dma_start3A_45 = tpu.memref_slice %arg8[%arg0, %multiple_of3A_43, %dma_start3A_44] : memref<2x10000x128xf32, #tpu.memory_space<hbm>> -> memref<1x1000x128xf32, #tpu.memory_space<hbm>>
        %dma_start3A_46 = tpu.memref_squeeze %dma_start3A_45 : memref<1x1000x128xf32, #tpu.memory_space<hbm>> -> memref<1000x128xf32, #tpu.memory_space<hbm>>
        %dma_start3A_47 = arith.constant 0 : i32
        %dma_start3A_48 = tpu.memref_slice %arg21[%multiple_of3A_40, %dma_start3A_47] : memref<10000x128xf32, #tpu.memory_space<vmem_shared>> -> memref<1000x128xf32, #tpu.memory_space<vmem_shared>>
        tpu.enqueue_dma source(%dma_start3A_48 : memref<1000x128xf32, #tpu.memory_space<vmem_shared>>) target(%dma_start3A_46 : memref<1000x128xf32, #tpu.memory_space<hbm>>) target_semaphore(%run_scoped3A : memref<!tpu.dma_semaphore, #tpu.memory_space<semaphore_mem>>)
        %dma_wait3A = arith.constant 0 : i32
        %dma_wait3A_49 = tpu.memref_slice %arg8[%arg0, %multiple_of3A_43, %dma_wait3A] : memref<2x10000x128xf32, #tpu.memory_space<hbm>> -> memref<1x1000x128xf32, #tpu.memory_space<hbm>>
        %dma_wait3A_50 = tpu.memref_squeeze %dma_wait3A_49 : memref<1x1000x128xf32, #tpu.memory_space<hbm>> -> memref<1000x128xf32, #tpu.memory_space<hbm>>
        %dma_wait3A_51 = arith.constant 0 : i32
        %dma_wait3A_52 = tpu.memref_slice %arg21[%multiple_of3A_40, %dma_wait3A_51] : memref<10000x128xf32, #tpu.memory_space<vmem_shared>> -> memref<1000x128xf32, #tpu.memory_space<vmem_shared>>
        tpu.wait_dma2 semaphore(%run_scoped3A : memref<!tpu.dma_semaphore, #tpu.memory_space<semaphore_mem>>) src(%dma_wait3A_52 : memref<1000x128xf32, #tpu.memory_space<vmem_shared>>) dst(%dma_wait3A_50 : memref<1000x128xf32, #tpu.memory_space<hbm>>)
        tpu.yield
      }) : () -> ()
    } else {
    }
    return
  }
}

module attributes {stable_mosaic.version = 14 : i64} {
  func.func @_tc1_body(%arg0: i32, %arg1: memref<2000x128xf32, #tpu.memory_space<vmem>>, %arg2: memref<128x128xf32, #tpu.memory_space<vmem>>, %arg3: memref<128x128xf32, #tpu.memory_space<vmem>>, %arg4: memref<128x128xf32, #tpu.memory_space<vmem>>, %arg5: memref<1x128xf32, #tpu.memory_space<vmem>>, %arg6: memref<1x128xf32, #tpu.memory_space<vmem>>, %arg7: memref<1x128xf32, #tpu.memory_space<vmem>>, %arg8: memref<128x128xf32, #tpu.memory_space<vmem>>, %arg9: memref<128x128xf32, #tpu.memory_space<vmem>>, %arg10: memref<2000x128xf32, #tpu.memory_space<vmem>>, %arg11: memref<2000x128xf32, #tpu.memory_space<vmem>>, %arg12: memref<2000x128xf32, #tpu.memory_space<vmem>>, %arg13: memref<2000x128xf32, #tpu.memory_space<vmem>>, %arg14: memref<2000x128xf32, #tpu.memory_space<vmem>>, %arg15: memref<2000x128xf32, #tpu.memory_space<vmem>>) attributes {dimension_semantics = [#tpu.dimension_semantics<arbitrary>], iteration_bounds = array<i64: 5>, scalar_prefetch = 0 : i64, scratch_operands = 0 : i64, tpu.core_type = #tpu.core_type<tc>, window_params = [{transform_indices = @transform_0, window_bounds = array<i64: 2000, 128>}, {pipeline_mode = #tpu.pipeline_mode<synchronous>, transform_indices = @transform_1, window_bounds = array<i64: 128, 128>}, {pipeline_mode = #tpu.pipeline_mode<synchronous>, transform_indices = @transform_2, window_bounds = array<i64: 128, 128>}, {pipeline_mode = #tpu.pipeline_mode<synchronous>, transform_indices = @transform_3, window_bounds = array<i64: 128, 128>}, {pipeline_mode = #tpu.pipeline_mode<synchronous>, transform_indices = @transform_4, window_bounds = array<i64: 1, 128>}, {pipeline_mode = #tpu.pipeline_mode<synchronous>, transform_indices = @transform_5, window_bounds = array<i64: 1, 128>}, {pipeline_mode = #tpu.pipeline_mode<synchronous>, transform_indices = @transform_6, window_bounds = array<i64: 1, 128>}, {pipeline_mode = #tpu.pipeline_mode<synchronous>, transform_indices = @transform_7, window_bounds = array<i64: 128, 128>}, {pipeline_mode = #tpu.pipeline_mode<synchronous>, transform_indices = @transform_8, window_bounds = array<i64: 128, 128>}, {transform_indices = @transform_9, window_bounds = array<i64: 2000, 128>}, {transform_indices = @transform_10, window_bounds = array<i64: 2000, 128>}, {transform_indices = @transform_11, window_bounds = array<i64: 2000, 128>}, {transform_indices = @transform_12, window_bounds = array<i64: 2000, 128>}, {transform_indices = @transform_13, window_bounds = array<i64: 2000, 128>}, {transform_indices = @transform_14, window_bounds = array<i64: 2000, 128>}]} {
    %get3A = arith.constant 0 : index
    %get3A_0 = arith.constant 0 : index
    %get3A_1 = vector.load %arg1[%get3A, %get3A_0] : memref<2000x128xf32, #tpu.memory_space<vmem>>, vector<2000x128xf32>
    %get3A_2 = arith.constant 0 : index
    %get3A_3 = arith.constant 0 : index
    %get3A_4 = vector.load %arg3[%get3A_2, %get3A_3] : memref<128x128xf32, #tpu.memory_space<vmem>>, vector<128x128xf32>
    %dot_general3A = arith.constant dense<0.000000e+00> : vector<2000x128xf32>
    %dot_general3A_5 = tpu.matmul %get3A_1, %get3A_4, %dot_general3A {dimension_numbers = #tpu.dot_dimension_numbers<[1], [0], [0], [1], [0, 0, 1, 1], [], []>, transpose_lhs_hint = false} : vector<2000x128xf32>, vector<128x128xf32>, vector<2000x128xf32> -> vector<2000x128xf32>
    %get3A_6 = arith.constant 0 : index
    %get3A_7 = arith.constant 0 : index
    %get3A_8 = vector.load %arg6[%get3A_6, %get3A_7] : memref<1x128xf32, #tpu.memory_space<vmem>>, vector<1x128xf32>
    %add3A = vector.broadcast %get3A_8 : vector<1x128xf32> to vector<2000x128xf32>
    %add3A_9 = arith.addf %dot_general3A_5, %add3A : vector<2000x128xf32>
    %get3A_10 = arith.constant 0 : index
    %get3A_11 = arith.constant 0 : index
    %get3A_12 = vector.load %arg2[%get3A_10, %get3A_11] : memref<128x128xf32, #tpu.memory_space<vmem>>, vector<128x128xf32>
    %dot_general3A_13 = arith.constant dense<0.000000e+00> : vector<2000x128xf32>
    %dot_general3A_14 = tpu.matmul %get3A_1, %get3A_12, %dot_general3A_13 {dimension_numbers = #tpu.dot_dimension_numbers<[1], [0], [0], [1], [0, 0, 1, 1], [], []>, transpose_lhs_hint = false} : vector<2000x128xf32>, vector<128x128xf32>, vector<2000x128xf32> -> vector<2000x128xf32>
    %get3A_15 = arith.constant 0 : index
    %get3A_16 = arith.constant 0 : index
    %get3A_17 = vector.load %arg5[%get3A_15, %get3A_16] : memref<1x128xf32, #tpu.memory_space<vmem>>, vector<1x128xf32>
    %add3A_18 = vector.broadcast %get3A_17 : vector<1x128xf32> to vector<2000x128xf32>
    %add3A_19 = arith.addf %dot_general3A_14, %add3A_18 : vector<2000x128xf32>
    %get3A_20 = arith.constant 0 : index
    %get3A_21 = arith.constant 0 : index
    %get3A_22 = vector.load %arg4[%get3A_20, %get3A_21] : memref<128x128xf32, #tpu.memory_space<vmem>>, vector<128x128xf32>
    %dot_general3A_23 = arith.constant dense<0.000000e+00> : vector<2000x128xf32>
    %dot_general3A_24 = tpu.matmul %get3A_1, %get3A_22, %dot_general3A_23 {dimension_numbers = #tpu.dot_dimension_numbers<[1], [0], [0], [1], [0, 0, 1, 1], [], []>, transpose_lhs_hint = false} : vector<2000x128xf32>, vector<128x128xf32>, vector<2000x128xf32> -> vector<2000x128xf32>
    %get3A_25 = arith.constant 0 : index
    %get3A_26 = arith.constant 0 : index
    %get3A_27 = vector.load %arg7[%get3A_25, %get3A_26] : memref<1x128xf32, #tpu.memory_space<vmem>>, vector<1x128xf32>
    %add3A_28 = vector.broadcast %get3A_27 : vector<1x128xf32> to vector<2000x128xf32>
    %add3A_29 = arith.addf %dot_general3A_24, %add3A_28 : vector<2000x128xf32>
    %swap3A = arith.constant 0 : index
    %swap3A_30 = arith.constant 0 : index
    %swap3A_31 = vector.load %arg10[%swap3A, %swap3A_30] : memref<2000x128xf32, #tpu.memory_space<vmem>>, vector<2000x128xf32>
    tpu.vector_store %arg10[%swap3A, %swap3A_30], %add3A_9 {strides = array<i32>} : memref<2000x128xf32, #tpu.memory_space<vmem>>, vector<2000x128xf32>,
    %swap3A_32 = arith.constant 0 : index
    %swap3A_33 = arith.constant 0 : index
    %swap3A_34 = vector.load %arg11[%swap3A_32, %swap3A_33] : memref<2000x128xf32, #tpu.memory_space<vmem>>, vector<2000x128xf32>
    tpu.vector_store %arg11[%swap3A_32, %swap3A_33], %add3A_19 {strides = array<i32>} : memref<2000x128xf32, #tpu.memory_space<vmem>>, vector<2000x128xf32>,
    %get3A_35 = arith.constant 0 : index
    %get3A_36 = arith.constant 0 : index
    %get3A_37 = vector.load %arg8[%get3A_35, %get3A_36] : memref<128x128xf32, #tpu.memory_space<vmem>>, vector<128x128xf32>
    %dot_general3A_38 = arith.constant dense<0.000000e+00> : vector<2000x128xf32>
    %dot_general3A_39 = tpu.matmul %add3A_9, %get3A_37, %dot_general3A_38 {dimension_numbers = #tpu.dot_dimension_numbers<[1], [0], [0], [1], [0, 0, 1, 1], [], []>, transpose_lhs_hint = false} : vector<2000x128xf32>, vector<128x128xf32>, vector<2000x128xf32> -> vector<2000x128xf32>
    %add3A_40 = arith.addf %add3A_29, %dot_general3A_39 : vector<2000x128xf32>
    %swap3A_41 = arith.constant 0 : index
    %swap3A_42 = arith.constant 0 : index
    %swap3A_43 = vector.load %arg12[%swap3A_41, %swap3A_42] : memref<2000x128xf32, #tpu.memory_space<vmem>>, vector<2000x128xf32>
    tpu.vector_store %arg12[%swap3A_41, %swap3A_42], %add3A_40 {strides = array<i32>} : memref<2000x128xf32, #tpu.memory_space<vmem>>, vector<2000x128xf32>,
    %get3A_44 = arith.constant 0 : index
    %get3A_45 = arith.constant 0 : index
    %get3A_46 = vector.load %arg8[%get3A_44, %get3A_45] : memref<128x128xf32, #tpu.memory_space<vmem>>, vector<128x128xf32>
    %dot_general3A_47 = arith.constant dense<0.000000e+00> : vector<2000x128xf32>
    %dot_general3A_48 = tpu.matmul %add3A_19, %get3A_46, %dot_general3A_47 {dimension_numbers = #tpu.dot_dimension_numbers<[1], [0], [0], [1], [0, 0, 1, 1], [], []>, transpose_lhs_hint = false} : vector<2000x128xf32>, vector<128x128xf32>, vector<2000x128xf32> -> vector<2000x128xf32>
    %swap3A_49 = arith.constant 0 : index
    %swap3A_50 = arith.constant 0 : index
    %swap3A_51 = vector.load %arg13[%swap3A_49, %swap3A_50] : memref<2000x128xf32, #tpu.memory_space<vmem>>, vector<2000x128xf32>
    tpu.vector_store %arg13[%swap3A_49, %swap3A_50], %dot_general3A_48 {strides = array<i32>} : memref<2000x128xf32, #tpu.memory_space<vmem>>, vector<2000x128xf32>,
    %get3A_52 = arith.constant 0 : index
    %get3A_53 = arith.constant 0 : index
    %get3A_54 = vector.load %arg9[%get3A_52, %get3A_53] : memref<128x128xf32, #tpu.memory_space<vmem>>, vector<128x128xf32>
    %dot_general3A_55 = arith.constant dense<0.000000e+00> : vector<2000x128xf32>
    %dot_general3A_56 = tpu.matmul %add3A_9, %get3A_54, %dot_general3A_55 {dimension_numbers = #tpu.dot_dimension_numbers<[1], [0], [0], [1], [0, 0, 1, 1], [], []>, transpose_lhs_hint = false} : vector<2000x128xf32>, vector<128x128xf32>, vector<2000x128xf32> -> vector<2000x128xf32>
    %swap3A_57 = arith.constant 0 : index
    %swap3A_58 = arith.constant 0 : index
    %swap3A_59 = vector.load %arg14[%swap3A_57, %swap3A_58] : memref<2000x128xf32, #tpu.memory_space<vmem>>, vector<2000x128xf32>
    tpu.vector_store %arg14[%swap3A_57, %swap3A_58], %dot_general3A_56 {strides = array<i32>} : memref<2000x128xf32, #tpu.memory_space<vmem>>, vector<2000x128xf32>,
    %get3A_60 = arith.constant 0 : index
    %get3A_61 = arith.constant 0 : index
    %get3A_62 = vector.load %arg9[%get3A_60, %get3A_61] : memref<128x128xf32, #tpu.memory_space<vmem>>, vector<128x128xf32>
    %dot_general3A_63 = arith.constant dense<0.000000e+00> : vector<2000x128xf32>
    %dot_general3A_64 = tpu.matmul %add3A_19, %get3A_62, %dot_general3A_63 {dimension_numbers = #tpu.dot_dimension_numbers<[1], [0], [0], [1], [0, 0, 1, 1], [], []>, transpose_lhs_hint = false} : vector<2000x128xf32>, vector<128x128xf32>, vector<2000x128xf32> -> vector<2000x128xf32>
    %swap3A_65 = arith.constant 0 : index
    %swap3A_66 = arith.constant 0 : index
    %swap3A_67 = vector.load %arg15[%swap3A_65, %swap3A_66] : memref<2000x128xf32, #tpu.memory_space<vmem>>, vector<2000x128xf32>
    tpu.vector_store %arg15[%swap3A_65, %swap3A_66], %dot_general3A_64 {strides = array<i32>} : memref<2000x128xf32, #tpu.memory_space<vmem>>, vector<2000x128xf32>,
    return
  }
  func.func @transform_0(%arg0: i32) -> (i32, i32) {
    %c0_i32 = arith.constant 0 : i32
    %c0_i32_0 = arith.constant 0 : i32
    return %arg0, %c0_i32 : i32, i32
  }
  func.func @transform_1(%arg0: i32) -> (i32, i32) {
    %c0_i32 = arith.constant 0 : i32
    %c0_i32_0 = arith.constant 0 : i32
    %c0_i32_1 = arith.constant 0 : i32
    return %c0_i32, %c0_i32_0 : i32, i32
  }
  func.func @transform_2(%arg0: i32) -> (i32, i32) {
    %c0_i32 = arith.constant 0 : i32
    %c0_i32_0 = arith.constant 0 : i32
    %c0_i32_1 = arith.constant 0 : i32
    return %c0_i32, %c0_i32_0 : i32, i32
  }
  func.func @transform_3(%arg0: i32) -> (i32, i32) {
    %c0_i32 = arith.constant 0 : i32
    %c0_i32_0 = arith.constant 0 : i32
    %c0_i32_1 = arith.constant 0 : i32
    return %c0_i32, %c0_i32_0 : i32, i32
  }
  func.func @transform_4(%arg0: i32) -> (i32, i32) {
    %c0_i32 = arith.constant 0 : i32
    %c0_i32_0 = arith.constant 0 : i32
    %c0_i32_1 = arith.constant 0 : i32
    return %c0_i32, %c0_i32_0 : i32, i32
  }
  func.func @transform_5(%arg0: i32) -> (i32, i32) {
    %c0_i32 = arith.constant 0 : i32
    %c0_i32_0 = arith.constant 0 : i32
    %c0_i32_1 = arith.constant 0 : i32
    return %c0_i32, %c0_i32_0 : i32, i32
  }
  func.func @transform_6(%arg0: i32) -> (i32, i32) {
    %c0_i32 = arith.constant 0 : i32
    %c0_i32_0 = arith.constant 0 : i32
    %c0_i32_1 = arith.constant 0 : i32
    return %c0_i32, %c0_i32_0 : i32, i32
  }
  func.func @transform_7(%arg0: i32) -> (i32, i32) {
    %c0_i32 = arith.constant 0 : i32
    %c0_i32_0 = arith.constant 0 : i32
    %c0_i32_1 = arith.constant 0 : i32
    return %c0_i32, %c0_i32_0 : i32, i32
  }
  func.func @transform_8(%arg0: i32) -> (i32, i32) {
    %c0_i32 = arith.constant 0 : i32
    %c0_i32_0 = arith.constant 0 : i32
    %c0_i32_1 = arith.constant 0 : i32
    return %c0_i32, %c0_i32_0 : i32, i32
  }
  func.func @transform_9(%arg0: i32) -> (i32, i32) {
    %c0_i32 = arith.constant 0 : i32
    %c0_i32_0 = arith.constant 0 : i32
    return %arg0, %c0_i32 : i32, i32
  }
  func.func @transform_10(%arg0: i32) -> (i32, i32) {
    %c0_i32 = arith.constant 0 : i32
    %c0_i32_0 = arith.constant 0 : i32
    return %arg0, %c0_i32 : i32, i32
  }
  func.func @transform_11(%arg0: i32) -> (i32, i32) {
    %c0_i32 = arith.constant 0 : i32
    %c0_i32_0 = arith.constant 0 : i32
    return %arg0, %c0_i32 : i32, i32
  }
  func.func @transform_12(%arg0: i32) -> (i32, i32) {
    %c0_i32 = arith.constant 0 : i32
    %c0_i32_0 = arith.constant 0 : i32
    return %arg0, %c0_i32 : i32, i32
  }
  func.func @transform_13(%arg0: i32) -> (i32, i32) {
    %c0_i32 = arith.constant 0 : i32
    %c0_i32_0 = arith.constant 0 : i32
    return %arg0, %c0_i32 : i32, i32
  }
  func.func @transform_14(%arg0: i32) -> (i32, i32) {
    %c0_i32 = arith.constant 0 : i32
    %c0_i32_0 = arith.constant 0 : i32
    return %arg0, %c0_i32 : i32, i32
  }
}

module attributes {stable_mosaic.version = 14 : i64} {
  func.func @_tc2_body(%arg0: i32, %arg1: memref<2000x128xf32, #tpu.memory_space<vmem>>, %arg2: memref<128x128xf32, #tpu.memory_space<vmem>>, %arg3: memref<128x128xf32, #tpu.memory_space<vmem>>, %arg4: memref<1x128xf32, #tpu.memory_space<vmem>>, %arg5: memref<1x128xf32, #tpu.memory_space<vmem>>, %arg6: memref<128x128xf32, #tpu.memory_space<vmem>>, %arg7: memref<128x16xf32, #tpu.memory_space<vmem>>, %arg8: memref<2000x128xf32, #tpu.memory_space<vmem>>, %arg9: memref<2000x128xf32, #tpu.memory_space<vmem>>, %arg10: memref<2000x16xf32, #tpu.memory_space<vmem>>) attributes {dimension_semantics = [#tpu.dimension_semantics<arbitrary>], iteration_bounds = array<i64: 160>, scalar_prefetch = 0 : i64, scratch_operands = 0 : i64, tpu.core_type = #tpu.core_type<tc>, window_params = [{transform_indices = @transform_0, window_bounds = array<i64: 2000, 128>}, {pipeline_mode = #tpu.pipeline_mode<synchronous>, transform_indices = @transform_1, window_bounds = array<i64: 128, 128>}, {pipeline_mode = #tpu.pipeline_mode<synchronous>, transform_indices = @transform_2, window_bounds = array<i64: 128, 128>}, {pipeline_mode = #tpu.pipeline_mode<synchronous>, transform_indices = @transform_3, window_bounds = array<i64: 1, 128>}, {pipeline_mode = #tpu.pipeline_mode<synchronous>, transform_indices = @transform_4, window_bounds = array<i64: 1, 128>}, {pipeline_mode = #tpu.pipeline_mode<synchronous>, transform_indices = @transform_5, window_bounds = array<i64: 128, 128>}, {pipeline_mode = #tpu.pipeline_mode<synchronous>, transform_indices = @transform_6, window_bounds = array<i64: 128, 16>}, {transform_indices = @transform_7, window_bounds = array<i64: 2000, 128>}, {transform_indices = @transform_8, window_bounds = array<i64: 2000, 128>}, {transform_indices = @transform_9, window_bounds = array<i64: 2000, 16>}]} {
    %get3A = arith.constant 0 : index
    %get3A_0 = arith.constant 0 : index
    %get3A_1 = vector.load %arg1[%get3A, %get3A_0] : memref<2000x128xf32, #tpu.memory_space<vmem>>, vector<2000x128xf32>
    %get3A_2 = arith.constant 0 : index
    %get3A_3 = arith.constant 0 : index
    %get3A_4 = vector.load %arg2[%get3A_2, %get3A_3] : memref<128x128xf32, #tpu.memory_space<vmem>>, vector<128x128xf32>
    %dot_general3A = arith.constant dense<0.000000e+00> : vector<2000x128xf32>
    %dot_general3A_5 = tpu.matmul %get3A_1, %get3A_4, %dot_general3A {dimension_numbers = #tpu.dot_dimension_numbers<[1], [0], [0], [1], [0, 0, 1, 1], [], []>, transpose_lhs_hint = false} : vector<2000x128xf32>, vector<128x128xf32>, vector<2000x128xf32> -> vector<2000x128xf32>
    %get3A_6 = arith.constant 0 : index
    %get3A_7 = arith.constant 0 : index
    %get3A_8 = vector.load %arg4[%get3A_6, %get3A_7] : memref<1x128xf32, #tpu.memory_space<vmem>>, vector<1x128xf32>
    %add3A = vector.broadcast %get3A_8 : vector<1x128xf32> to vector<2000x128xf32>
    %add3A_9 = arith.addf %dot_general3A_5, %add3A : vector<2000x128xf32>
    %get3A_10 = arith.constant 0 : index
    %get3A_11 = arith.constant 0 : index
    %get3A_12 = vector.load %arg3[%get3A_10, %get3A_11] : memref<128x128xf32, #tpu.memory_space<vmem>>, vector<128x128xf32>
    %dot_general3A_13 = arith.constant dense<0.000000e+00> : vector<2000x128xf32>
    %dot_general3A_14 = tpu.matmul %get3A_1, %get3A_12, %dot_general3A_13 {dimension_numbers = #tpu.dot_dimension_numbers<[1], [0], [0], [1], [0, 0, 1, 1], [], []>, transpose_lhs_hint = false} : vector<2000x128xf32>, vector<128x128xf32>, vector<2000x128xf32> -> vector<2000x128xf32>
    %get3A_15 = arith.constant 0 : index
    %get3A_16 = arith.constant 0 : index
    %get3A_17 = vector.load %arg5[%get3A_15, %get3A_16] : memref<1x128xf32, #tpu.memory_space<vmem>>, vector<1x128xf32>
    %add3A_18 = vector.broadcast %get3A_17 : vector<1x128xf32> to vector<2000x128xf32>
    %add3A_19 = arith.addf %dot_general3A_14, %add3A_18 : vector<2000x128xf32>
    %mul3A = arith.mulf %add3A_9, %add3A_19 : vector<2000x128xf32>
    %sign3A = tpu.bitcast %mul3A : vector<2000x128xf32> -> vector<2000x128xi32>
    %sign3A_20 = arith.constant -2147483648 : i32
    %sign3A_21 = vector.broadcast %sign3A_20 : i32 to vector<2000x128xi32>
    %sign3A_22 = arith.andi %sign3A, %sign3A_21 : vector<2000x128xi32>
    %sign3A_23 = arith.constant 1065353216 : i32
    %sign3A_24 = vector.broadcast %sign3A_23 : i32 to vector<2000x128xi32>
    %sign3A_25 = arith.ori %sign3A_24, %sign3A_22 : vector<2000x128xi32>
    %sign3A_26 = tpu.bitcast %sign3A_25 : vector<2000x128xi32> -> vector<2000x128xf32>
    %sign3A_27 = math.absf %mul3A : vector<2000x128xf32>
    %sign3A_28 = arith.constant 0.000000e+00 : f32
    %sign3A_29 = vector.broadcast %sign3A_28 : f32 to vector<2000x128xf32>
    %sign3A_30 = arith.cmpf ogt, %sign3A_27, %sign3A_29 : vector<2000x128xf32>
    %sign3A_31 = arith.select %sign3A_30, %sign3A_26, %mul3A : vector<2000x128xi1>, vector<2000x128xf32>
    %abs3A = math.absf %mul3A : vector<2000x128xf32>
    %sqrt3A = math.sqrt %abs3A : vector<2000x128xf32>
    %mul3A_32 = arith.mulf %sign3A_31, %sqrt3A : vector<2000x128xf32>
    %swap3A = arith.constant 0 : index
    %swap3A_33 = arith.constant 0 : index
    %swap3A_34 = vector.load %arg8[%swap3A, %swap3A_33] : memref<2000x128xf32, #tpu.memory_space<vmem>>, vector<2000x128xf32>
    tpu.vector_store %arg8[%swap3A, %swap3A_33], %mul3A_32 {strides = array<i32>} : memref<2000x128xf32, #tpu.memory_space<vmem>>, vector<2000x128xf32>,
    %get3A_35 = arith.constant 0 : index
    %get3A_36 = arith.constant 0 : index
    %get3A_37 = vector.load %arg6[%get3A_35, %get3A_36] : memref<128x128xf32, #tpu.memory_space<vmem>>, vector<128x128xf32>
    %dot_general3A_38 = arith.constant dense<0.000000e+00> : vector<2000x128xf32>
    %dot_general3A_39 = tpu.matmul %mul3A_32, %get3A_37, %dot_general3A_38 {dimension_numbers = #tpu.dot_dimension_numbers<[1], [0], [0], [1], [0, 0, 1, 1], [], []>, transpose_lhs_hint = false} : vector<2000x128xf32>, vector<128x128xf32>, vector<2000x128xf32> -> vector<2000x128xf32>
    %swap3A_40 = arith.constant 0 : index
    %swap3A_41 = arith.constant 0 : index
    %swap3A_42 = vector.load %arg9[%swap3A_40, %swap3A_41] : memref<2000x128xf32, #tpu.memory_space<vmem>>, vector<2000x128xf32>
    tpu.vector_store %arg9[%swap3A_40, %swap3A_41], %dot_general3A_39 {strides = array<i32>} : memref<2000x128xf32, #tpu.memory_space<vmem>>, vector<2000x128xf32>,
    %get3A_43 = arith.constant 0 : index
    %get3A_44 = arith.constant 0 : index
    %get3A_45 = vector.load %arg7[%get3A_43, %get3A_44] : memref<128x16xf32, #tpu.memory_space<vmem>>, vector<128x16xf32>
    %dot_general3A_46 = arith.constant dense<0.000000e+00> : vector<2000x16xf32>
    %dot_general3A_47 = tpu.matmul %mul3A_32, %get3A_45, %dot_general3A_46 {dimension_numbers = #tpu.dot_dimension_numbers<[1], [0], [0], [1], [0, 0, 1, 1], [], []>, transpose_lhs_hint = false} : vector<2000x128xf32>, vector<128x16xf32>, vector<2000x16xf32> -> vector<2000x16xf32>
    %swap3A_48 = arith.constant 0 : index
    %swap3A_49 = arith.constant 0 : index
    %swap3A_50 = vector.load %arg10[%swap3A_48, %swap3A_49] : memref<2000x16xf32, #tpu.memory_space<vmem>>, vector<2000x16xf32>
    tpu.vector_store %arg10[%swap3A_48, %swap3A_49], %dot_general3A_47 {strides = array<i32>} : memref<2000x16xf32, #tpu.memory_space<vmem>>, vector<2000x16xf32>,
    return
  }
  func.func @transform_0(%arg0: i32) -> (i32, i32) {
    %c0_i32 = arith.constant 0 : i32
    %c0_i32_0 = arith.constant 0 : i32
    return %arg0, %c0_i32 : i32, i32
  }
  func.func @transform_1(%arg0: i32) -> (i32, i32) {
    %c0_i32 = arith.constant 0 : i32
    %c0_i32_0 = arith.constant 0 : i32
    %c0_i32_1 = arith.constant 0 : i32
    return %c0_i32, %c0_i32_0 : i32, i32
  }
  func.func @transform_2(%arg0: i32) -> (i32, i32) {
    %c0_i32 = arith.constant 0 : i32
    %c0_i32_0 = arith.constant 0 : i32
    %c0_i32_1 = arith.constant 0 : i32
    return %c0_i32, %c0_i32_0 : i32, i32
  }
  func.func @transform_3(%arg0: i32) -> (i32, i32) {
    %c0_i32 = arith.constant 0 : i32
    %c0_i32_0 = arith.constant 0 : i32
    %c0_i32_1 = arith.constant 0 : i32
    return %c0_i32, %c0_i32_0 : i32, i32
  }
  func.func @transform_4(%arg0: i32) -> (i32, i32) {
    %c0_i32 = arith.constant 0 : i32
    %c0_i32_0 = arith.constant 0 : i32
    %c0_i32_1 = arith.constant 0 : i32
    return %c0_i32, %c0_i32_0 : i32, i32
  }
  func.func @transform_5(%arg0: i32) -> (i32, i32) {
    %c0_i32 = arith.constant 0 : i32
    %c0_i32_0 = arith.constant 0 : i32
    %c0_i32_1 = arith.constant 0 : i32
    return %c0_i32, %c0_i32_0 : i32, i32
  }
  func.func @transform_6(%arg0: i32) -> (i32, i32) {
    %c0_i32 = arith.constant 0 : i32
    %c0_i32_0 = arith.constant 0 : i32
    %c0_i32_1 = arith.constant 0 : i32
    return %c0_i32, %c0_i32_0 : i32, i32
  }
  func.func @transform_7(%arg0: i32) -> (i32, i32) {
    %c0_i32 = arith.constant 0 : i32
    %c0_i32_0 = arith.constant 0 : i32
    return %arg0, %c0_i32 : i32, i32
  }
  func.func @transform_8(%arg0: i32) -> (i32, i32) {
    %c0_i32 = arith.constant 0 : i32
    %c0_i32_0 = arith.constant 0 : i32
    return %arg0, %c0_i32 : i32, i32
  }
  func.func @transform_9(%arg0: i32) -> (i32, i32) {
    %c0_i32 = arith.constant 0 : i32
    %c0_i32_0 = arith.constant 0 : i32
    return %arg0, %c0_i32 : i32, i32
  }
}

module attributes {stable_mosaic.version = 14 : i64} {
  func.func @_tc3_body(%arg0: i32, %arg1: memref<2000x128xf32, #tpu.memory_space<vmem>>, %arg2: memref<2000x128xf32, #tpu.memory_space<vmem>>, %arg3: memref<2000x128xf32, #tpu.memory_space<vmem>>, %arg4: memref<2000x128xf32, #tpu.memory_space<vmem>>, %arg5: memref<2000x128xf32, #tpu.memory_space<vmem>>, %arg6: memref<16x128xf32, #tpu.memory_space<vmem>>, %arg7: memref<2000x128xf32, #tpu.memory_space<vmem>>) attributes {dimension_semantics = [#tpu.dimension_semantics<arbitrary>], iteration_bounds = array<i64: 5>, scalar_prefetch = 0 : i64, scratch_operands = 0 : i64, tpu.core_type = #tpu.core_type<tc>, window_params = [{transform_indices = @transform_0, window_bounds = array<i64: 2000, 128>}, {transform_indices = @transform_1, window_bounds = array<i64: 2000, 128>}, {transform_indices = @transform_2, window_bounds = array<i64: 2000, 128>}, {transform_indices = @transform_3, window_bounds = array<i64: 2000, 128>}, {transform_indices = @transform_4, window_bounds = array<i64: 2000, 128>}, {pipeline_mode = #tpu.pipeline_mode<synchronous>, transform_indices = @transform_5, window_bounds = array<i64: 16, 128>}, {transform_indices = @transform_6, window_bounds = array<i64: 2000, 128>}]} {
    %get3A = arith.constant 0 : index
    %get3A_0 = arith.constant 0 : index
    %get3A_1 = vector.load %arg3[%get3A, %get3A_0] : memref<2000x128xf32, #tpu.memory_space<vmem>>, vector<2000x16xf32>
    %get3A_2 = arith.constant 0 : index
    %get3A_3 = arith.constant 0 : index
    %get3A_4 = vector.load %arg4[%get3A_2, %get3A_3] : memref<2000x128xf32, #tpu.memory_space<vmem>>, vector<2000x16xf32>
    %add3A = arith.addf %get3A_1, %get3A_4 : vector<2000x16xf32>
    %get3A_5 = arith.constant 0 : index
    %get3A_6 = arith.constant 0 : index
    %get3A_7 = vector.load %arg6[%get3A_5, %get3A_6] : memref<16x128xf32, #tpu.memory_space<vmem>>, vector<16x128xf32>
    %dot_general3A = arith.constant dense<0.000000e+00> : vector<2000x128xf32>
    %dot_general3A_8 = tpu.matmul %add3A, %get3A_7, %dot_general3A {dimension_numbers = #tpu.dot_dimension_numbers<[1], [0], [0], [1], [0, 0, 1, 1], [], []>, transpose_lhs_hint = false} : vector<2000x16xf32>, vector<16x128xf32>, vector<2000x128xf32> -> vector<2000x128xf32>
    %add3A_9 = arith.constant 1.000000e-16 : f32
    %add3A_10 = vector.broadcast %add3A_9 : f32 to vector<2000x128xf32>
    %add3A_11 = arith.addf %dot_general3A_8, %add3A_10 : vector<2000x128xf32>
    %div3A = arith.constant 1.000000e+00 : f32
    %div3A_12 = vector.broadcast %div3A : f32 to vector<2000x128xf32>
    %div3A_13 = arith.divf %div3A_12, %add3A_11 : vector<2000x128xf32>
    %get3A_14 = arith.constant 0 : index
    %get3A_15 = arith.constant 0 : index
    %get3A_16 = vector.load %arg1[%get3A_14, %get3A_15] : memref<2000x128xf32, #tpu.memory_space<vmem>>, vector<2000x128xf32>
    %get3A_17 = arith.constant 0 : index
    %get3A_18 = arith.constant 0 : index
    %get3A_19 = vector.load %arg2[%get3A_17, %get3A_18] : memref<2000x128xf32, #tpu.memory_space<vmem>>, vector<2000x128xf32>
    %add3A_20 = arith.addf %get3A_16, %get3A_19 : vector<2000x128xf32>
    %mul3A = arith.mulf %add3A_20, %div3A_13 : vector<2000x128xf32>
    %mul3A_21 = arith.mulf %dot_general3A_8, %div3A_13 : vector<2000x128xf32>
    %get3A_22 = arith.constant 0 : index
    %get3A_23 = arith.constant 0 : index
    %get3A_24 = vector.load %arg5[%get3A_22, %get3A_23] : memref<2000x128xf32, #tpu.memory_space<vmem>>, vector<2000x128xf32>
    %mul3A_25 = arith.mulf %mul3A_21, %get3A_24 : vector<2000x128xf32>
    %add3A_26 = arith.addf %mul3A, %mul3A_25 : vector<2000x128xf32>
    %swap3A = arith.constant 0 : index
    %swap3A_27 = arith.constant 0 : index
    %swap3A_28 = vector.load %arg7[%swap3A, %swap3A_27] : memref<2000x128xf32, #tpu.memory_space<vmem>>, vector<2000x128xf32>
    tpu.vector_store %arg7[%swap3A, %swap3A_27], %add3A_26 {strides = array<i32>} : memref<2000x128xf32, #tpu.memory_space<vmem>>, vector<2000x128xf32>,
    return
  }
  func.func @transform_0(%arg0: i32) -> (i32, i32) {
    %c0_i32 = arith.constant 0 : i32
    %c0_i32_0 = arith.constant 0 : i32
    return %arg0, %c0_i32 : i32, i32
  }
  func.func @transform_1(%arg0: i32) -> (i32, i32) {
    %c0_i32 = arith.constant 0 : i32
    %c0_i32_0 = arith.constant 0 : i32
    return %arg0, %c0_i32 : i32, i32
  }
  func.func @transform_2(%arg0: i32) -> (i32, i32) {
    %c0_i32 = arith.constant 0 : i32
    %c0_i32_0 = arith.constant 0 : i32
    return %arg0, %c0_i32 : i32, i32
  }
  func.func @transform_3(%arg0: i32) -> (i32, i32) {
    %c0_i32 = arith.constant 0 : i32
    %c0_i32_0 = arith.constant 0 : i32
    return %arg0, %c0_i32 : i32, i32
  }
  func.func @transform_4(%arg0: i32) -> (i32, i32) {
    %c0_i32 = arith.constant 0 : i32
    %c0_i32_0 = arith.constant 0 : i32
    return %arg0, %c0_i32 : i32, i32
  }
  func.func @transform_5(%arg0: i32) -> (i32, i32) {
    %c0_i32 = arith.constant 0 : i32
    %c0_i32_0 = arith.constant 0 : i32
    %c0_i32_1 = arith.constant 0 : i32
    return %c0_i32, %c0_i32_0 : i32, i32
  }
  func.func @transform_6(%arg0: i32) -> (i32, i32) {
    %c0_i32 = arith.constant 0 : i32
    %c0_i32_0 = arith.constant 0 : i32
    return %arg0, %c0_i32 : i32, i32
  }
}

</mosaic_0001>

<sc_bundles>
// kernel: kernel.10.cloned.1.call-start
scs
__scs_entry_jumppad:
0x0: {  	(pc) =	sbr.rel $0x88, $3  }
0x1: {  	(tag) =	ssettag $0x0;
	lr =	simm.s32 $0x1  }
0x2: {  	[smem:$0x3F94] =	sst lr;
	_ =	strace $0xD0000000  }
0x3: {  	_ = 	snop  }
0x4: {  	_ = 	snop  }
0x5: {  	_ = 	snop  }
0x6: {  	_ = 	snop  }
0x7: {  	_ = 	snop  }
__scs_overlays_trampoline_lowered:
0x8: {  	[smem:$0x3FA3] =	sst s0  }
0x9: {  	[smem:$0x3FA4] =	sst s1  }
0xa: {  	[smem:$0x3FA5] =	sst s2  }
0xb: {  	[smem:$0x3FA6] =	sst s3  }
0xc: {  	[smem:$0x3FA7] =	sst s4  }
0xd: {  	[smem:$0x3FA8] =	sst s5  }
0xe: {  	[smem:$0x3FA9] =	sst s6  }
0xf: {  	[smem:$0x3FAA] =	sst s7  }
0x10: {  	[smem:$0x3FAB] =	sst s8  }
0x11: {  	[smem:$0x3FAC] =	sst s9;
	s0 =	simm.s32 @!p0 $0x0  }
0x12: {  	s1 =	sld [smem:$0x3F92];
	s0 =	simm.s32 @p0 $0x1  }
0x13: {  	[smem:$0x3FAD] =	sst s0;
	s0 =	simm.s32 @!p1 $0x0  }
0x14: {  	s2 =	sld [smem:$0x3F91];
	s0 =	simm.s32 @p1 $0x1  }
0x15: {  	[smem:$0x3FAE] =	sst s0;
	s0 =	simm.s32 @!p2 $0x0  }
0x16: {  	s3 =	sld [smem:$0x3FDB];
	s0 =	simm.s32 @p2 $0x1  }
0x17: {  	s4 =	simm.s32 $0x1BF5;
	[smem:$0x3FB0] =	sst s0  }
0x18: {  	s0 =	sld [smem:$0x3F93];
	_ =	swait.ge [sflag:s4], $0x0  }
0x19: {  	s7 =	sld [smem:$0x3F94]  }
0x1a: {  	s8 =	sadd.s32 $0xFFFFE003, lr  }
0x1b: {  	s9 =	sadd.s32 $0xFFFFFEF7, lr;
	s5 =	simm.s32 $0xFFFFFFFF;
	p2 =	slt.u32 s8, $0xFFFFF086  }
0x1c: {  	p1 =	slt.u32 s9, $0xF7A;
	s5 =	simm.s32 @!p2 $0x0  }
0x1d: {  	s5 =	simm.s32 @p1 $0x1;
	p0 =	seq.s32 s7, s2  }
0x1e: {  	s7 =	smul.u32 @!p0 $0xF7A, s2;
	p2 =	seq.s32 @!p0 s5, $0x0  }
0x1f: {  	s9 =	smul.u32 $0xF7A, s1;
	s8 =	simm.s32 @!p0 $0x1BF5;
	p2 =	por !p2, p0  }
0x20: {  	[sflag:s8] =	ssyncset.s32 @!p0 $0xFFFFF086;
	s6 =	sadd.s32 @!p0 s3, s7;
	s7 =	simm.s32 @!p0 $0x108  }
0x21: {  	s3 =	sadd.s32 s3, s9;
	s6 =	sadd.s32 @!p0 $0x88, s6;
	s7 =	simm.s32 @p2 $0x1082  }
0x22: {  	[simem:s7], [sflag:s8] =	dma.local @!p0 [hbm:s6], $0xF7A  }
0x23: {  	s9 =	sor.u32 $0xD0000000, s2;
	s6 =	simm.s32 $0x108;
	_ =	swait.ge @!p0 [sflag:s8], $0x0  }
0x24: {  	s3 =	sadd.s32 $0x88, s3;
	s6 =	simm.s32 @!p1 $0x1082;
	[sflag:s4] =	ssyncset.s32 $0xFFFFF086  }
0x25: {  	[simem:s6], [sflag:s4] =	dma.local [hbm:s3], $0xF7A  }
0x26: {  	[smem:$0x3F94] =	sst s1;
	(tag) =	ssettag s2;
	_ =	strace s9  }
0x27: {  	s1 =	sld [smem:$0x3FA4]  }
0x28: {  	s2 =	sld [smem:$0x3FA5]  }
0x29: {  	s4 =	sld [smem:$0x3FA7]  }
0x2a: {  	p0 =	seq.s32 s5, $0x0;
	s5 =	sld [smem:$0x3FA8]  }
0x2b: {  	s6 =	sld [smem:$0x3FA9]  }
0x2c: {  	s7 =	sld [smem:$0x3FAA]  }
0x2d: {  	s3 =	simm.s32 $0x108;
	s8 =	sld [smem:$0x3FAB]  }
0x2e: {  	s3 =	simm.s32 @!p0 $0x1082;
	s9 =	sld [smem:$0x3FAC]  }
0x2f: {  	lr =	sadd.s32 s0, s3;
	s0 =	sld [smem:$0x3FA3]  }
0x30: {  	s3 =	sld [smem:$0x3FA6]  }
0x31: {  	[smem:$0x3FAF] =	sst s10  }
0x32: {  	s10 =	sld [smem:$0x3FAD];
	_ =	sdelay $0x3  }
0x33: {  	p0 =	seq.s32 s10, $0x1;
	s10 =	sld [smem:$0x3FAF];
	_ =	sdelay $0x3  }
0x34: {  	[smem:$0x3FAF] =	sst s10  }
0x35: {  	s10 =	sld [smem:$0x3FAE];
	_ =	sdelay $0x3  }
0x36: {  	p1 =	seq.s32 s10, $0x1;
	s10 =	sld [smem:$0x3FAF];
	_ =	sdelay $0x3  }
0x37: {  	[smem:$0x3FAF] =	sst s10  }
0x38: {  	s10 =	sld [smem:$0x3FB0]  }
0x39: {  	_ = 	snop;
	(pc) =	sbr.ind lr, $3  }
0x3a: {  	_ = 	snop  }
0x3b: {  	_ = 	snop  }
0x3c: {  	p2 =	seq.s32 s10, $0x1;
	s10 =	sld [smem:$0x3FAF]  }
0x3d: {  	_ =	shalt  }
0x3e: {  	_ =	shalt  }
0x3f: {  	_ =	shalt  }
0x40: {  	_ =	shalt  }
0x41: {  	_ =	shalt  }
0x42: {  	_ =	shalt  }
0x43: {  	_ =	shalt  }
0x44: {  	_ =	shalt  }
0x45: {  	_ =	shalt  }
0x46: {  	_ =	shalt  }
0x47: {  	_ =	shalt  }
0x48: {  	_ =	shalt  }
0x49: {  	_ =	shalt  }
0x4a: {  	_ =	shalt  }
0x4b: {  	_ =	shalt  }
0x4c: {  	_ =	shalt  }
0x4d: {  	_ =	shalt  }
0x4e: {  	_ =	shalt  }
0x4f: {  	_ =	shalt  }
0x50: {  	_ =	shalt  }
0x51: {  	_ =	shalt  }
0x52: {  	_ =	shalt  }
0x53: {  	_ =	shalt  }
0x54: {  	_ =	shalt  }
0x55: {  	_ =	shalt  }
0x56: {  	_ =	shalt  }
0x57: {  	_ =	shalt  }
0x58: {  	_ =	shalt  }
0x59: {  	_ =	shalt  }
0x5a: {  	_ =	shalt  }
0x5b: {  	_ =	shalt  }
0x5c: {  	_ =	shalt  }
0x5d: {  	_ =	shalt  }
0x5e: {  	_ =	shalt  }
0x5f: {  	_ =	shalt  }
0x60: {  	_ =	shalt  }
0x61: {  	_ =	shalt  }
0x62: {  	_ =	shalt  }
0x63: {  	_ =	shalt  }
0x64: {  	_ =	shalt  }
0x65: {  	_ =	shalt  }
0x66: {  	_ =	shalt  }
0x67: {  	_ =	shalt  }
0x68: {  	_ =	shalt  }
0x69: {  	_ =	shalt  }
0x6a: {  	_ =	shalt  }
0x6b: {  	_ =	shalt  }
0x6c: {  	_ =	shalt  }
0x6d: {  	_ =	shalt  }
0x6e: {  	_ =	shalt  }
0x6f: {  	_ =	shalt  }
0x70: {  	_ =	shalt  }
0x71: {  	_ =	shalt  }
0x72: {  	_ =	shalt  }
0x73: {  	_ =	shalt  }
0x74: {  	_ =	shalt  }
0x75: {  	_ =	shalt  }
0x76: {  	_ =	shalt  }
0x77: {  	_ =	shalt  }
0x78: {  	_ =	shalt  }
0x79: {  	_ =	shalt  }
0x7a: {  	_ =	shalt  }
0x7b: {  	_ =	shalt  }
0x7c: {  	_ =	shalt  }
0x7d: {  	_ =	shalt  }
0x7e: {  	_ =	shalt  }
0x7f: {  	_ =	shalt  }
0x80: {  	_ =	shalt  }
0x81: {  	_ =	shalt  }
0x82: {  	_ =	shalt  }
0x83: {  	_ =	shalt  }
0x84: {  	_ =	shalt  }
0x85: {  	_ =	shalt  }
0x86: {  	_ =	shalt  }
0x87: {  	_ =	shalt  }
.Lfunc_end0:
.L_simem_size_0:
called_computation.1_lowered:
.L_overlay_start_0:
0x88: {  	s2 =	sld [smem:$0x3FD9]  }
0x89: {  	s3 =	sld [smem:$0x3FFE];
	_ =	sdelay $0x1  }
0x8a: {  	s1 =	srdreg.scid  }
0x8b: {  	s0 =	sand.u32 $0x1, s1  }
0x8c: {  	s14 =	sshll.u32 s0, $0xA;
	s2 =	sadd.s32 s3, s2  }
0x8d: {  	s2 =	sadd.s32 s2, s14  }
0x8e: {  	[smem:$0x3FBB] =	sst s2  }
0x8f: {  	_ = 	snop  }
0x90: {  	s2 =	sld [smem:$0x3FD0];
	_ =	sdelay $0x2  }
0x91: {  	s15 =	simm.s32 $0xA;
	s4 =	simm.s32 $0x10  }
0x92: {  	[smem:s4], [sflag:s15] =	dma.local [hbm:s2], $0x1  }
0x93: {  	_ =	swait.eq [sflag:s15], $0x1  }
0x94: {  	[sflag:s15] =	ssyncset.done $0x0  }
0x95: {  	[sflag:s15] =	ssyncadd.s32 $0xFFFFFFFF  }
0x96: {  	s16 =	sld [smem:$0x11];
	(tm) =	ssettm $0x1  }
0x97: {  	s17 =	sld [smem:$0x3FFB];
	_ =	sdelay $0x3  }
0x98: {  	_ =	strace s17  }
0x99: {  	s3 =	sld [smem:$0x3FFC];
	_ =	sdelay $0x3  }
0x9a: {  	_ =	strace s3  }
0x9b: {  	s3 =	sld [smem:$0x3FFD];
	_ =	sdelay $0x3  }
0x9c: {  	_ =	strace s3  }
0x9d: {  	_ =	strace $0x8FFFFFFF  }
0x9e: {  	s18 =	sld [smem:$0x3FDB];
	_ =	sdelay $0x1  }
0x9f: {  	s19 =	simm.s32 $_scs_section_size  }
0xa0: {  	s5 =	simm.s32 $_size__tile_overlayer_lowered;
	s6 =	simm.s32 $_tile_overlayer_lowered  }
0xa1: {  	s22 =	simm.s32 $0x1BFF;
	s21 =	sshll.u32 s6, $0x1;
	s3 =	sadd.s32 s19, s18  }
0xa2: {  	s7 =	simm.s32 $0x0;
	s20 =	sshll.u32 s5, $0x1;
	s5 =	sadd.s32 s21, s3  }
0xa3: {  	[timem:s7], [sflag:s22] =	dma.local [hbm:s5], s20  }
0xa4: {  	_ =	swait.ge [sflag:s22], s20  }
0xa5: {  	s4 =	ssub.s32 $0x0, s20;
	[sflag:s22] =	ssyncset.done $0x0  }
0xa6: {  	[sflag:s22] =	ssyncadd.s32 s4;
	_ =	sdelay $0x1  }
0xa7: {  	s23 =	simm.s32 $0x1B8B  }
0xa8: {  	_ =	swait.ge [sflag:s23], $0x1  }
0xa9: {  	[sflag:s23] =	ssyncset.done $0x0  }
0xaa: {  	s25 =	simm.s32 $0x1B8E;
	s24 =	sld [smem:$0x3FFE];
	[sflag:s23] =	ssyncadd.s32 $0xFFFFFFFF  }
0xab: {  	s26 =	simm.s32 $execute0_lowered;
	[smem:$0x3FD2] =	sst s25  }
0xac: {  	s5 =	sshll.u32 s26, $0x1;
	_ =	strace $0x80000049;
	[dreg:$0x1] =	wrdreg $0xFFFFFFFF  }
0xad: {  	s28 =	simm.s32 $_size_execute0_lowered;
	s3 =	sadd.s32 s3, s5;
	[dreg:$0x0] =	wrdreg $0x0  }
0xae: {  	s5 =	sshll.u32 s28, $0x1;
	[dreg:$0x2] =	wrdreg s3  }
0xaf: {  	[dreg:$0x3] =	wrdreg s5  }
0xb0: {  	[dreg:$0x4] =	wrdreg $0xC0  }
0xb1: {  	_ =	task [dreg:s7], $0x5FFFF  }
0xb2: {  	[dreg:$0x1] =	wrdreg $0xFFFFFFFF  }
0xb3: {  	[dreg:$0x0] =	wrdreg $0x60  }
0xb4: {  	[dreg:$0x2] =	wrdreg s24  }
0xb5: {  	[dreg:$0x3] =	wrdreg s16  }
0xb6: {  	[dreg:$0x4] =	wrdreg $0x79000  }
0xb7: {  	[dreg:$0x5] =	wrdreg $0x9  }
0xb8: {  	_ =	task.clear_ibuf [dreg:s7], $0x6FFFF;
	_ =	strace $0x90000049  }
0xb9: {  	s29 =	simm.s32 $0x9;
	_ =	strace $0x8000004B  }
0xba: {  	_ =	swait.ge [sflag:s29], $0x1  }
0xbb: {  	[sflag:s29] =	ssyncadd.s32 $0xFFFFFFFF  }
0xbc: {  	_ =	strace $0x9000004B  }
0xbd: {  	_ =	sfence  }
0xbe: {  	s30 =	sld [smem:$0x0];
	_ =	sdelay $0x2  }
0xbf: {  	s31 =	sshll.u32 s1, $0xD;
	s1 =	sshrl.u32 s1, $0x2  }
0xc0: {  	s3 =	sand.u32 $0x4000, s31;
	s1 =	sadd.s32 s1, s30  }
0xc1: {  	s0 =	sor.u32 s3, s0;
	s1 =	sshll.u32 s1, $0x11  }
0xc2: {  	s0 =	sor.u32 s1, s0  }
0xc3: {  	s0 =	sadd.s32 $0x8F2B, s0  }
0xc4: {  	[sflag:s0] =	ssyncadd.remote.s32 $0x1  }
0xc5: {  	_ =	sfence.sel $0xFFFF  }
0xc6: {  	[dreg:$0x0] =	wrdreg $0xFFFFFFFF;
	(pc) =	sbr.abs _section_cstart, $3  }
0xc7: {  	[dreg:$0x1] =	wrdreg $0xFFFFFFFF  }
0xc8: {  	_ =	task.clear_ibuf [dreg:s7], $0x2FFFF;
	_ =	strace $0x9FFFFFFF  }
0xc9: {  	(tm) =	ssettm $0x7FFFFFFF  }
tec
execute0_lowered:
.L_overlay_start_1:
0x0: {  	(tag) =	ssettag $0x1  }
0x1: {  	s0 =	rddreg [dreg:$0x0]  }
0x2: {  	s1 =	rddreg [dreg:$0x1]  }
0x3: {  	s2 =	rddreg [dreg:$0x2]  }
0x4: {  	s4 =	srdreg.scid;
	s17 =	stileid.u32  }
0x5: {  	s4 =	sand.u32 $0x1, s4;
	s5 =	sadd.s32 $0xB800, s0;
	s12 =	smul.u32 $0x1F400, s17  }
0x6: {  	s3 =	simm.s32 $0x0;
	s7 =	sadd.s32 $0xA00800, s0;
	s11 =	smul.u32 $0x138800, s4  }
0x7: {  	s6 =	sadd.s32 $0x1A00, s0;
	s8 =	sadd.s32 $0xA27A00, s0;
	s14 =	smul.u32 $0x7D000, s17  }
0x8: {  	s9 =	sadd.s32 $0xA4EC00, s0;
	s10 =	sadd.s32 $0x15600, s0;
	s12 =	sadd.s32 s12, s11  }
0x9: {  	s14 =	sshrl.u32 s14, $0x2;
	s11 =	sadd.s32 $0x4F7600, s0;
	s13 =	sshrl.u32 s12, $0x3  }
0xa: {  	s12 =	sadd.s32 $0xA9D000, s0;
	s0 =	sadd.s32 s13, s0;
	s13 =	sadd.s32 s14, s2  }
0xb: {  	[smem:$0x7FF] =	sst s3;
	s14 =	sadd.s32 $0x1400, s13  }
0xc: {  	_ =	strace $0x8000004A;
	s24 =	sadd.s32 $0x2800, s13;
	[dreg:$0x4] =	wrdreg s14  }
0xd: {  	s16 =	sshll.u32 s17, $0x1;
	s25 =	sadd.s32 $0x3C00, s13;
	[dreg:$0x5] =	wrdreg s24  }
0xe: {  	s23 =	ssub.s32 $0x2, s4;
	s26 =	sadd.s32 $0x5000, s13;
	[dreg:$0x6] =	wrdreg s25  }
0xf: {  	s4 =	sor.u32 s4, s16;
	s16 =	sadd.s32 $0x6400, s13;
	[dreg:$0x7] =	wrdreg s26  }
0x10: {  	s18 =	sadd.s32 $0x7800, s13;
	[dreg:$0x8] =	wrdreg s16  }
0x11: {  	s19 =	sadd.s32 $0x8C00, s13;
	[dreg:$0x9] =	wrdreg s18  }
0x12: {  	s20 =	sadd.s32 $0xA000, s13;
	[dreg:$0xa] =	wrdreg s19  }
0x13: {  	s21 =	sadd.s32 $0xB400, s13;
	[dreg:$0xb] =	wrdreg s20  }
0x14: {  	s15 =	sshrl.u32 s23, $0x1;
	s0 =	sadd.s32 $0xFCD200, s0;
	[dreg:$0xc] =	wrdreg s21  }
0x15: {  	s15 =	ssub.s32 s23, s15;
	s22 =	sadd.s32 $0xC800, s13;
	[dreg:$0xd] =	wrdreg s0  }
0x16: {  	s23 =	smul.u32 $0x2710, s4;
	s4 =	sadd.s32 $0x10400, s13;
	[dreg:$0xe] =	wrdreg s22  }
0x17: {  	p0 =	sgt.u32 s17, $0x9;
	s17 =	sadd.s32 $0x15400, s13;
	[dreg:$0x11] =	wrdreg s4  }
0x18: {  	s24 =	sadd.s32 $0xDC00, s13;
	[dreg:$0x15] =	wrdreg s17  }
0x19: {  	s26 =	sadd.s32 $0xF000, s13;
	[dreg:$0xf] =	wrdreg s24  }
0x1a: {  	s14 =	sadd.s32 $0x11800, s13;
	[dreg:$0x10] =	wrdreg s26  }
0x1b: {  	s25 =	smax.u32 s15, $0x1;
	s15 =	sadd.s32 $0x12C00, s13;
	[dreg:$0x12] =	wrdreg s14  }
0x1c: {  	s16 =	sadd.s32 $0x14000, s13;
	[dreg:$0x13] =	wrdreg s15  }
0x1d: {  	s18 =	sadd.s32 $0x16800, s13;
	[dreg:$0x14] =	wrdreg s16  }
0x1e: {  	s28 =	simm.s32 $0x2;
	s19 =	sadd.s32 $0x17C00, s13;
	[dreg:$0x16] =	wrdreg s18  }
0x1f: {  	s29 =	simm.s32 $0x80;
	s20 =	sadd.s32 $0x19000, s13;
	[dreg:$0x17] =	wrdreg s19  }
0x20: {  	s30 =	simm.s32 $0x28;
	s21 =	sadd.s32 $0x1A400, s13;
	[dreg:$0x18] =	wrdreg s20  }
0x21: {  	s31 =	simm.s32 $0x100;
	s22 =	sadd.s32 $0x1B800, s13;
	[dreg:$0x19] =	wrdreg s21  }
0x22: {  	s0 =	simm.s32 $0x1500;
	s17 =	simm.s32 $0x1;
	[dreg:$0x1a] =	wrdreg s22  }
0x23: {  	s24 =	sadd.s32 $0x1CC00, s13;
	s26 =	sadd.s32 $0x1E000, s13;
	s14 =	simm.s32 $0x3D00  }
0x24: {  	s15 =	simm.s32 $0x5100;
	s16 =	simm.s32 $0x6500;
	[dreg:$0x1b] =	wrdreg s24  }
0x25: {  	v0 =	vimm.f32 $0.0e+00;
	s18 =	simm.s32 $0x0;
	[dreg:$0x1c] =	wrdreg s26;
	s26 =	simm.s32 $0x2900  }
.LBB2_1:
.Ltmp0:
0x26: {  	(pc) =	sbr.rel @p0 .LBB2_5-.Ltmp0, $1  }
0x27: {  	_ =	sdelay $0x3  }
0x28: {  	s4 =	sshra.s32 s3, $0x2;
	s19 =	sadd.s32 $0x200, s3  }
.LBB2_3:
0x29: {  	p1 =	sne.s32 s19, $0x4E00;
	[tilespmem:s4+$0x2970] =	vst v0  }
0x2a: {  	[tilespmem:s4+$0x2900] =	vst v0  }
0x2b: {  	[tilespmem:s4+$0x2910] =	vst v0  }
.Ltmp1:
0x2c: {  	[tilespmem:s4+$0x2920] =	vst v0;
	(pc) =	sbr.rel @p1 .LBB2_3-.Ltmp1, $4  }
0x2d: {  	[tilespmem:s4+$0x2930] =	vst v0  }
0x2e: {  	[tilespmem:s4+$0x2940] =	vst v0  }
0x2f: {  	[tilespmem:s4+$0x2950] =	vst v0  }
0x30: {  	[tilespmem:s4+$0x2960] =	vst v0;
	s4 =	sshra.s32 s19, $0x2;
	s19 =	sadd.s32 $0x200, s19  }
0x31: {  	[tilespmem:s4+$0x2970] =	vst v0  }
0x32: {  	[tilespmem:s4+$0x2900] =	vst v0  }
0x33: {  	[tilespmem:s4+$0x2910] =	vst v0  }
0x34: {  	[tilespmem:s4+$0x2920] =	vst v0  }
0x35: {  	[tilespmem:s4+$0x2930] =	vst v0  }
0x36: {  	[tilespmem:s4+$0x2940] =	vst v0  }
0x37: {  	[tilespmem:s4+$0x2950] =	vst v0  }
0x38: {  	[tilespmem:s4+$0x2960] =	vst v0  }
0x39: {  	[spmem:s13] =	stream.linear.scatter [tilespmem:s26], [sflag:$0x2], $0x1400, $0x38;
	[tilespmem:$0x1B180] =	vst v63  }
0x3a: {  	_ =	swait.ge [sflag:s28], $0x1400  }
0x3b: {  	[sflag:s28] =	ssyncset.done $0x0  }
0x3c: {  	s20 =	rddreg [dreg:$0x4];
	[sflag:s28] =	ssyncadd.s32 $0xFFFFEC00  }
0x3d: {  	[spmem:s20] =	stream.linear.scatter [tilespmem:s26], [sflag:$0x2], $0x1400, $0x38;
	[tilespmem:$0x1B180] =	vst v63  }
0x3e: {  	_ =	swait.ge [sflag:s28], $0x1400  }
0x3f: {  	[sflag:s28] =	ssyncset.done $0x0  }
0x40: {  	s21 =	rddreg [dreg:$0x5];
	[sflag:s28] =	ssyncadd.s32 $0xFFFFEC00  }
0x41: {  	[spmem:s21] =	stream.linear.scatter [tilespmem:s26], [sflag:$0x2], $0x1400, $0x38;
	[tilespmem:$0x1B180] =	vst v63  }
0x42: {  	_ =	swait.ge [sflag:s28], $0x1400  }
0x43: {  	[sflag:s28] =	ssyncset.done $0x0  }
0x44: {  	s22 =	rddreg [dreg:$0x6];
	[sflag:s28] =	ssyncadd.s32 $0xFFFFEC00  }
0x45: {  	[spmem:s22] =	stream.linear.scatter [tilespmem:s26], [sflag:$0x2], $0x1400, $0x38;
	[tilespmem:$0x1B180] =	vst v63  }
0x46: {  	_ =	swait.ge [sflag:s28], $0x1400  }
0x47: {  	[sflag:s28] =	ssyncset.done $0x0  }
0x48: {  	s24 =	rddreg [dreg:$0x7];
	[sflag:s28] =	ssyncadd.s32 $0xFFFFEC00  }
0x49: {  	[spmem:s24] =	stream.linear.scatter [tilespmem:s26], [sflag:$0x2], $0x1400, $0x38;
	[tilespmem:$0x1B180] =	vst v63  }
0x4a: {  	_ =	swait.ge [sflag:s28], $0x1400  }
0x4b: {  	[sflag:s28] =	ssyncset.done $0x0  }
0x4c: {  	s19 =	rddreg [dreg:$0x8];
	[sflag:s28] =	ssyncadd.s32 $0xFFFFEC00  }
0x4d: {  	[spmem:s19] =	stream.linear.scatter [tilespmem:s26], [sflag:$0x2], $0x1400, $0x38;
	[tilespmem:$0x1B180] =	vst v63  }
0x4e: {  	_ =	swait.ge [sflag:s28], $0x1400  }
0x4f: {  	[sflag:s28] =	ssyncset.done $0x0  }
0x50: {  	s20 =	rddreg [dreg:$0x9];
	[sflag:s28] =	ssyncadd.s32 $0xFFFFEC00  }
0x51: {  	[spmem:s20] =	stream.linear.scatter [tilespmem:s26], [sflag:$0x2], $0x1400, $0x38;
	[tilespmem:$0x1B180] =	vst v63  }
0x52: {  	_ =	swait.ge [sflag:s28], $0x1400  }
0x53: {  	[sflag:s28] =	ssyncset.done $0x0  }
0x54: {  	s21 =	rddreg [dreg:$0xa];
	[sflag:s28] =	ssyncadd.s32 $0xFFFFEC00  }
0x55: {  	[spmem:s21] =	stream.linear.scatter [tilespmem:s26], [sflag:$0x2], $0x1400, $0x38;
	[tilespmem:$0x1B180] =	vst v63  }
0x56: {  	_ =	swait.ge [sflag:s28], $0x1400  }
0x57: {  	[sflag:s28] =	ssyncset.done $0x0  }
0x58: {  	s22 =	rddreg [dreg:$0xb];
	[sflag:s28] =	ssyncadd.s32 $0xFFFFEC00  }
0x59: {  	[spmem:s22] =	stream.linear.scatter [tilespmem:s26], [sflag:$0x2], $0x1400, $0x38;
	[tilespmem:$0x1B180] =	vst v63  }
0x5a: {  	_ =	swait.ge [sflag:s28], $0x1400  }
0x5b: {  	[sflag:s28] =	ssyncset.done $0x0  }
0x5c: {  	s24 =	rddreg [dreg:$0xc];
	[sflag:s28] =	ssyncadd.s32 $0xFFFFEC00  }
0x5d: {  	[spmem:s24] =	stream.linear.scatter [tilespmem:s26], [sflag:$0x2], $0x1400, $0x38;
	[tilespmem:$0x1B180] =	vst v63  }
0x5e: {  	_ =	swait.ge [sflag:s28], $0x1400  }
0x5f: {  	[sflag:s28] =	ssyncset.done $0x0  }
0x60: {  	s19 =	rddreg [dreg:$0xe];
	[sflag:s28] =	ssyncadd.s32 $0xFFFFEC00  }
0x61: {  	[spmem:s19] =	stream.linear.scatter [tilespmem:s26], [sflag:$0x2], $0x1400, $0x38;
	[tilespmem:$0x1B180] =	vst v63  }
0x62: {  	_ =	swait.ge [sflag:s28], $0x1400  }
0x63: {  	[sflag:s28] =	ssyncset.done $0x0  }
0x64: {  	s20 =	rddreg [dreg:$0xf];
	[sflag:s28] =	ssyncadd.s32 $0xFFFFEC00  }
0x65: {  	[spmem:s20] =	stream.linear.scatter [tilespmem:s26], [sflag:$0x2], $0x1400, $0x38;
	[tilespmem:$0x1B180] =	vst v63  }
0x66: {  	_ =	swait.ge [sflag:s28], $0x1400  }
0x67: {  	[sflag:s28] =	ssyncset.done $0x0  }
0x68: {  	s21 =	rddreg [dreg:$0x10];
	[sflag:s28] =	ssyncadd.s32 $0xFFFFEC00  }
0x69: {  	[spmem:s21] =	stream.linear.scatter [tilespmem:s26], [sflag:$0x2], $0x1400, $0x38;
	[tilespmem:$0x1B180] =	vst v63  }
0x6a: {  	_ =	swait.ge [sflag:s28], $0x1400  }
0x6b: {  	[sflag:s28] =	ssyncset.done $0x0  }
0x6c: {  	s22 =	rddreg [dreg:$0x11];
	[sflag:s28] =	ssyncadd.s32 $0xFFFFEC00  }
0x6d: {  	[spmem:s22] =	stream.linear.scatter [tilespmem:s26], [sflag:$0x2], $0x1400, $0x38;
	[tilespmem:$0x1B180] =	vst v63  }
0x6e: {  	_ =	swait.ge [sflag:s28], $0x1400  }
0x6f: {  	[sflag:s28] =	ssyncset.done $0x0  }
0x70: {  	s24 =	rddreg [dreg:$0x12];
	[sflag:s28] =	ssyncadd.s32 $0xFFFFEC00  }
0x71: {  	[spmem:s24] =	stream.linear.scatter [tilespmem:s26], [sflag:$0x2], $0x1400, $0x38;
	[tilespmem:$0x1B180] =	vst v63  }
0x72: {  	_ =	swait.ge [sflag:s28], $0x1400  }
0x73: {  	[sflag:s28] =	ssyncset.done $0x0  }
0x74: {  	s19 =	rddreg [dreg:$0x13];
	[sflag:s28] =	ssyncadd.s32 $0xFFFFEC00  }
0x75: {  	[spmem:s19] =	stream.linear.scatter [tilespmem:s26], [sflag:$0x2], $0x1400, $0x38;
	[tilespmem:$0x1B180] =	vst v63  }
0x76: {  	_ =	swait.ge [sflag:s28], $0x1400  }
0x77: {  	[sflag:s28] =	ssyncset.done $0x0  }
0x78: {  	s20 =	rddreg [dreg:$0x14];
	[sflag:s28] =	ssyncadd.s32 $0xFFFFEC00  }
0x79: {  	[spmem:s20] =	stream.linear.scatter [tilespmem:s26], [sflag:$0x2], $0x1400, $0x38;
	[tilespmem:$0x1B180] =	vst v63  }
0x7a: {  	_ =	swait.ge [sflag:s28], $0x1400  }
0x7b: {  	[sflag:s28] =	ssyncset.done $0x0  }
0x7c: {  	s21 =	rddreg [dreg:$0x15];
	[sflag:s28] =	ssyncadd.s32 $0xFFFFEC00  }
0x7d: {  	[spmem:s21] =	stream.linear.scatter [tilespmem:s26], [sflag:$0x2], $0x1400, $0x38;
	[tilespmem:$0x1B180] =	vst v63  }
0x7e: {  	_ =	swait.ge [sflag:s28], $0x1400  }
0x7f: {  	[sflag:s28] =	ssyncset.done $0x0  }
0x80: {  	s22 =	rddreg [dreg:$0x16];
	[sflag:s28] =	ssyncadd.s32 $0xFFFFEC00  }
0x81: {  	[spmem:s22] =	stream.linear.scatter [tilespmem:s26], [sflag:$0x2], $0x1400, $0x38;
	[tilespmem:$0x1B180] =	vst v63  }
0x82: {  	_ =	swait.ge [sflag:s28], $0x1400  }
0x83: {  	[sflag:s28] =	ssyncset.done $0x0  }
0x84: {  	s24 =	rddreg [dreg:$0x17];
	[sflag:s28] =	ssyncadd.s32 $0xFFFFEC00  }
0x85: {  	[spmem:s24] =	stream.linear.scatter [tilespmem:s26], [sflag:$0x2], $0x1400, $0x38;
	[tilespmem:$0x1B180] =	vst v63  }
0x86: {  	_ =	swait.ge [sflag:s28], $0x1400  }
0x87: {  	[sflag:s28] =	ssyncset.done $0x0  }
0x88: {  	s19 =	rddreg [dreg:$0x18];
	[sflag:s28] =	ssyncadd.s32 $0xFFFFEC00  }
0x89: {  	[spmem:s19] =	stream.linear.scatter [tilespmem:s26], [sflag:$0x2], $0x1400, $0x38;
	[tilespmem:$0x1B180] =	vst v63  }
0x8a: {  	_ =	swait.ge [sflag:s28], $0x1400  }
0x8b: {  	[sflag:s28] =	ssyncset.done $0x0  }
0x8c: {  	s20 =	rddreg [dreg:$0x19];
	[sflag:s28] =	ssyncadd.s32 $0xFFFFEC00  }
0x8d: {  	[spmem:s20] =	stream.linear.scatter [tilespmem:s26], [sflag:$0x2], $0x1400, $0x38;
	[tilespmem:$0x1B180] =	vst v63  }
0x8e: {  	_ =	swait.ge [sflag:s28], $0x1400  }
0x8f: {  	[sflag:s28] =	ssyncset.done $0x0  }
0x90: {  	s21 =	rddreg [dreg:$0x1a];
	[sflag:s28] =	ssyncadd.s32 $0xFFFFEC00  }
0x91: {  	[spmem:s21] =	stream.linear.scatter [tilespmem:s26], [sflag:$0x2], $0x1400, $0x38;
	[tilespmem:$0x1B180] =	vst v63  }
0x92: {  	_ =	swait.ge [sflag:s28], $0x1400  }
0x93: {  	[sflag:s28] =	ssyncset.done $0x0  }
0x94: {  	s22 =	rddreg [dreg:$0x1b];
	[sflag:s28] =	ssyncadd.s32 $0xFFFFEC00  }
0x95: {  	[spmem:s22] =	stream.linear.scatter [tilespmem:s26], [sflag:$0x2], $0x1400, $0x38;
	[tilespmem:$0x1B180] =	vst v63  }
0x96: {  	_ =	swait.ge [sflag:s28], $0x1400  }
0x97: {  	[sflag:s28] =	ssyncset.done $0x0  }
0x98: {  	s24 =	rddreg [dreg:$0x1c];
	[sflag:s28] =	ssyncadd.s32 $0xFFFFEC00  }
0x99: {  	[spmem:s24] =	stream.linear.scatter [tilespmem:s26], [sflag:$0x2], $0x1400, $0x38;
	[tilespmem:$0x1B180] =	vst v63  }
0x9a: {  	_ =	swait.ge [sflag:s28], $0x1400  }
0x9b: {  	[sflag:s28] =	ssyncset.done $0x0  }
0x9c: {  	[sflag:s28] =	ssyncadd.s32 $0xFFFFEC00  }
.LBB2_5:
0x9d: {  	[bflag:$0x0] =	sbarrier.arrive $0xFFFF;
	s19 =	simm.s32 $0x0;
	s20 =	simm.s32 $0x0  }
.LBB2_6:
0x9e: {  	s4 =	smul.u32 $0x28, s20;
	_ =	sdelay $0x1  }
0x9f: {  	s4 =	sadd.s32 s23, s4  }
0xa0: {  	s21 =	sshrl.u32 s4, $0x3  }
0xa1: {  	s22 =	sadd.s32 s5, s21  }
0xa2: {  	[tilespmem:s19], [sflag:$0x2] =	stream.linear.gather [hbm4b:s22+s19], $0x28, $0x38;
	[tilespmem:$0x1B180] =	vst v63  }
0xa3: {  	_ =	swait.ge [sflag:s28], $0x28  }
0xa4: {  	[sflag:s28] =	ssyncset.done $0x0  }
0xa5: {  	s21 =	sadd.s32 s6, s21;
	[sflag:s28] =	ssyncadd.s32 $0xFFFFFFD8  }
0xa6: {  	[tilespmem:s29], [sflag:$0x2] =	stream.linear.gather [hbm4b:s21+s19], $0x28, $0x38;
	[tilespmem:$0x1B180] =	vst v63  }
0xa7: {  	_ =	swait.ge [sflag:s28], $0x28  }
0xa8: {  	[sflag:s28] =	ssyncset.done $0x0  }
0xa9: {  	[sflag:s28] =	ssyncadd.s32 $0xFFFFFFD8  }
0xaa: {  	[tilespmem:s31], [sflag:$0x1] =	stream.indirect.gather [hbm4b:s7+s30], $0x80, s19, s30, $0xb8;
	[tilespmem:$0x1B180] =	vst v63  }
0xab: {  	_ = 	snop  }
0xac: {  	[tilespmem:s0], [sflag:$0x1] =	stream.indirect.gather [hbm4b:s8+s30], $0x80, s29, s30, $0xb8;
	[tilespmem:$0x1B180] =	vst v63  }
0xad: {  	s21 =	sshll.u32 s4, $0x4  }
0xae: {  	[tilespmem:s26], [sflag:$0x1] =	stream.indirect.gather [hbm4b:s9+s30], $0x80, s19, s30, $0xb8;
	[tilespmem:$0x1B180] =	vst v63  }
0xaf: {  	s4 =	sadd.s32 s10, s21  }
0xb0: {  	[tilespmem:s14], [sflag:$0x1] =	stream.linear.gather [hbm4b:s4+s19], $0x1400, $0x38;
	[tilespmem:$0x1B180] =	vst v63  }
0xb1: {  	s22 =	sadd.s32 s11, s21  }
0xb2: {  	[tilespmem:s15], [sflag:$0x1] =	stream.linear.gather [hbm4b:s22+s19], $0x1400, $0x38;
	[tilespmem:$0x1B180] =	vst v63  }
0xb3: {  	s24 =	sadd.s32 s12, s21  }
0xb4: {  	[tilespmem:s16], [sflag:$0x1] =	stream.linear.gather [hbm4b:s24+s19], $0x1400, $0x38;
	[tilespmem:$0x1B180] =	vst v63  }
0xb5: {  	_ =	swait.ge [sflag:s17], $0x1400  }
0xb6: {  	[sflag:s17] =	ssyncset.done $0x0  }
0xb7: {  	[sflag:s17] =	ssyncadd.s32 $0xFFFFEC00  }
0xb8: {  	_ =	swait.ge [sflag:s17], $0x1400  }
0xb9: {  	[sflag:s17] =	ssyncset.done $0x0  }
0xba: {  	[sflag:s17] =	ssyncadd.s32 $0xFFFFEC00  }
0xbb: {  	_ =	swait.ge [sflag:s17], $0x1400  }
0xbc: {  	[sflag:s17] =	ssyncset.done $0x0  }
0xbd: {  	[sflag:s17] =	ssyncadd.s32 $0xFFFFEC00  }
0xbe: {  	_ =	swait.ge [sflag:s17], $0x1400  }
0xbf: {  	[sflag:s17] =	ssyncset.done $0x0  }
0xc0: {  	[sflag:s17] =	ssyncadd.s32 $0xFFFFEC00  }
0xc1: {  	_ =	swait.ge [sflag:s17], $0x1400  }
0xc2: {  	[sflag:s17] =	ssyncset.done $0x0  }
0xc3: {  	[sflag:s17] =	ssyncadd.s32 $0xFFFFEC00  }
0xc4: {  	_ =	swait.ge [sflag:s17], $0x1400  }
0xc5: {  	[sflag:s17] =	ssyncset.done $0x0  }
0xc6: {  	s22 =	simm.s32 $0x0;
	[sflag:s17] =	ssyncadd.s32 $0xFFFFEC00  }
0xc7: {  	v11 =	vld [tilespmem:s22+$0x3D00]  }
0xc8: {  	v12 =	vld [tilespmem:s22+$0x3D10]  }
0xc9: {  	v14 =	vld [tilespmem:s22+$0x3D20]  }
0xca: {  	v15 =	vld [tilespmem:s22+$0x3D30]  }
0xcb: {  	v4 =	vld [tilespmem:s22+$0x3D40]  }
0xcc: {  	v3 =	vld [tilespmem:s22+$0x3D50]  }
0xcd: {  	v2 =	vld [tilespmem:s22+$0x3D60]  }
0xce: {  	v1 =	vld [tilespmem:s22+$0x6500]  }
0xcf: {  	v13 =	vld [tilespmem:s22+$0x1500]  }
0xd0: {  	v16 =	vld [tilespmem:s22+$0x5100]  }
0xd1: {  	v17 =	vld [tilespmem:s22+$0x1510]  }
0xd2: {  	v18 =	vld [tilespmem:s22+$0x5110]  }
0xd3: {  	v19 =	vld [tilespmem:s22+$0x1520]  }
0xd4: {  	v20 =	vld [tilespmem:s22+$0x5120]  }
0xd5: {  	v21 =	vld [tilespmem:s22+$0x1530]  }
0xd6: {  	v22 =	vld [tilespmem:s22+$0x5130]  }
0xd7: {  	v23 =	vld [tilespmem:s22+$0x1540]  }
0xd8: {  	v24 =	vld [tilespmem:s22+$0x5140]  }
0xd9: {  	v10 =	vld [tilespmem:s22+$0x1550]  }
0xda: {  	v9 =	vld [tilespmem:s22+$0x5150]  }
0xdb: {  	v8 =	vld [tilespmem:s22+$0x1560]  }
0xdc: {  	v7 =	vld [tilespmem:s22+$0x5160]  }
0xdd: {  	v6 =	vld [tilespmem:s22+$0x1570]  }
0xde: {  	v25 =	vld [tilespmem:s22+$0x100]  }
0xdf: {  	v26 =	vld [tilespmem:s22+$0x2900]  }
0xe0: {  	v5 =	vld [tilespmem:s22+$0x5170]  }
0xe1: {  	v27 =	vld [tilespmem:s22+$0x110]  }
0xe2: {  	v28 =	vld [tilespmem:s22+$0x2910]  }
0xe3: {  	v29 =	vld [tilespmem:s22+$0x120];
	v13 =	vadd.f32 v13, v25  }
0xe4: {  	v61 =	vld [tilespmem:s22+$0x2920];
	v31 =	vbroadcast v1, $0x0;
	v16 =	vadd.f32 v16, v26  }
0xe5: {  	v30 =	vld [tilespmem:s22+$0x130];
	v11 =	vadd.f32 v11, v13  }
0xe6: {  	v62 =	vld [tilespmem:s22+$0x2930];
	v13 =	vadd.f32 v17, v27;
	v16 =	vmul.f32 v16, v31  }
0xe7: {  	v32 =	vld [tilespmem:s22+$0x140];
	v17 =	vadd.f32 v18, v28;
	[tilespmem:s22+$0x100] =	vst v11;
	v11 =	vbroadcast v1, $0x1  }
0xe8: {  	v63 =	vld [tilespmem:s22+$0x2940];
	v12 =	vadd.f32 v12, v13;
	[tilespmem:s22+$0x2900] =	vst v16;
	v16 =	vadd.f32 v19, v29  }
0xe9: {  	v18 =	vbroadcast v1, $0x2;
	v13 =	vld [tilespmem:s22+$0x150];
	v19 =	vadd.f32 v20, v61;
	v17 =	vmul.f32 v17, v11  }
0xea: {  	[tilespmem:s22+$0x110] =	vst v12;
	v11 =	vld [tilespmem:s22+$0x2950];
	v14 =	vadd.f32 v14, v16;
	v16 =	vadd.f32 v21, v30  }
0xeb: {  	v20 =	vbroadcast v1, $0x3;
	v12 =	vld [tilespmem:s22+$0x160];
	v21 =	vadd.f32 v22, v62;
	[tilespmem:s22+$0x2910] =	vst v17;
	v17 =	vmul.f32 v19, v18  }
0xec: {  	[tilespmem:s22+$0x120] =	vst v14;
	v14 =	vld [tilespmem:s22+$0x2960];
	v19 =	vadd.f32 v15, v16;
	v18 =	vadd.f32 v23, v32  }
0xed: {  	s4 =	simm.s32 $0x200;
	v16 =	vmul.f32 v21, v20;
	v20 =	vadd.f32 v24, v63;
	v15 =	vld [tilespmem:s22+$0x170];
	[tilespmem:s22+$0x2920] =	vst v17;
	v17 =	vbroadcast v1, $0x4  }
.LBB2_7:
0xee: {  	p1 =	sne.s32 s4, $0x4E00;
	[tilespmem:s22+$0x130] =	vst v19;
	v4 =	vadd.f32 v4, v18;
	v10 =	vadd.f32 v10, v13;
	v13 =	vld [tilespmem:s22+$0x2970]  }
0xef: {  	s24 =	sshra.s32 s4, $0x2;
	[tilespmem:s22+$0x2930] =	vst v16;
	v16 =	vmul.f32 v20, v17;
	v17 =	vbroadcast v1, $0x5;
	v9 =	vadd.f32 v9, v11;
	v11 =	vld [tilespmem:s22+$0x3D70]  }
0xf0: {  	v18 =	vld [tilespmem:s24+$0x3D00];
	[tilespmem:s22+$0x140] =	vst v4;
	v3 =	vadd.f32 v3, v10;
	v4 =	vadd.f32 v8, v12  }
0xf1: {  	v12 =	vld [tilespmem:s24+$0x3D10];
	[tilespmem:s22+$0x2940] =	vst v16;
	v8 =	vmul.f32 v9, v17;
	v9 =	vbroadcast v1, $0x6;
	v7 =	vadd.f32 v7, v14  }
0xf2: {  	v14 =	vld [tilespmem:s24+$0x3D20];
	[tilespmem:s22+$0x150] =	vst v3;
	v2 =	vadd.f32 v2, v4;
	v3 =	vadd.f32 v6, v15  }
0xf3: {  	v1 =	vbroadcast v1, $0x7;
	v15 =	vld [tilespmem:s24+$0x3D30];
	[tilespmem:s22+$0x2950] =	vst v8;
	v6 =	vmul.f32 v7, v9;
	v5 =	vadd.f32 v5, v13  }
0xf4: {  	v4 =	vld [tilespmem:s24+$0x3D40];
	[tilespmem:s22+$0x160] =	vst v2;
	v7 =	vadd.f32 v11, v3  }
0xf5: {  	v3 =	vld [tilespmem:s24+$0x3D50];
	[tilespmem:s22+$0x2960] =	vst v6;
	v5 =	vmul.f32 v5, v1  }
0xf6: {  	v2 =	vld [tilespmem:s24+$0x3D60];
	[tilespmem:s22+$0x170] =	vst v7  }
0xf7: {  	v1 =	vld [tilespmem:s24+$0x6500];
	[tilespmem:s22+$0x2970] =	vst v5;
	s22 =	smov.u32 s24  }
0xf8: {  	v11 =	vld [tilespmem:s22+$0x1500]  }
0xf9: {  	v13 =	vld [tilespmem:s22+$0x5100]  }
0xfa: {  	v16 =	vld [tilespmem:s22+$0x1510]  }
0xfb: {  	v17 =	vld [tilespmem:s22+$0x5110]  }
0xfc: {  	v19 =	vld [tilespmem:s22+$0x1520]  }
0xfd: {  	v20 =	vld [tilespmem:s22+$0x5120]  }
0xfe: {  	v21 =	vld [tilespmem:s22+$0x1530]  }
0xff: {  	v22 =	vld [tilespmem:s22+$0x5130]  }
0x100: {  	v23 =	vld [tilespmem:s22+$0x1540]  }
0x101: {  	v24 =	vld [tilespmem:s22+$0x5140]  }
0x102: {  	v10 =	vld [tilespmem:s22+$0x1550]  }
0x103: {  	v9 =	vld [tilespmem:s22+$0x5150]  }
0x104: {  	v8 =	vld [tilespmem:s22+$0x1560]  }
0x105: {  	v7 =	vld [tilespmem:s22+$0x5160]  }
0x106: {  	v6 =	vld [tilespmem:s22+$0x1570]  }
0x107: {  	v5 =	vld [tilespmem:s22+$0x5170]  }
0x108: {  	v25 =	vld [tilespmem:s22+$0x100]  }
0x109: {  	v26 =	vld [tilespmem:s22+$0x2900]  }
0x10a: {  	v27 =	vld [tilespmem:s22+$0x110]  }
0x10b: {  	v28 =	vld [tilespmem:s22+$0x2910]  }
0x10c: {  	v29 =	vld [tilespmem:s22+$0x120]  }
0x10d: {  	v11 =	vadd.f32 v11, v25;
	v25 =	vld [tilespmem:s22+$0x2920]  }
0x10e: {  	v30 =	vbroadcast v1, $0x0;
	v13 =	vadd.f32 v13, v26;
	v26 =	vld [tilespmem:s22+$0x130]  }
0x10f: {  	v11 =	vadd.f32 v18, v11;
	v16 =	vadd.f32 v16, v27;
	v18 =	vld [tilespmem:s22+$0x2930]  }
0x110: {  	v27 =	vbroadcast v1, $0x1;
	v13 =	vmul.f32 v13, v30;
	v17 =	vadd.f32 v17, v28;
	v28 =	vld [tilespmem:s22+$0x140]  }
0x111: {  	[tilespmem:s22+$0x100] =	vst v11;
	v11 =	vadd.f32 v12, v16;
	v12 =	vadd.f32 v19, v29;
	v29 =	vld [tilespmem:s22+$0x2940]  }
.Ltmp2:
0x112: {  	[tilespmem:s22+$0x2900] =	vst v13;
	v16 =	vmul.f32 v17, v27;
	v17 =	vbroadcast v1, $0x2;
	v19 =	vadd.f32 v20, v25;
	v13 =	vld [tilespmem:s22+$0x150];
	(pc) =	sbr.rel @p1 .LBB2_7-.Ltmp2, $4  }
0x113: {  	[tilespmem:s22+$0x110] =	vst v11;
	v14 =	vadd.f32 v14, v12;
	v20 =	vadd.f32 v21, v26;
	v11 =	vld [tilespmem:s22+$0x2950]  }
0x114: {  	[tilespmem:s22+$0x2910] =	vst v16;
	v16 =	vmul.f32 v19, v17;
	v17 =	vbroadcast v1, $0x3;
	v21 =	vadd.f32 v22, v18;
	v12 =	vld [tilespmem:s22+$0x160]  }
0x115: {  	[tilespmem:s22+$0x120] =	vst v14;
	v19 =	vadd.f32 v15, v20;
	v18 =	vadd.f32 v23, v28;
	v14 =	vld [tilespmem:s22+$0x2960]  }
0x116: {  	s4 =	sadd.s32 $0x200, s4;
	[tilespmem:s22+$0x2920] =	vst v16;
	v16 =	vmul.f32 v21, v17;
	v17 =	vbroadcast v1, $0x4;
	v20 =	vadd.f32 v24, v29;
	v15 =	vld [tilespmem:s22+$0x170]  }
0x117: {  	[tilespmem:s22+$0x130] =	vst v19;
	v56 =	vld [tilespmem:s22+$0x2970];
	v4 =	vadd.f32 v4, v18;
	v10 =	vadd.f32 v10, v13  }
0x118: {  	v58 =	vbroadcast v1, $0x5;
	v59 =	vld [tilespmem:s22+$0x3D70];
	[tilespmem:s22+$0x2930] =	vst v16;
	v57 =	vmul.f32 v20, v17;
	v9 =	vadd.f32 v9, v11  }
0x119: {  	[tilespmem:s22+$0x140] =	vst v4;
	v3 =	vadd.f32 v3, v10;
	v60 =	vadd.f32 v8, v12  }
0x11a: {  	v62 =	vbroadcast v1, $0x6;
	[tilespmem:s22+$0x2940] =	vst v57;
	v61 =	vmul.f32 v9, v58;
	v7 =	vadd.f32 v7, v14  }
0x11b: {  	[tilespmem:s22+$0x150] =	vst v3;
	v2 =	vadd.f32 v2, v60;
	v3 =	vadd.f32 v6, v15  }
0x11c: {  	v1 =	vbroadcast v1, $0x7;
	[tilespmem:s22+$0x2950] =	vst v61;
	v63 =	vmul.f32 v7, v62;
	v5 =	vadd.f32 v5, v56  }
0x11d: {  	[tilespmem:s22+$0x160] =	vst v2;
	v2 =	vadd.f32 v59, v3  }
0x11e: {  	[tilespmem:s22+$0x2960] =	vst v63;
	v1 =	vmul.f32 v5, v1  }
0x11f: {  	[tilespmem:s22+$0x170] =	vst v2  }
0x120: {  	s4 =	sadd.s32 s1, s21;
	[tilespmem:s22+$0x2970] =	vst v1  }
0x121: {  	[hbm4b:s4+s3] =	stream.linear.scatter [tilespmem:s31], [sflag:$0x2], $0x1400, $0x38;
	[tilespmem:$0x1B180] =	vst v63  }
0x122: {  	s20 =	sadd.s32 $0x1, s20;
	_ =	swait.ge [sflag:s28], $0x1400  }
0x123: {  	p1 =	sne.s32 s20, $0xFA;
	[sflag:s28] =	ssyncset.done $0x0  }
.Ltmp3:
0x124: {  	[sflag:s28] =	ssyncadd.s32 $0xFFFFEC00;
	(pc) =	sbr.rel @p1 .LBB2_6-.Ltmp3, $4  }
0x125: {  	[spmem:s2] =	stream.indirect.scatter.add.f32 [tilespmem:s26], [sflag:$0x2], $0x80, s29, s30, $0xb8;
	[tilespmem:$0x1B180] =	vst v63  }
0x126: {  	_ =	swait.ge [sflag:s28], $0x1400  }
0x127: {  	[sflag:s28] =	ssyncset.done $0x0  }
0x128: {  	[sflag:s28] =	ssyncadd.s32 $0xFFFFEC00  }
0x129: {  	s4 =	stileid.u32;
	[bflag:$0x0] =	sbarrier.arrive $0xFFFF  }
0x12a: {  	s19 =	sshrl.u32 @!p0 s13, $0x3;
	s18 =	sadd.s32 $0x1, s18;
	s4 =	sshll.u32 @!p0 s4, $0x6  }
0x12b: {  	s20 =	rddreg [dreg:$0xd];
	p1 =	sne.s32 s18, s25;
	s4 =	sor.u32 @!p0 $0x1C02, s4  }
0x12c: {  	[hbm:s20], [sflag:s4] =	dma.local @!p0 [spmem:s19], $0x3E80  }
.Ltmp4:
0x12d: {  	_ = 	snop;
	(pc) =	sbr.rel @p1 .LBB2_1-.Ltmp4, $4  }
0x12e: {  	s4 =	simm.s32 @!p0 $0x2  }
0x12f: {  	_ =	swait.ge @!p0 [sflag:s4], $0x3E80  }
0x130: {  	[sflag:s4] =	ssyncset.done @!p0 $0x0  }
0x131: {  	[sflag:s4] =	ssyncadd.s32 @!p0 $0xFFFFC180  }
0x132: {  	_ =	sfence.sel $0x180000  }
0x133: {  	[bflag:$0x0] =	sbarrier.arrive $0xFFFF  }
0x134: {  	_ =	strace $0x9000004A  }
0x135: {  	s0 =	stileid.u32;
	[bflag:$0x2] =	sbarrier.arrive $0xFFFF  }
0x136: {  	p0 =	sne.s32 s0, $0x0;
	s0 =	rddreg [dreg:$0x3]  }
0x137: {  	s0 =	sadd.s32 @!p0 $0x100000, s0  }
0x138: {  	[sflag:s0] =	ssyncadd.tile.s32 @!p0 $0x1;
	_ =	shalt  }
.Lfunc_end2:
_tile_overlayer_lowered:
.L_overlay_start_2:
0x139: {  	(tag) =	ssettag $0x2  }
0x13a: {  	s0 =	rddreg [dreg:$0x0];
	s2 =	stileid.u32  }
0x13b: {  	s1 =	rddreg [dreg:$0x1];
	p0 =	sne.s32 s2, $0x0  }
0x13c: {  	s3 =	rddreg [dreg:$0x2];
	[bflag:$0x3] =	sbarrier.arrive $0xFFFF;
	s2 =	simm.s32 @!p0 $0x1C02  }
0x13d: {  	[timem:s3], [sflag:s2] =	dma.local @!p0 [hbm:s0], s1  }
0x13e: {  	s0 =	simm.s32 @!p0 $0x2  }
0x13f: {  	_ =	swait.ge @!p0 [sflag:s0], s1  }
0x140: {  	s1 =	ssub.s32 @!p0 $0x0, s1;
	[sflag:s0] =	ssyncset.done @!p0 $0x0  }
0x141: {  	[sflag:s0] =	ssyncadd.s32 @!p0 s1  }
0x142: {  	[bflag:$0x3] =	sbarrier.arrive $0xFFFF  }
0x143: {  	_ =	shalt  }

// kernel: kernel.7.cloned.1.call-start
scs
__scs_entry_jumppad:
0x0: {  	(pc) =	sbr.rel $0x88, $3  }
0x1: {  	(tag) =	ssettag $0x0;
	lr =	simm.s32 $0x1  }
0x2: {  	[smem:$0x3F94] =	sst lr;
	_ =	strace $0xD0000000  }
0x3: {  	_ = 	snop  }
0x4: {  	_ = 	snop  }
0x5: {  	_ = 	snop  }
0x6: {  	_ = 	snop  }
0x7: {  	_ = 	snop  }
__scs_overlays_trampoline_lowered:
0x8: {  	[smem:$0x3FA3] =	sst s0  }
0x9: {  	[smem:$0x3FA4] =	sst s1  }
0xa: {  	[smem:$0x3FA5] =	sst s2  }
0xb: {  	[smem:$0x3FA6] =	sst s3  }
0xc: {  	[smem:$0x3FA7] =	sst s4  }
0xd: {  	[smem:$0x3FA8] =	sst s5  }
0xe: {  	[smem:$0x3FA9] =	sst s6  }
0xf: {  	[smem:$0x3FAA] =	sst s7  }
0x10: {  	[smem:$0x3FAB] =	sst s8  }
0x11: {  	[smem:$0x3FAC] =	sst s9;
	s0 =	simm.s32 @!p0 $0x0  }
0x12: {  	s1 =	sld [smem:$0x3F92];
	s0 =	simm.s32 @p0 $0x1  }
0x13: {  	[smem:$0x3FAD] =	sst s0;
	s0 =	simm.s32 @!p1 $0x0  }
0x14: {  	s2 =	sld [smem:$0x3F91];
	s0 =	simm.s32 @p1 $0x1  }
0x15: {  	[smem:$0x3FAE] =	sst s0;
	s0 =	simm.s32 @!p2 $0x0  }
0x16: {  	s3 =	sld [smem:$0x3FDB];
	s0 =	simm.s32 @p2 $0x1  }
0x17: {  	s4 =	simm.s32 $0x1BF5;
	[smem:$0x3FB0] =	sst s0  }
0x18: {  	s0 =	sld [smem:$0x3F93];
	_ =	swait.ge [sflag:s4], $0x0  }
0x19: {  	s7 =	sld [smem:$0x3F94]  }
0x1a: {  	s8 =	sadd.s32 $0xFFFFE003, lr  }
0x1b: {  	s9 =	sadd.s32 $0xFFFFFEF7, lr;
	s5 =	simm.s32 $0xFFFFFFFF;
	p2 =	slt.u32 s8, $0xFFFFF086  }
0x1c: {  	p1 =	slt.u32 s9, $0xF7A;
	s5 =	simm.s32 @!p2 $0x0  }
0x1d: {  	s5 =	simm.s32 @p1 $0x1;
	p0 =	seq.s32 s7, s2  }
0x1e: {  	s7 =	smul.u32 @!p0 $0xF7A, s2;
	p2 =	seq.s32 @!p0 s5, $0x0  }
0x1f: {  	s9 =	smul.u32 $0xF7A, s1;
	s8 =	simm.s32 @!p0 $0x1BF5;
	p2 =	por !p2, p0  }
0x20: {  	[sflag:s8] =	ssyncset.s32 @!p0 $0xFFFFF086;
	s6 =	sadd.s32 @!p0 s3, s7;
	s7 =	simm.s32 @!p0 $0x108  }
0x21: {  	s3 =	sadd.s32 s3, s9;
	s6 =	sadd.s32 @!p0 $0x88, s6;
	s7 =	simm.s32 @p2 $0x1082  }
0x22: {  	[simem:s7], [sflag:s8] =	dma.local @!p0 [hbm:s6], $0xF7A  }
0x23: {  	s9 =	sor.u32 $0xD0000000, s2;
	s6 =	simm.s32 $0x108;
	_ =	swait.ge @!p0 [sflag:s8], $0x0  }
0x24: {  	s3 =	sadd.s32 $0x88, s3;
	s6 =	simm.s32 @!p1 $0x1082;
	[sflag:s4] =	ssyncset.s32 $0xFFFFF086  }
0x25: {  	[simem:s6], [sflag:s4] =	dma.local [hbm:s3], $0xF7A  }
0x26: {  	[smem:$0x3F94] =	sst s1;
	(tag) =	ssettag s2;
	_ =	strace s9  }
0x27: {  	s1 =	sld [smem:$0x3FA4]  }
0x28: {  	s2 =	sld [smem:$0x3FA5]  }
0x29: {  	s4 =	sld [smem:$0x3FA7]  }
0x2a: {  	p0 =	seq.s32 s5, $0x0;
	s5 =	sld [smem:$0x3FA8]  }
0x2b: {  	s6 =	sld [smem:$0x3FA9]  }
0x2c: {  	s7 =	sld [smem:$0x3FAA]  }
0x2d: {  	s3 =	simm.s32 $0x108;
	s8 =	sld [smem:$0x3FAB]  }
0x2e: {  	s3 =	simm.s32 @!p0 $0x1082;
	s9 =	sld [smem:$0x3FAC]  }
0x2f: {  	lr =	sadd.s32 s0, s3;
	s0 =	sld [smem:$0x3FA3]  }
0x30: {  	s3 =	sld [smem:$0x3FA6]  }
0x31: {  	[smem:$0x3FAF] =	sst s10  }
0x32: {  	s10 =	sld [smem:$0x3FAD];
	_ =	sdelay $0x3  }
0x33: {  	p0 =	seq.s32 s10, $0x1;
	s10 =	sld [smem:$0x3FAF];
	_ =	sdelay $0x3  }
0x34: {  	[smem:$0x3FAF] =	sst s10  }
0x35: {  	s10 =	sld [smem:$0x3FAE];
	_ =	sdelay $0x3  }
0x36: {  	p1 =	seq.s32 s10, $0x1;
	s10 =	sld [smem:$0x3FAF];
	_ =	sdelay $0x3  }
0x37: {  	[smem:$0x3FAF] =	sst s10  }
0x38: {  	s10 =	sld [smem:$0x3FB0]  }
0x39: {  	_ = 	snop;
	(pc) =	sbr.ind lr, $3  }
0x3a: {  	_ = 	snop  }
0x3b: {  	_ = 	snop  }
0x3c: {  	p2 =	seq.s32 s10, $0x1;
	s10 =	sld [smem:$0x3FAF]  }
0x3d: {  	_ =	shalt  }
0x3e: {  	_ =	shalt  }
0x3f: {  	_ =	shalt  }
0x40: {  	_ =	shalt  }
0x41: {  	_ =	shalt  }
0x42: {  	_ =	shalt  }
0x43: {  	_ =	shalt  }
0x44: {  	_ =	shalt  }
0x45: {  	_ =	shalt  }
0x46: {  	_ =	shalt  }
0x47: {  	_ =	shalt  }
0x48: {  	_ =	shalt  }
0x49: {  	_ =	shalt  }
0x4a: {  	_ =	shalt  }
0x4b: {  	_ =	shalt  }
0x4c: {  	_ =	shalt  }
0x4d: {  	_ =	shalt  }
0x4e: {  	_ =	shalt  }
0x4f: {  	_ =	shalt  }
0x50: {  	_ =	shalt  }
0x51: {  	_ =	shalt  }
0x52: {  	_ =	shalt  }
0x53: {  	_ =	shalt  }
0x54: {  	_ =	shalt  }
0x55: {  	_ =	shalt  }
0x56: {  	_ =	shalt  }
0x57: {  	_ =	shalt  }
0x58: {  	_ =	shalt  }
0x59: {  	_ =	shalt  }
0x5a: {  	_ =	shalt  }
0x5b: {  	_ =	shalt  }
0x5c: {  	_ =	shalt  }
0x5d: {  	_ =	shalt  }
0x5e: {  	_ =	shalt  }
0x5f: {  	_ =	shalt  }
0x60: {  	_ =	shalt  }
0x61: {  	_ =	shalt  }
0x62: {  	_ =	shalt  }
0x63: {  	_ =	shalt  }
0x64: {  	_ =	shalt  }
0x65: {  	_ =	shalt  }
0x66: {  	_ =	shalt  }
0x67: {  	_ =	shalt  }
0x68: {  	_ =	shalt  }
0x69: {  	_ =	shalt  }
0x6a: {  	_ =	shalt  }
0x6b: {  	_ =	shalt  }
0x6c: {  	_ =	shalt  }
0x6d: {  	_ =	shalt  }
0x6e: {  	_ =	shalt  }
0x6f: {  	_ =	shalt  }
0x70: {  	_ =	shalt  }
0x71: {  	_ =	shalt  }
0x72: {  	_ =	shalt  }
0x73: {  	_ =	shalt  }
0x74: {  	_ =	shalt  }
0x75: {  	_ =	shalt  }
0x76: {  	_ =	shalt  }
0x77: {  	_ =	shalt  }
0x78: {  	_ =	shalt  }
0x79: {  	_ =	shalt  }
0x7a: {  	_ =	shalt  }
0x7b: {  	_ =	shalt  }
0x7c: {  	_ =	shalt  }
0x7d: {  	_ =	shalt  }
0x7e: {  	_ =	shalt  }
0x7f: {  	_ =	shalt  }
0x80: {  	_ =	shalt  }
0x81: {  	_ =	shalt  }
0x82: {  	_ =	shalt  }
0x83: {  	_ =	shalt  }
0x84: {  	_ =	shalt  }
0x85: {  	_ =	shalt  }
0x86: {  	_ =	shalt  }
0x87: {  	_ =	shalt  }
.Lfunc_end0:
.L_simem_size_0:
called_computation_lowered:
.L_overlay_start_0:
0x88: {  	s2 =	sld [smem:$0x3FD9]  }
0x89: {  	s3 =	sld [smem:$0x3FFE];
	_ =	sdelay $0x1  }
0x8a: {  	s1 =	srdreg.scid  }
0x8b: {  	s0 =	sand.u32 $0x1, s1  }
0x8c: {  	s14 =	sshll.u32 s0, $0xA;
	s2 =	sadd.s32 s3, s2  }
0x8d: {  	s2 =	sadd.s32 s2, s14  }
0x8e: {  	[smem:$0x3FBB] =	sst s2  }
0x8f: {  	_ = 	snop  }
0x90: {  	s2 =	sld [smem:$0x3FD0];
	_ =	sdelay $0x2  }
0x91: {  	s15 =	simm.s32 $0xA;
	s4 =	simm.s32 $0x10  }
0x92: {  	[smem:s4], [sflag:s15] =	dma.local [hbm:s2], $0x1  }
0x93: {  	_ =	swait.eq [sflag:s15], $0x1  }
0x94: {  	[sflag:s15] =	ssyncset.done $0x0  }
0x95: {  	s16 =	sld [smem:$0x10];
	[sflag:s15] =	ssyncadd.s32 $0xFFFFFFFF  }
0x96: {  	s17 =	sld [smem:$0x11];
	(tm) =	ssettm $0x1  }
0x97: {  	s18 =	sld [smem:$0x3FFB];
	_ =	sdelay $0x3  }
0x98: {  	_ =	strace s18  }
0x99: {  	s4 =	sld [smem:$0x3FFC];
	_ =	sdelay $0x3  }
0x9a: {  	_ =	strace s4  }
0x9b: {  	s4 =	sld [smem:$0x3FFD];
	_ =	sdelay $0x3  }
0x9c: {  	_ =	strace s4  }
0x9d: {  	_ =	strace $0x8FFFFFFF  }
0x9e: {  	s19 =	sld [smem:$0x3FDB];
	_ =	sdelay $0x1  }
0x9f: {  	s5 =	simm.s32 $_scs_section_size  }
0xa0: {  	s6 =	simm.s32 $_size__tile_overlayer_lowered;
	s7 =	simm.s32 $_tile_overlayer_lowered  }
0xa1: {  	s22 =	simm.s32 $0x1BFF;
	s21 =	sshll.u32 s7, $0x1;
	s4 =	sadd.s32 s5, s19  }
0xa2: {  	s8 =	simm.s32 $0x0;
	s20 =	sshll.u32 s6, $0x1;
	s6 =	sadd.s32 s21, s4  }
0xa3: {  	[timem:s8], [sflag:s22] =	dma.local [hbm:s6], s20  }
0xa4: {  	_ =	swait.ge [sflag:s22], s20  }
0xa5: {  	s5 =	ssub.s32 $0x0, s20;
	[sflag:s22] =	ssyncset.done $0x0  }
0xa6: {  	[sflag:s22] =	ssyncadd.s32 s5;
	_ =	sdelay $0x1  }
0xa7: {  	s23 =	simm.s32 $0x1B8B  }
0xa8: {  	_ =	swait.ge [sflag:s23], $0x1  }
0xa9: {  	[sflag:s23] =	ssyncset.done $0x0  }
0xaa: {  	s25 =	simm.s32 $0x1B8E;
	s24 =	sld [smem:$0x3FFE];
	[sflag:s23] =	ssyncadd.s32 $0xFFFFFFFF  }
0xab: {  	s26 =	simm.s32 $execute0_lowered;
	[smem:$0x3FD2] =	sst s25  }
0xac: {  	s6 =	sshll.u32 s26, $0x1;
	_ =	strace $0x80000046;
	[dreg:$0x1] =	wrdreg $0xFFFFFFFF  }
0xad: {  	s28 =	simm.s32 $_size_execute0_lowered;
	s4 =	sadd.s32 s4, s6;
	[dreg:$0x0] =	wrdreg $0x0  }
0xae: {  	s6 =	sshll.u32 s28, $0x1;
	[dreg:$0x2] =	wrdreg s4  }
0xaf: {  	[dreg:$0x3] =	wrdreg s6  }
0xb0: {  	[dreg:$0x4] =	wrdreg $0xC0  }
0xb1: {  	_ =	task [dreg:s8], $0x5FFFF  }
0xb2: {  	[dreg:$0x1] =	wrdreg $0xFFFFFFFF  }
0xb3: {  	[dreg:$0x0] =	wrdreg $0x60  }
0xb4: {  	[dreg:$0x2] =	wrdreg s24  }
0xb5: {  	[dreg:$0x3] =	wrdreg s16  }
0xb6: {  	[dreg:$0x4] =	wrdreg s17  }
0xb7: {  	[dreg:$0x5] =	wrdreg $0xA2000  }
0xb8: {  	[dreg:$0x6] =	wrdreg $0x9  }
0xb9: {  	_ =	task.clear_ibuf [dreg:s8], $0x7FFFF;
	_ =	strace $0x90000046  }
0xba: {  	s29 =	simm.s32 $0x9;
	_ =	strace $0x80000048  }
0xbb: {  	_ =	swait.ge [sflag:s29], $0x1  }
0xbc: {  	[sflag:s29] =	ssyncadd.s32 $0xFFFFFFFF  }
0xbd: {  	_ =	strace $0x90000048  }
0xbe: {  	_ =	sfence  }
0xbf: {  	s30 =	sld [smem:$0x0];
	_ =	sdelay $0x2  }
0xc0: {  	s31 =	sshll.u32 s1, $0xD;
	s1 =	sshrl.u32 s1, $0x2  }
0xc1: {  	s3 =	sand.u32 $0x4000, s31;
	s1 =	sadd.s32 s1, s30  }
0xc2: {  	s0 =	sor.u32 s3, s0;
	s1 =	sshll.u32 s1, $0x11  }
0xc3: {  	s0 =	sor.u32 s1, s0  }
0xc4: {  	s0 =	sadd.s32 $0x8F2B, s0  }
0xc5: {  	[sflag:s0] =	ssyncadd.remote.s32 $0x1  }
0xc6: {  	_ =	sfence.sel $0xFFFF  }
0xc7: {  	[dreg:$0x0] =	wrdreg $0xFFFFFFFF;
	(pc) =	sbr.abs _section_cstart, $3  }
0xc8: {  	[dreg:$0x1] =	wrdreg $0xFFFFFFFF  }
0xc9: {  	_ =	task.clear_ibuf [dreg:s8], $0x2FFFF;
	_ =	strace $0x9FFFFFFF  }
0xca: {  	(tm) =	ssettm $0x7FFFFFFF  }
0xcb: {  	_ =	shalt  }
tec
execute0_lowered:
.L_overlay_start_1:
0x0: {  	(tag) =	ssettag $0x1  }
0x1: {  	s0 =	rddreg [dreg:$0x0]  }
0x2: {  	s1 =	rddreg [dreg:$0x1]  }
0x3: {  	s2 =	rddreg [dreg:$0x2]  }
0x4: {  	s3 =	rddreg [dreg:$0x3];
	s14 =	stileid.u32  }
0x5: {  	s4 =	srdreg.scid;
	s9 =	smul.u32 $0x1F400, s14  }
0x6: {  	s5 =	simm.s32 $0x0;
	s4 =	sand.u32 $0x1, s4;
	s11 =	smul.u32 $0x7D000, s14  }
0x7: {  	[smem:$0x7FF] =	sst s5;
	s8 =	smul.u32 $0x138800, s4  }
0x8: {  	s6 =	sadd.s32 $0xB800, s0;
	s7 =	sadd.s32 $0x1A00, s0;
	s16 =	ssub.s32 $0x2, s4  }
0x9: {  	s12 =	sshrl.u32 s16, $0x1;
	s11 =	sshrl.u32 s11, $0x2;
	s9 =	sadd.s32 s9, s8  }
0xa: {  	s8 =	sadd.s32 $0x9D9600, s0;
	s10 =	sshrl.u32 s9, $0x3;
	s9 =	sadd.s32 $0xA9D000, s0  }
0xb: {  	s0 =	sadd.s32 s10, s0;
	s10 =	ssub.s32 s16, s12;
	s12 =	sadd.s32 s11, s3  }
0xc: {  	_ =	strace $0x80000047;
	s11 =	sadd.s32 $0x1400, s12;
	[dreg:$0x5] =	wrdreg s12  }
0xd: {  	s17 =	sadd.s32 $0x2800, s12;
	[dreg:$0x6] =	wrdreg s11  }
0xe: {  	s18 =	sadd.s32 $0x3C00, s12;
	[dreg:$0x7] =	wrdreg s17  }
0xf: {  	s19 =	sadd.s32 $0x5000, s12;
	[dreg:$0x8] =	wrdreg s18  }
0x10: {  	s20 =	sadd.s32 $0x6400, s12;
	[dreg:$0x9] =	wrdreg s19  }
0x11: {  	s21 =	sadd.s32 $0x7800, s12;
	[dreg:$0xa] =	wrdreg s20  }
0x12: {  	s22 =	sadd.s32 $0x8C00, s12;
	[dreg:$0xb] =	wrdreg s21  }
0x13: {  	s13 =	sshll.u32 s14, $0x1;
	s23 =	sadd.s32 $0xA000, s12;
	[dreg:$0xc] =	wrdreg s22  }
0x14: {  	p0 =	sgt.u32 s14, $0x9;
	s24 =	sadd.s32 $0xB400, s12;
	[dreg:$0xd] =	wrdreg s23  }
0x15: {  	s4 =	sor.u32 s4, s13;
	s0 =	sadd.s32 $0xF7F000, s0;
	[dreg:$0xe] =	wrdreg s24  }
0x16: {  	s16 =	smul.u32 $0x2710, s4;
	s13 =	sadd.s32 $0xF000, s12;
	[dreg:$0x12] =	wrdreg s0  }
0x17: {  	s4 =	smul.u32 $0x27100, s4;
	s14 =	sadd.s32 $0x10400, s12;
	[dreg:$0x16] =	wrdreg s13  }
0x18: {  	s15 =	sadd.s32 $0x11800, s12;
	[dreg:$0x17] =	wrdreg s14  }
0x19: {  	s4 =	sadd.s32 s2, s4;
	[dreg:$0x18] =	wrdreg s15  }
0x1a: {  	s17 =	sadd.s32 $0x12C00, s12;
	[dreg:$0x11] =	wrdreg s4  }
0x1b: {  	s18 =	sadd.s32 $0x14000, s12;
	[dreg:$0x19] =	wrdreg s17  }
0x1c: {  	s19 =	sadd.s32 $0x15400, s12;
	[dreg:$0x1a] =	wrdreg s18  }
0x1d: {  	s20 =	sadd.s32 $0x16800, s12;
	[dreg:$0x1b] =	wrdreg s19  }
0x1e: {  	s29 =	simm.s32 $0x7A00;
	s21 =	sadd.s32 $0x17C00, s12;
	[dreg:$0x1c] =	wrdreg s20  }
0x1f: {  	s30 =	simm.s32 $0x3;
	s22 =	sadd.s32 $0x19000, s12;
	[dreg:$0x1d] =	wrdreg s21  }
0x20: {  	s31 =	simm.s32 $0x80;
	s23 =	sadd.s32 $0x1A400, s12;
	[dreg:$0x1e] =	wrdreg s22  }
0x21: {  	s25 =	sshrl.u32 s16, $0x3;
	s24 =	sadd.s32 $0x1B800, s12;
	[dreg:$0x1f] =	wrdreg s23  }
0x22: {  	s28 =	sadd.s32 $0x50, s16;
	s26 =	sadd.s32 s6, s25;
	[smem:$0x7FB] =	sst s24  }
0x23: {  	s0 =	simm.s32 $0x28;
	s11 =	sadd.s32 s7, s25;
	[dreg:$0xf] =	wrdreg s26  }
0x24: {  	s13 =	simm.s32 $0x0;
	s4 =	smax.u32 s10, $0x1;
	[dreg:$0x10] =	wrdreg s11  }
0x25: {  	s10 =	sadd.s32 $0xC800, s12;
	s25 =	sadd.s32 $0x1CC00, s12;
	[dreg:$0x13] =	wrdreg s4  }
0x26: {  	s17 =	simm.s32 $0x1;
	s18 =	simm.s32 $0x8E00;
	[dreg:$0x14] =	wrdreg s10  }
0x27: {  	s19 =	simm.s32 $0x2;
	s11 =	sadd.s32 $0xDC00, s12;
	[smem:$0x7FC] =	sst s25  }
0x28: {  	v0 =	vimm.f32 $0.0e+00;
	vm0 =	vcmask $0x1F00;
	s26 =	sadd.s32 $0x1E000, s12;
	s12 =	simm.s32 $0x3D00;
	[dreg:$0x15] =	wrdreg s11  }
0x29: {  	v1 =	vsel vm0, $0x3F800000, v0;
	[smem:$0x7FD] =	sst s26;
	s26 =	sadd.s32 $0x28, s16;
	s11 =	simm.s32 $0x3D80  }
.LBB2_1:
0x2a: {  	s4 =	simm.s32 $0x0;
	s10 =	simm.s32 $0x200  }
.LBB2_2:
0x2b: {  	p1 =	sne.s32 s10, $0x4E00;
	[tilespmem:s4+$0x7A70] =	vst v0  }
0x2c: {  	[tilespmem:s4+$0x7A00] =	vst v0  }
0x2d: {  	[tilespmem:s4+$0x7A10] =	vst v0  }
.Ltmp0:
0x2e: {  	[tilespmem:s4+$0x7A20] =	vst v0;
	(pc) =	sbr.rel @p1 .LBB2_2-.Ltmp0, $4  }
0x2f: {  	[tilespmem:s4+$0x7A30] =	vst v0  }
0x30: {  	[tilespmem:s4+$0x7A40] =	vst v0  }
0x31: {  	[tilespmem:s4+$0x7A50] =	vst v0  }
0x32: {  	[tilespmem:s4+$0x7A60] =	vst v0;
	s4 =	sshra.s32 s10, $0x2;
	s10 =	sadd.s32 $0x200, s10  }
0x33: {  	[tilespmem:s4+$0x7A70] =	vst v0  }
0x34: {  	[tilespmem:s4+$0x7A00] =	vst v0  }
0x35: {  	[tilespmem:s4+$0x7A10] =	vst v0  }
.Ltmp1:
0x36: {  	[tilespmem:s4+$0x7A20] =	vst v0;
	(pc) =	sbr.rel @p0 .LBB2_5-.Ltmp1, $4  }
0x37: {  	[tilespmem:s4+$0x7A30] =	vst v0  }
0x38: {  	[tilespmem:s4+$0x7A40] =	vst v0  }
0x39: {  	[tilespmem:s4+$0x7A50] =	vst v0  }
0x3a: {  	[smem:$0x7FA] =	sst s13;
	[tilespmem:s4+$0x7A60] =	vst v0  }
0x3b: {  	s4 =	rddreg [dreg:$0x5]  }
0x3c: {  	[spmem:s4] =	stream.linear.scatter [tilespmem:s29], [sflag:$0x3], $0x1400, $0x38;
	[tilespmem:$0x1DA80] =	vst v63  }
0x3d: {  	_ =	swait.ge [sflag:s30], $0x1400  }
0x3e: {  	[sflag:s30] =	ssyncset.done $0x0  }
0x3f: {  	s22 =	rddreg [dreg:$0x6];
	[sflag:s30] =	ssyncadd.s32 $0xFFFFEC00  }
0x40: {  	[spmem:s22] =	stream.linear.scatter [tilespmem:s29], [sflag:$0x3], $0x1400, $0x38;
	[tilespmem:$0x1DA80] =	vst v63  }
0x41: {  	_ =	swait.ge [sflag:s30], $0x1400  }
0x42: {  	[sflag:s30] =	ssyncset.done $0x0  }
0x43: {  	s23 =	rddreg [dreg:$0x7];
	[sflag:s30] =	ssyncadd.s32 $0xFFFFEC00  }
0x44: {  	[spmem:s23] =	stream.linear.scatter [tilespmem:s29], [sflag:$0x3], $0x1400, $0x38;
	[tilespmem:$0x1DA80] =	vst v63  }
0x45: {  	_ =	swait.ge [sflag:s30], $0x1400  }
0x46: {  	[sflag:s30] =	ssyncset.done $0x0  }
0x47: {  	s24 =	rddreg [dreg:$0x8];
	[sflag:s30] =	ssyncadd.s32 $0xFFFFEC00  }
0x48: {  	[spmem:s24] =	stream.linear.scatter [tilespmem:s29], [sflag:$0x3], $0x1400, $0x38;
	[tilespmem:$0x1DA80] =	vst v63  }
0x49: {  	_ =	swait.ge [sflag:s30], $0x1400  }
0x4a: {  	[sflag:s30] =	ssyncset.done $0x0  }
0x4b: {  	s25 =	rddreg [dreg:$0x9];
	[sflag:s30] =	ssyncadd.s32 $0xFFFFEC00  }
0x4c: {  	[spmem:s25] =	stream.linear.scatter [tilespmem:s29], [sflag:$0x3], $0x1400, $0x38;
	[tilespmem:$0x1DA80] =	vst v63  }
0x4d: {  	_ =	swait.ge [sflag:s30], $0x1400  }
0x4e: {  	[sflag:s30] =	ssyncset.done $0x0  }
0x4f: {  	s10 =	rddreg [dreg:$0xa];
	[sflag:s30] =	ssyncadd.s32 $0xFFFFEC00  }
0x50: {  	[spmem:s10] =	stream.linear.scatter [tilespmem:s29], [sflag:$0x3], $0x1400, $0x38;
	[tilespmem:$0x1DA80] =	vst v63  }
0x51: {  	_ =	swait.ge [sflag:s30], $0x1400  }
0x52: {  	[sflag:s30] =	ssyncset.done $0x0  }
0x53: {  	s13 =	rddreg [dreg:$0xb];
	[sflag:s30] =	ssyncadd.s32 $0xFFFFEC00  }
0x54: {  	[spmem:s13] =	stream.linear.scatter [tilespmem:s29], [sflag:$0x3], $0x1400, $0x38;
	[tilespmem:$0x1DA80] =	vst v63  }
0x55: {  	_ =	swait.ge [sflag:s30], $0x1400  }
0x56: {  	[sflag:s30] =	ssyncset.done $0x0  }
0x57: {  	s14 =	rddreg [dreg:$0xc];
	[sflag:s30] =	ssyncadd.s32 $0xFFFFEC00  }
0x58: {  	[spmem:s14] =	stream.linear.scatter [tilespmem:s29], [sflag:$0x3], $0x1400, $0x38;
	[tilespmem:$0x1DA80] =	vst v63  }
0x59: {  	_ =	swait.ge [sflag:s30], $0x1400  }
0x5a: {  	[sflag:s30] =	ssyncset.done $0x0  }
0x5b: {  	s15 =	rddreg [dreg:$0xd];
	[sflag:s30] =	ssyncadd.s32 $0xFFFFEC00  }
0x5c: {  	[spmem:s15] =	stream.linear.scatter [tilespmem:s29], [sflag:$0x3], $0x1400, $0x38;
	[tilespmem:$0x1DA80] =	vst v63  }
0x5d: {  	_ =	swait.ge [sflag:s30], $0x1400  }
0x5e: {  	[sflag:s30] =	ssyncset.done $0x0  }
0x5f: {  	s20 =	rddreg [dreg:$0xe];
	[sflag:s30] =	ssyncadd.s32 $0xFFFFEC00  }
0x60: {  	[spmem:s20] =	stream.linear.scatter [tilespmem:s29], [sflag:$0x3], $0x1400, $0x38;
	[tilespmem:$0x1DA80] =	vst v63  }
0x61: {  	_ =	swait.ge [sflag:s30], $0x1400  }
0x62: {  	[sflag:s30] =	ssyncset.done $0x0  }
0x63: {  	s21 =	rddreg [dreg:$0x14];
	[sflag:s30] =	ssyncadd.s32 $0xFFFFEC00  }
0x64: {  	[spmem:s21] =	stream.linear.scatter [tilespmem:s29], [sflag:$0x3], $0x1400, $0x38;
	[tilespmem:$0x1DA80] =	vst v63  }
0x65: {  	_ =	swait.ge [sflag:s30], $0x1400  }
0x66: {  	[sflag:s30] =	ssyncset.done $0x0  }
0x67: {  	s22 =	rddreg [dreg:$0x15];
	[sflag:s30] =	ssyncadd.s32 $0xFFFFEC00  }
0x68: {  	[spmem:s22] =	stream.linear.scatter [tilespmem:s29], [sflag:$0x3], $0x1400, $0x38;
	[tilespmem:$0x1DA80] =	vst v63  }
0x69: {  	_ =	swait.ge [sflag:s30], $0x1400  }
0x6a: {  	[sflag:s30] =	ssyncset.done $0x0  }
0x6b: {  	s23 =	rddreg [dreg:$0x16];
	[sflag:s30] =	ssyncadd.s32 $0xFFFFEC00  }
0x6c: {  	[spmem:s23] =	stream.linear.scatter [tilespmem:s29], [sflag:$0x3], $0x1400, $0x38;
	[tilespmem:$0x1DA80] =	vst v63  }
0x6d: {  	_ =	swait.ge [sflag:s30], $0x1400  }
0x6e: {  	[sflag:s30] =	ssyncset.done $0x0  }
0x6f: {  	s24 =	rddreg [dreg:$0x17];
	[sflag:s30] =	ssyncadd.s32 $0xFFFFEC00  }
0x70: {  	[spmem:s24] =	stream.linear.scatter [tilespmem:s29], [sflag:$0x3], $0x1400, $0x38;
	[tilespmem:$0x1DA80] =	vst v63  }
0x71: {  	_ =	swait.ge [sflag:s30], $0x1400  }
0x72: {  	[sflag:s30] =	ssyncset.done $0x0  }
0x73: {  	s25 =	rddreg [dreg:$0x18];
	[sflag:s30] =	ssyncadd.s32 $0xFFFFEC00  }
0x74: {  	[spmem:s25] =	stream.linear.scatter [tilespmem:s29], [sflag:$0x3], $0x1400, $0x38;
	[tilespmem:$0x1DA80] =	vst v63  }
0x75: {  	_ =	swait.ge [sflag:s30], $0x1400  }
0x76: {  	[sflag:s30] =	ssyncset.done $0x0  }
0x77: {  	s10 =	rddreg [dreg:$0x19];
	[sflag:s30] =	ssyncadd.s32 $0xFFFFEC00  }
0x78: {  	[spmem:s10] =	stream.linear.scatter [tilespmem:s29], [sflag:$0x3], $0x1400, $0x38;
	[tilespmem:$0x1DA80] =	vst v63  }
0x79: {  	_ =	swait.ge [sflag:s30], $0x1400  }
0x7a: {  	[sflag:s30] =	ssyncset.done $0x0  }
0x7b: {  	s13 =	rddreg [dreg:$0x1a];
	[sflag:s30] =	ssyncadd.s32 $0xFFFFEC00  }
0x7c: {  	[spmem:s13] =	stream.linear.scatter [tilespmem:s29], [sflag:$0x3], $0x1400, $0x38;
	[tilespmem:$0x1DA80] =	vst v63  }
0x7d: {  	_ =	swait.ge [sflag:s30], $0x1400  }
0x7e: {  	[sflag:s30] =	ssyncset.done $0x0  }
0x7f: {  	s14 =	rddreg [dreg:$0x1b];
	[sflag:s30] =	ssyncadd.s32 $0xFFFFEC00  }
0x80: {  	[spmem:s14] =	stream.linear.scatter [tilespmem:s29], [sflag:$0x3], $0x1400, $0x38;
	[tilespmem:$0x1DA80] =	vst v63  }
0x81: {  	_ =	swait.ge [sflag:s30], $0x1400  }
0x82: {  	[sflag:s30] =	ssyncset.done $0x0  }
0x83: {  	s15 =	rddreg [dreg:$0x1c];
	[sflag:s30] =	ssyncadd.s32 $0xFFFFEC00  }
0x84: {  	[spmem:s15] =	stream.linear.scatter [tilespmem:s29], [sflag:$0x3], $0x1400, $0x38;
	[tilespmem:$0x1DA80] =	vst v63  }
0x85: {  	_ =	swait.ge [sflag:s30], $0x1400  }
0x86: {  	[sflag:s30] =	ssyncset.done $0x0  }
0x87: {  	s20 =	rddreg [dreg:$0x1d];
	[sflag:s30] =	ssyncadd.s32 $0xFFFFEC00  }
0x88: {  	[spmem:s20] =	stream.linear.scatter [tilespmem:s29], [sflag:$0x3], $0x1400, $0x38;
	[tilespmem:$0x1DA80] =	vst v63  }
0x89: {  	_ =	swait.ge [sflag:s30], $0x1400  }
0x8a: {  	[sflag:s30] =	ssyncset.done $0x0  }
0x8b: {  	s21 =	rddreg [dreg:$0x1e];
	[sflag:s30] =	ssyncadd.s32 $0xFFFFEC00  }
0x8c: {  	[spmem:s21] =	stream.linear.scatter [tilespmem:s29], [sflag:$0x3], $0x1400, $0x38;
	[tilespmem:$0x1DA80] =	vst v63  }
0x8d: {  	_ =	swait.ge [sflag:s30], $0x1400  }
0x8e: {  	[sflag:s30] =	ssyncset.done $0x0  }
0x8f: {  	s22 =	rddreg [dreg:$0x1f];
	[sflag:s30] =	ssyncadd.s32 $0xFFFFEC00  }
0x90: {  	[spmem:s22] =	stream.linear.scatter [tilespmem:s29], [sflag:$0x3], $0x1400, $0x38;
	[tilespmem:$0x1DA80] =	vst v63  }
0x91: {  	_ =	swait.ge [sflag:s30], $0x1400  }
0x92: {  	s23 =	sld [smem:$0x7FB]  }
0x93: {  	[sflag:s30] =	ssyncset.done $0x0  }
0x94: {  	[sflag:s30] =	ssyncadd.s32 $0xFFFFEC00  }
0x95: {  	[spmem:s23] =	stream.linear.scatter [tilespmem:s29], [sflag:$0x3], $0x1400, $0x38;
	[tilespmem:$0x1DA80] =	vst v63  }
0x96: {  	_ =	swait.ge [sflag:s30], $0x1400  }
0x97: {  	s24 =	sld [smem:$0x7FC]  }
0x98: {  	[sflag:s30] =	ssyncset.done $0x0  }
0x99: {  	[sflag:s30] =	ssyncadd.s32 $0xFFFFEC00  }
0x9a: {  	[spmem:s24] =	stream.linear.scatter [tilespmem:s29], [sflag:$0x3], $0x1400, $0x38;
	[tilespmem:$0x1DA80] =	vst v63  }
0x9b: {  	_ =	swait.ge [sflag:s30], $0x1400  }
0x9c: {  	s25 =	sld [smem:$0x7FD]  }
0x9d: {  	[sflag:s30] =	ssyncset.done $0x0  }
0x9e: {  	[sflag:s30] =	ssyncadd.s32 $0xFFFFEC00  }
0x9f: {  	[spmem:s25] =	stream.linear.scatter [tilespmem:s29], [sflag:$0x3], $0x1400, $0x38;
	[tilespmem:$0x1DA80] =	vst v63  }
0xa0: {  	_ =	swait.ge [sflag:s30], $0x1400  }
0xa1: {  	[sflag:s30] =	ssyncset.done $0x0  }
0xa2: {  	[sflag:s30] =	ssyncadd.s32 $0xFFFFEC00  }
.LBB2_5:
0xa3: {  	[bflag:$0x0] =	sbarrier.arrive $0xFFFF  }
0xa4: {  	s4 =	simm.s32 $0x0;
	s10 =	rddreg [dreg:$0xf]  }
0xa5: {  	[tilespmem:s4], [sflag:$0x3] =	stream.linear.gather [hbm4b:s10+s4], $0x28, $0x38;
	[tilespmem:$0x1DA80] =	vst v63  }
0xa6: {  	_ =	swait.ge [sflag:s30], $0x28  }
0xa7: {  	[sflag:s30] =	ssyncset.done $0x0  }
0xa8: {  	s22 =	rddreg [dreg:$0x10];
	[sflag:s30] =	ssyncadd.s32 $0xFFFFFFD8  }
0xa9: {  	[tilespmem:s31], [sflag:$0x3] =	stream.linear.gather [hbm4b:s22+s4], $0x28, $0x38;
	[tilespmem:$0x1DA80] =	vst v63  }
0xaa: {  	_ =	swait.ge [sflag:s30], $0x28  }
0xab: {  	[sflag:s30] =	ssyncset.done $0x0  }
0xac: {  	s23 =	simm.s32 $0x100;
	[sflag:s30] =	ssyncadd.s32 $0xFFFFFFD8  }
0xad: {  	[tilespmem:s23], [sflag:$0x1] =	stream.indirect.gather [hbm4b:s1+s0], $0x80, s4, s0, $0xb8;
	[tilespmem:$0x1DA80] =	vst v63  }
0xae: {  	s24 =	simm.s32 $0x1500  }
0xaf: {  	[tilespmem:s24], [sflag:$0x1] =	stream.indirect.gather [hbm4b:s8+s0], $0x80, s31, s0, $0xb8;
	[tilespmem:$0x1DA80] =	vst v63  }
0xb0: {  	s13 =	simm.s32 $0x2900;
	s21 =	simm.s32 $0x0;
	s25 =	rddreg [dreg:$0x11]  }
0xb1: {  	[tilespmem:s13], [sflag:$0x1] =	stream.linear.gather [hbm4b:s25+s4], $0x1400, $0x38;
	[tilespmem:$0x1DA80] =	vst v63  }
.LBB2_6:
0xb2: {  	s23 =	smul.u32 $0x50, s21;
	_ =	sdelay $0x1  }
0xb3: {  	s10 =	sadd.s32 s23, s26  }
0xb4: {  	s13 =	sshrl.u32 s10, $0x3  }
0xb5: {  	s14 =	sadd.s32 s6, s13  }
0xb6: {  	[tilespmem:s12], [sflag:$0x3] =	stream.linear.gather [hbm4b:s14+s4], $0x28, $0x38;
	[tilespmem:$0x1DA80] =	vst v63  }
0xb7: {  	_ =	swait.ge [sflag:s30], $0x28  }
0xb8: {  	[sflag:s30] =	ssyncset.done $0x0  }
0xb9: {  	s13 =	sadd.s32 s7, s13;
	[sflag:s30] =	ssyncadd.s32 $0xFFFFFFD8  }
0xba: {  	[tilespmem:s11], [sflag:$0x3] =	stream.linear.gather [hbm4b:s13+s4], $0x28, $0x38;
	[tilespmem:$0x1DA80] =	vst v63  }
0xbb: {  	_ =	swait.ge [sflag:s30], $0x28  }
0xbc: {  	[sflag:s30] =	ssyncset.done $0x0  }
0xbd: {  	s22 =	simm.s32 $0x3E00;
	[sflag:s30] =	ssyncadd.s32 $0xFFFFFFD8  }
0xbe: {  	[tilespmem:s22], [sflag:$0x2] =	stream.indirect.gather [hbm4b:s1+s0], $0x80, s12, s0, $0xb8;
	[tilespmem:$0x1DA80] =	vst v63  }
0xbf: {  	s24 =	simm.s32 $0x5200;
	s22 =	sshll.u32 s10, $0x4  }
0xc0: {  	[tilespmem:s24], [sflag:$0x2] =	stream.indirect.gather [hbm4b:s8+s0], $0x80, s11, s0, $0xb8;
	[tilespmem:$0x1DA80] =	vst v63  }
0xc1: {  	s25 =	simm.s32 $0x6600;
	s10 =	sadd.s32 s2, s22  }
0xc2: {  	[tilespmem:s25], [sflag:$0x2] =	stream.linear.gather [hbm4b:s10+s4], $0x1400, $0x38;
	[tilespmem:$0x1DA80] =	vst v63  }
0xc3: {  	_ =	swait.ge [sflag:s17], $0x1400  }
0xc4: {  	[sflag:s17] =	ssyncset.done $0x0  }
0xc5: {  	[sflag:s17] =	ssyncadd.s32 $0xFFFFEC00  }
0xc6: {  	_ =	swait.ge [sflag:s17], $0x1400  }
0xc7: {  	[sflag:s17] =	ssyncset.done $0x0  }
0xc8: {  	[sflag:s17] =	ssyncadd.s32 $0xFFFFEC00  }
0xc9: {  	_ =	swait.ge [sflag:s17], $0x1400  }
0xca: {  	[sflag:s17] =	ssyncset.done $0x0  }
0xcb: {  	s24 =	simm.s32 $0x0;
	[sflag:s17] =	ssyncadd.s32 $0xFFFFEC00  }
0xcc: {  	v2 =	vld [tilespmem:s24+$0x100]  }
0xcd: {  	v3 =	vld [tilespmem:s24+$0x1500];
	_ =	sdelay $0x1  }
0xce: {  	v4 =	vld [tilespmem:s24+$0x2900];
	_ =	sdelay $0x2  }
0xcf: {  	v2 =	vadd.f32 v3, v2;
	_ =	sdelay $0x1  }
0xd0: {  	v2 =	vadd.f32 v4, v2  }
0xd1: {  	s25 =	simm.s32 $0x80  }
0xd2: {  	v3 =	vld [tilespmem:s25+$0x100];
	v2 =	vmax.f32 v2, $-5.000000000e+00  }
0xd3: {  	s20 =	simm.s32 $0x100;
	v4 =	vld [tilespmem:s25+$0x1500];
	v2 =	vmin.f32 v2, $5.000000000e+00  }
0xd4: {  	v5 =	vld [tilespmem:s20+$0x100];
	v2 =	vadd.f32 $-5.000000000e+00, v2  }
0xd5: {  	v7 =	vld [tilespmem:s25+$0x2900]  }
0xd6: {  	v6 =	vld [tilespmem:s20+$0x1500];
	v2 =	vmul.f32 $1.442695020e+00, v2;
	_ =	sdelay $0x1  }
0xd7: {  	v8 =	vld [tilespmem:s20+$0x2900];
	(erf) = vpow2.f32 v2;
	v2 =	vadd.f32 v4, v3  }
0xd8: {  	s10 =	simm.s32 $0x180  }
0xd9: {  	v3 =	vld [tilespmem:s10+$0x100];
	v2 =	vadd.f32 v7, v2  }
0xda: {  	v4 =	vadd.f32 v6, v5;
	v5 =	vld [tilespmem:s10+$0x1500]  }
0xdb: {  	v2 =	vmax.f32 v2, $-5.000000000e+00  }
0xdc: {  	v4 =	vadd.f32 v8, v4;
	v2 =	vmin.f32 v2, $5.000000000e+00  }
0xdd: {  	v2 =	vadd.f32 $-5.000000000e+00, v2  }
0xde: {  	v6 =	vld [tilespmem:s10+$0x2900];
	v4 =	vmax.f32 v4, $-5.000000000e+00  }
0xdf: {  	v4 =	vmin.f32 v4, $5.000000000e+00;
	v3 =	vadd.f32 v5, v3;
	v5 =	vmul.f32 $1.442695020e+00, v2  }
0xe0: {  	v4 =	vadd.f32 $-5.000000000e+00, v4  }
0xe1: {  	v7 =	vpop (erf);
	(erf) = vpow2.f32 v5  }
0xe2: {  	s13 =	simm.s32 $0x200;
	v8 =	vmul.f32 $1.442695020e+00, v4  }
0xe3: {  	v6 =	vadd.f32 v6, v3;
	v3 =	vld [tilespmem:s13+$0x1500]  }
0xe4: {  	v2 =	vld [tilespmem:s13+$0x100];
	v4 =	vmul.f32 v1, v7;
	(erf) = vpow2.f32 v8;
	_ =	sdelay $0x1  }
0xe5: {  	s14 =	simm.s32 $0xA00;
	v6 =	vmax.f32 v6, $-5.000000000e+00;
	v5 =	vld [tilespmem:s13+$0x2900];
	[tilespmem:s24+$0x8E00] =	vst v4  }
.LBB2_7:
0xe6: {  	s15 =	sshra.s32 s14, $0x2  }
0xe7: {  	v6 =	vmin.f32 v6, $5.000000000e+00;
	[tilespmem:s24+$0x7A00] =	vst v4;
	s24 =	smov.u32 s25;
	s25 =	smov.u32 s20;
	p1 =	sne.s32 s14, $0x4E00  }
.Ltmp2:
0xe8: {  	s14 =	sadd.s32 $0x200, s14;
	v4 =	vadd.f32 v3, v2;
	v2 =	vld [tilespmem:s15+$0x100];
	v6 =	vadd.f32 $-5.000000000e+00, v6;
	(pc) =	sbr.rel @p1 .LBB2_7-.Ltmp2, $4  }
0xe9: {  	s20 =	smov.u32 s10;
	s10 =	smov.u32 s13;
	s13 =	smov.u32 s15;
	v3 =	vld [tilespmem:s15+$0x1500];
	v7 =	vpop (erf)  }
0xea: {  	v8 =	vadd.f32 v5, v4;
	v9 =	vmul.f32 $1.442695020e+00, v6;
	v4 =	vmul.f32 v1, v7  }
0xeb: {  	v5 =	vld [tilespmem:s13+$0x2900]  }
0xec: {  	v6 =	vmax.f32 v8, $-5.000000000e+00;
	(erf) = vpow2.f32 v9;
	[tilespmem:s24+$0x8E00] =	vst v4  }
0xed: {  	_ = 	snop  }
0xee: {  	v2 =	vadd.f32 v3, v2;
	_ =	sdelay $0x1  }
0xef: {  	v2 =	vadd.f32 v5, v2  }
0xf0: {  	v3 =	vmin.f32 v6, $5.000000000e+00  }
0xf1: {  	v3 =	vadd.f32 $-5.000000000e+00, v3;
	v2 =	vmax.f32 v2, $-5.000000000e+00  }
0xf2: {  	v2 =	vmin.f32 v2, $5.000000000e+00  }
0xf3: {  	v3 =	vmul.f32 $1.442695020e+00, v3;
	v2 =	vadd.f32 $-5.000000000e+00, v2;
	_ =	sdelay $0x1  }
0xf4: {  	(erf) = vpow2.f32 v3;
	v2 =	vmul.f32 $1.442695020e+00, v2;
	_ =	sdelay $0x1  }
0xf5: {  	(erf) = vpow2.f32 v2;
	_ =	sdelay $0x1  }
0xf6: {  	v2 =	vpop (erf)  }
0xf7: {  	v2 =	vmul.f32 v1, v2  }
0xf8: {  	v3 =	vpop (erf)  }
0xf9: {  	[tilespmem:s24+$0x7A00] =	vst v4;
	v3 =	vmul.f32 v1, v3  }
0xfa: {  	[tilespmem:s25+$0x8E00] =	vst v2  }
0xfb: {  	[tilespmem:s25+$0x7A00] =	vst v2;
	v2 =	vpop (erf)  }
0xfc: {  	[tilespmem:s20+$0x8E00] =	vst v3;
	v2 =	vmul.f32 v1, v2  }
0xfd: {  	[tilespmem:s20+$0x7A00] =	vst v3;
	v3 =	vpop (erf)  }
0xfe: {  	[tilespmem:s10+$0x8E00] =	vst v2;
	v3 =	vmul.f32 v1, v3  }
0xff: {  	s25 =	sadd.s32 s16, s23;
	[tilespmem:s10+$0x7A00] =	vst v2  }
0x100: {  	s10 =	sshll.u32 s25, $0x4;
	[tilespmem:s13+$0x8E00] =	vst v3  }
0x101: {  	s10 =	sadd.s32 s9, s10;
	[tilespmem:s13+$0x7A00] =	vst v3  }
0x102: {  	[hbm4b:s10+s5] =	stream.linear.scatter [tilespmem:s18], [sflag:$0x3], $0x1400, $0x38;
	[tilespmem:$0x1DA80] =	vst v63  }
0x103: {  	_ =	swait.ge [sflag:s30], $0x1400  }
0x104: {  	[sflag:s30] =	ssyncset.done $0x0  }
0x105: {  	p1 =	seq.s32 s21, $0x7C;
	[sflag:s30] =	ssyncadd.s32 $0xFFFFEC00  }
0x106: {  	[spmem:s3] =	stream.indirect.scatter.add.f32 [tilespmem:s29], [sflag:$0x3], $0x80, s31, s0, $0xb8;
	[tilespmem:$0x1DA80] =	vst v63  }
0x107: {  	s10 =	sadd.s32 @!p1 s23, s28;
	_ =	swait.ge [sflag:s30], $0x1400  }
0x108: {  	s13 =	sshrl.u32 @!p1 s10, $0x3;
	[sflag:s30] =	ssyncset.done $0x0  }
0x109: {  	s15 =	simm.s32 @!p1 $0x0;
	s14 =	sadd.s32 @!p1 s6, s13;
	[sflag:s30] =	ssyncadd.s32 $0xFFFFEC00  }
0x10a: {  	[tilespmem:s15], [sflag:$0x3] =	stream.linear.gather @!p1 [hbm4b:s14+s15], $0x28, $0x38;
	[tilespmem:$0x1DA80] =	vst v63  }
0x10b: {  	s14 =	simm.s32 @!p1 $0x3  }
0x10c: {  	_ =	swait.ge @!p1 [sflag:s14], $0x28  }
0x10d: {  	[sflag:s14] =	ssyncset.done @!p1 $0x0  }
0x10e: {  	s20 =	simm.s32 @!p1 $0x80;
	s13 =	sadd.s32 @!p1 s7, s13;
	[sflag:s14] =	ssyncadd.s32 @!p1 $0xFFFFFFD8  }
0x10f: {  	[tilespmem:s20], [sflag:$0x3] =	stream.linear.gather @!p1 [hbm4b:s13+s15], $0x28, $0x38;
	[tilespmem:$0x1DA80] =	vst v63  }
0x110: {  	_ =	swait.ge @!p1 [sflag:s14], $0x28  }
0x111: {  	[sflag:s14] =	ssyncset.done @!p1 $0x0  }
0x112: {  	s13 =	simm.s32 @!p1 $0x28;
	[sflag:s14] =	ssyncadd.s32 @!p1 $0xFFFFFFD8;
	s14 =	simm.s32 @!p1 $0x100  }
0x113: {  	[tilespmem:s14], [sflag:$0x1] =	stream.indirect.gather @!p1 [hbm4b:s1+s13], $0x80, s15, s13, $0xb8;
	[tilespmem:$0x1DA80] =	vst v63  }
0x114: {  	s10 =	sshll.u32 @!p1 s10, $0x4;
	s14 =	simm.s32 @!p1 $0x1500  }
0x115: {  	[tilespmem:s14], [sflag:$0x1] =	stream.indirect.gather @!p1 [hbm4b:s8+s13], $0x80, s20, s13, $0xb8;
	[tilespmem:$0x1DA80] =	vst v63  }
0x116: {  	s10 =	sadd.s32 @!p1 s2, s10;
	s13 =	simm.s32 @!p1 $0x2900  }
0x117: {  	[tilespmem:s13], [sflag:$0x1] =	stream.linear.gather @!p1 [hbm4b:s10+s15], $0x1400, $0x38;
	[tilespmem:$0x1DA80] =	vst v63  }
0x118: {  	_ =	swait.ge [sflag:s19], $0x1400  }
0x119: {  	[sflag:s19] =	ssyncset.done $0x0  }
0x11a: {  	[sflag:s19] =	ssyncadd.s32 $0xFFFFEC00  }
0x11b: {  	_ =	swait.ge [sflag:s19], $0x1400  }
0x11c: {  	[sflag:s19] =	ssyncset.done $0x0  }
0x11d: {  	[sflag:s19] =	ssyncadd.s32 $0xFFFFEC00  }
0x11e: {  	_ =	swait.ge [sflag:s19], $0x1400  }
0x11f: {  	[sflag:s19] =	ssyncset.done $0x0  }
0x120: {  	s23 =	simm.s32 $0x0;
	[sflag:s19] =	ssyncadd.s32 $0xFFFFEC00  }
0x121: {  	v2 =	vld [tilespmem:s23+$0x3E00]  }
0x122: {  	v3 =	vld [tilespmem:s23+$0x5200];
	_ =	sdelay $0x1  }
0x123: {  	v4 =	vld [tilespmem:s23+$0x6600];
	_ =	sdelay $0x2  }
0x124: {  	v2 =	vadd.f32 v3, v2;
	_ =	sdelay $0x1  }
0x125: {  	v2 =	vadd.f32 v4, v2  }
0x126: {  	s24 =	simm.s32 $0x80  }
0x127: {  	v3 =	vld [tilespmem:s24+$0x3E00];
	v2 =	vmax.f32 v2, $-5.000000000e+00  }
0x128: {  	s20 =	simm.s32 $0x100;
	v4 =	vld [tilespmem:s24+$0x5200];
	v2 =	vmin.f32 v2, $5.000000000e+00  }
0x129: {  	v5 =	vld [tilespmem:s20+$0x3E00];
	v2 =	vadd.f32 $-5.000000000e+00, v2  }
0x12a: {  	v7 =	vld [tilespmem:s24+$0x6600]  }
0x12b: {  	v6 =	vld [tilespmem:s20+$0x5200];
	v2 =	vmul.f32 $1.442695020e+00, v2;
	_ =	sdelay $0x1  }
0x12c: {  	v8 =	vld [tilespmem:s20+$0x6600];
	(erf) = vpow2.f32 v2;
	v2 =	vadd.f32 v4, v3  }
0x12d: {  	s10 =	simm.s32 $0x180  }
0x12e: {  	v3 =	vld [tilespmem:s10+$0x3E00];
	v2 =	vadd.f32 v7, v2  }
0x12f: {  	v4 =	vadd.f32 v6, v5;
	v5 =	vld [tilespmem:s10+$0x5200]  }
0x130: {  	v2 =	vmax.f32 v2, $-5.000000000e+00  }
0x131: {  	v4 =	vadd.f32 v8, v4;
	v2 =	vmin.f32 v2, $5.000000000e+00  }
0x132: {  	v2 =	vadd.f32 $-5.000000000e+00, v2  }
0x133: {  	v6 =	vld [tilespmem:s10+$0x6600];
	v4 =	vmax.f32 v4, $-5.000000000e+00  }
0x134: {  	v4 =	vmin.f32 v4, $5.000000000e+00;
	v3 =	vadd.f32 v5, v3;
	v5 =	vmul.f32 $1.442695020e+00, v2  }
0x135: {  	v4 =	vadd.f32 $-5.000000000e+00, v4  }
0x136: {  	(erf) = vpow2.f32 v5  }
0x137: {  	s13 =	simm.s32 $0x200;
	v8 =	vmul.f32 $1.442695020e+00, v4  }
0x138: {  	v6 =	vadd.f32 v6, v3;
	v3 =	vld [tilespmem:s13+$0x5200];
	v7 =	vpop (erf)  }
0x139: {  	v2 =	vld [tilespmem:s13+$0x3E00];
	v4 =	vmul.f32 v1, v7;
	(erf) = vpow2.f32 v8;
	_ =	sdelay $0x1  }
0x13a: {  	s14 =	simm.s32 $0xA00;
	v6 =	vmax.f32 v6, $-5.000000000e+00;
	v5 =	vld [tilespmem:s13+$0x6600];
	[tilespmem:s23+$0x8E00] =	vst v4  }
.LBB2_9:
0x13b: {  	s15 =	sshra.s32 s14, $0x2  }
0x13c: {  	v6 =	vmin.f32 v6, $5.000000000e+00;
	[tilespmem:s23+$0x7A00] =	vst v4;
	s23 =	smov.u32 s24;
	s24 =	smov.u32 s20;
	p1 =	sne.s32 s14, $0x4E00  }
.Ltmp3:
0x13d: {  	s14 =	sadd.s32 $0x200, s14;
	v4 =	vadd.f32 v3, v2;
	v2 =	vld [tilespmem:s15+$0x3E00];
	v6 =	vadd.f32 $-5.000000000e+00, v6;
	(pc) =	sbr.rel @p1 .LBB2_9-.Ltmp3, $4  }
0x13e: {  	s20 =	smov.u32 s10;
	s10 =	smov.u32 s13;
	s13 =	smov.u32 s15;
	v3 =	vld [tilespmem:s15+$0x5200];
	v7 =	vpop (erf)  }
0x13f: {  	v8 =	vadd.f32 v5, v4;
	v9 =	vmul.f32 $1.442695020e+00, v6;
	v4 =	vmul.f32 v1, v7  }
0x140: {  	v5 =	vld [tilespmem:s13+$0x6600]  }
0x141: {  	v6 =	vmax.f32 v8, $-5.000000000e+00;
	(erf) = vpow2.f32 v9;
	[tilespmem:s23+$0x8E00] =	vst v4  }
0x142: {  	_ = 	snop  }
0x143: {  	v2 =	vadd.f32 v3, v2;
	_ =	sdelay $0x1  }
0x144: {  	v2 =	vadd.f32 v5, v2  }
0x145: {  	v3 =	vmin.f32 v6, $5.000000000e+00  }
0x146: {  	v3 =	vadd.f32 $-5.000000000e+00, v3;
	v2 =	vmax.f32 v2, $-5.000000000e+00  }
0x147: {  	v2 =	vmin.f32 v2, $5.000000000e+00  }
0x148: {  	v3 =	vmul.f32 $1.442695020e+00, v3;
	v2 =	vadd.f32 $-5.000000000e+00, v2;
	_ =	sdelay $0x1  }
0x149: {  	(erf) = vpow2.f32 v3;
	v2 =	vmul.f32 $1.442695020e+00, v2;
	_ =	sdelay $0x1  }
0x14a: {  	(erf) = vpow2.f32 v2;
	_ =	sdelay $0x1  }
0x14b: {  	v2 =	vpop (erf)  }
0x14c: {  	v2 =	vmul.f32 v1, v2  }
0x14d: {  	v3 =	vpop (erf)  }
0x14e: {  	[tilespmem:s23+$0x7A00] =	vst v4;
	v3 =	vmul.f32 v1, v3  }
0x14f: {  	[tilespmem:s24+$0x8E00] =	vst v2  }
0x150: {  	[tilespmem:s24+$0x7A00] =	vst v2;
	v2 =	vpop (erf)  }
0x151: {  	[tilespmem:s20+$0x8E00] =	vst v3;
	v2 =	vmul.f32 v1, v2  }
0x152: {  	[tilespmem:s20+$0x7A00] =	vst v3;
	v3 =	vpop (erf)  }
0x153: {  	[tilespmem:s10+$0x8E00] =	vst v2;
	v3 =	vmul.f32 v1, v3  }
0x154: {  	[tilespmem:s10+$0x7A00] =	vst v2  }
0x155: {  	[tilespmem:s13+$0x8E00] =	vst v3  }
0x156: {  	s25 =	sadd.s32 s9, s22;
	[tilespmem:s13+$0x7A00] =	vst v3  }
0x157: {  	[hbm4b:s25+s5] =	stream.linear.scatter [tilespmem:s18], [sflag:$0x3], $0x1400, $0x38;
	[tilespmem:$0x1DA80] =	vst v63  }
0x158: {  	s21 =	sadd.s32 $0x1, s21;
	_ =	swait.ge [sflag:s30], $0x1400  }
0x159: {  	p1 =	sne.s32 s21, $0x7D;
	[sflag:s30] =	ssyncset.done $0x0  }
.Ltmp4:
0x15a: {  	[sflag:s30] =	ssyncadd.s32 $0xFFFFEC00;
	(pc) =	sbr.rel @p1 .LBB2_6-.Ltmp4, $4  }
0x15b: {  	[spmem:s3] =	stream.indirect.scatter.add.f32 [tilespmem:s29], [sflag:$0x3], $0x80, s11, s0, $0xb8;
	[tilespmem:$0x1DA80] =	vst v63  }
0x15c: {  	_ =	swait.ge [sflag:s30], $0x1400  }
0x15d: {  	[sflag:s30] =	ssyncset.done $0x0  }
0x15e: {  	[sflag:s30] =	ssyncadd.s32 $0xFFFFEC00  }
0x15f: {  	s4 =	stileid.u32;
	[bflag:$0x0] =	sbarrier.arrive $0xFFFF  }
0x160: {  	s4 =	sshll.u32 @!p0 s4, $0x6;
	s10 =	rddreg [dreg:$0x5]  }
0x161: {  	s13 =	rddreg [dreg:$0x12];
	s4 =	sor.u32 @!p0 $0x1C03, s4;
	s10 =	sshrl.u32 @!p0 s10, $0x3  }
0x162: {  	[hbm:s13], [sflag:s4] =	dma.local @!p0 [spmem:s10], $0x3E80  }
0x163: {  	s4 =	simm.s32 @!p0 $0x3  }
0x164: {  	_ =	swait.ge @!p0 [sflag:s4], $0x3E80  }
0x165: {  	s24 =	sld [smem:$0x7FA];
	_ =	sdelay $0x2  }
0x166: {  	s25 =	rddreg [dreg:$0x13];
	s13 =	sadd.s32 $0x1, s24  }
0x167: {  	p1 =	sne.s32 s13, s25  }
.Ltmp5:
0x168: {  	_ = 	snop;
	(pc) =	sbr.rel @p1 .LBB2_1-.Ltmp5, $3  }
0x169: {  	_ =	sdelay $0x1  }
0x16a: {  	[sflag:s4] =	ssyncset.done @!p0 $0x0  }
0x16b: {  	[sflag:s4] =	ssyncadd.s32 @!p0 $0xFFFFC180  }
0x16c: {  	_ =	sfence.sel $0x180000  }
0x16d: {  	[bflag:$0x0] =	sbarrier.arrive $0xFFFF  }
0x16e: {  	_ =	strace $0x90000047  }
0x16f: {  	s0 =	stileid.u32;
	[bflag:$0x2] =	sbarrier.arrive $0xFFFF  }
0x170: {  	p0 =	sne.s32 s0, $0x0;
	s0 =	rddreg [dreg:$0x4]  }
0x171: {  	s0 =	sadd.s32 @!p0 $0x100000, s0  }
0x172: {  	[sflag:s0] =	ssyncadd.tile.s32 @!p0 $0x1;
	_ =	shalt  }
.Lfunc_end2:
_tile_overlayer_lowered:
.L_overlay_start_2:
0x173: {  	(tag) =	ssettag $0x2  }
0x174: {  	s0 =	rddreg [dreg:$0x0];
	s2 =	stileid.u32  }
0x175: {  	s1 =	rddreg [dreg:$0x1];
	p0 =	sne.s32 s2, $0x0  }
0x176: {  	s3 =	rddreg [dreg:$0x2];
	[bflag:$0x3] =	sbarrier.arrive $0xFFFF;
	s2 =	simm.s32 @!p0 $0x1C03  }
0x177: {  	[timem:s3], [sflag:s2] =	dma.local @!p0 [hbm:s0], s1  }
0x178: {  	s0 =	simm.s32 @!p0 $0x3  }
0x179: {  	_ =	swait.ge @!p0 [sflag:s0], s1  }
0x17a: {  	s1 =	ssub.s32 @!p0 $0x0, s1;
	[sflag:s0] =	ssyncset.done @!p0 $0x0  }
0x17b: {  	[sflag:s0] =	ssyncadd.s32 @!p0 s1  }
0x17c: {  	[bflag:$0x3] =	sbarrier.arrive $0xFFFF  }
0x17d: {  	_ =	shalt  }

</sc_bundles>
